<compile_context>
chip_gen: v7x
topology: tpu7x:2x2x1
jax: 0.10.2.dev20260603
libtpu: 0.0.44.dev20260713+nightly
codegen_flags: <defaults>
</compile_context>

<pallas_src>
import functools

import jax
import jax.numpy as jnp
from jax import lax
from jax.experimental import pallas as pl
from jax.experimental.pallas import tpu as pltpu
from jax.experimental.pallas import tpu_sc as plsc

VMIN = -5.0
VMAX = 5.0
N_KNOTS = 100
INT_LENGTH = (VMAX - VMIN) / (N_KNOTS - 1)
INV_H = 1.0 / INT_LENGTH
BATCH = 1000000

NC, NS, L = 2, 16, 16
NW = NC * NS
ROWS = BATCH // L
CHUNK_R = ROWS // NW
TAIL_R = ROWS - NW * CHUNK_R
TPAD = 112


def _pwl_body(eps_hbm, b_hbm, pts_hbm, p_hbm, out_hbm,
              eps_v, out_v, pts_v, w_v, db_v, tmp_v, pp_v, b_v, sem):
    wid = lax.axis_index("s") * NC + lax.axis_index("c")
    lane = lax.iota(jnp.int32, L)
    zero16 = lane * 0

    pltpu.sync_copy(pts_hbm, pts_v)
    pltpu.sync_copy(p_hbm, pp_v)
    pltpu.sync_copy(b_hbm, b_v)
    b_s = b_v[...][0]

    base = wid * CHUNK_R
    cp = pltpu.async_copy(eps_hbm.at[0, pl.ds(base * L, CHUNK_R * L)],
                          eps_v.at[pl.ds(0, CHUNK_R * L)], sem)

    for c in range(TPAD // L):
        w_v[pl.ds(c * L, L)] = jnp.exp(pp_v[pl.ds(c * L, L)]) + 0.001

    for c in range(TPAD // L):
        v = INT_LENGTH * w_v[pl.ds(c * L, L)]
        if c == 0:
            v = jnp.where(lane == 0, b_s, v)
        tmp_v[pl.ds(c * L, L)] = v
    src, dst = tmp_v, db_v
    s = 1
    while s < TPAD:
        for c in range(TPAD // L):
            gi = lane + c * L
            g = plsc.load_gather(src, [jnp.maximum(gi - s, 0)])
            dst[pl.ds(c * L, L)] = src[pl.ds(c * L, L)] + jnp.where(gi >= s, g, 0.0)
        src, dst = dst, src
        s *= 2

    cp.wait()

    def compute(i):
        ei = lane + i * L
        e = plsc.load_gather(eps_v, [ei])
        raw = jnp.minimum(jnp.maximum((e - VMIN) * INV_H, 0.0), 99.0)
        gidx = jnp.minimum(raw.astype(jnp.int32), 99)
        p0 = plsc.load_gather(pts_v, [gidx])
        p1 = plsc.load_gather(pts_v, [gidx + 1])
        idx = (gidx + jnp.where(e >= p0, 1, 0)) + jnp.where(e >= p1, 1, 0)
        sidx = jnp.maximum(idx - 1, 0)
        w = plsc.load_gather(w_v, [idx])
        sp = plsc.load_gather(pts_v, [sidx])
        db = plsc.load_gather(db_v, [sidx])
        plsc.store_scatter(out_v, [ei], (e - sp) * w + db)

    plsc.parallel_loop(0, CHUNK_R, 1, unroll=8)(compute)

    @pl.when(wid == NW - 1)
    def _tail():
        pltpu.sync_copy(eps_hbm.at[0, pl.ds(NW * CHUNK_R * L, TAIL_R * L)],
                        eps_v.at[pl.ds(CHUNK_R * L, TAIL_R * L)])
        for t in range(TAIL_R):
            compute(CHUNK_R + t)
        pltpu.sync_copy(out_v.at[pl.ds(CHUNK_R * L, TAIL_R * L)],
                        out_hbm.at[0, pl.ds(NW * CHUNK_R * L, TAIL_R * L)])

    pltpu.sync_copy(out_v.at[pl.ds(0, CHUNK_R * L)],
                    out_hbm.at[0, pl.ds(base * L, CHUNK_R * L)])


@jax.jit
def _pwl(eps, b_pad, pts_pad, p_pad):
    mesh = plsc.VectorSubcoreMesh(core_axis_name="c", subcore_axis_name="s")
    f = functools.partial(
        pl.kernel,
        mesh=mesh,
        out_type=jax.ShapeDtypeStruct((1, BATCH), jnp.float32),
        compiler_params=pltpu.CompilerParams(needs_layout_passes=False,
                                             use_tc_tiling_on_sc=False),
        scratch_types=[
            pltpu.VMEM(((CHUNK_R + TAIL_R) * L,), jnp.float32),
            pltpu.VMEM(((CHUNK_R + TAIL_R) * L,), jnp.float32),
            pltpu.VMEM((TPAD,), jnp.float32),
            pltpu.VMEM((TPAD,), jnp.float32),
            pltpu.VMEM((TPAD,), jnp.float32),
            pltpu.VMEM((TPAD,), jnp.float32),
            pltpu.VMEM((TPAD,), jnp.float32),
            pltpu.VMEM((L,), jnp.float32),
            pltpu.SemaphoreType.DMA,
        ],
    )(_pwl_body)
    return f(eps, b_pad, pts_pad, p_pad)


def kernel(eps, b, points, p):
    pts_pad = jnp.pad(points.reshape(-1), (0, TPAD - N_KNOTS),
                      constant_values=1e30)
    p_pad = jnp.pad(p, (0, TPAD - (N_KNOTS + 1)))
    b_pad = jnp.pad(b, (0, L - 1))
    return _pwl(eps.T, b_pad, pts_pad, p_pad).T

# --- scband reference (transcript-rebuilt; emitter-appended) ---
"""Pipeline reference for scband-invertible-pwl-9440338116747 (READ-ONLY COPY).

The authoritative reference and input builder live on the scoring server;
editing this copy changes nothing except your own understanding.
"""

import jax, jax.numpy as jnp
import numpy as np

VMIN = -5.0
VMAX = 5.0
N_KNOTS = 100
INT_LENGTH = (VMAX - VMIN) / (N_KNOTS - 1)
BATCH = 1000000


def to_positive(x):
    return jnp.exp(x) + 0.001


def setup_inputs(seed: int = 0) -> dict:
    key = jax.random.key(seed)
    k1, k2, k3 = jax.random.split(key, 3)
    eps = jax.random.normal(k1, (BATCH, 1), dtype=jnp.float32)
    b = jax.random.normal(k2, (1,), dtype=jnp.float32) + VMIN
    points = jnp.asarray(np.linspace(VMIN, VMAX, N_KNOTS).astype('float32')).reshape(1, N_KNOTS)
    p = jax.random.normal(k3, (N_KNOTS + 1,), dtype=jnp.float32) / 5.0
    return {"eps": eps, "b": b, "points": points, "p": p}


def reference(eps, b, points, p):
    n = N_KNOTS
    # delta_h = int_length * to_positive(p[1:n]).detach()
    delta_h = INT_LENGTH * jax.lax.stop_gradient(to_positive(p[1:n]))
    # delta_bias[0] = b; delta_bias[i+1] = delta_bias[i] + delta_h[i]  (loop -> cumsum)
    prefix = jnp.concatenate([jnp.zeros((1,), dtype=eps.dtype), jnp.cumsum(delta_h)])
    delta_bias = b[0] + prefix  # shape [n]; gradient flows to b only
    # index = sum((eps - points) >= 0, axis=1)  -- histogram-style binning
    index = jnp.sum((eps - points >= 0).astype(jnp.int32), axis=1)
    start_idx = jnp.maximum(index - 1, 0)
    db = delta_bias[start_idx]
    start_points = jax.lax.stop_gradient(jnp.squeeze(points)[start_idx])
    w = to_positive(p[index])
    out = (eps - start_points[:, None]) * w[:, None] + db[:, None]
    return out

if __name__ == "__main__":
    import jax
    _d = setup_inputs()
    print(jax.jit(kernel)(*tuple(_d.values())))

</pallas_src>

<mosaic_0001>
#map = affine_map<(d0, d1) -> (0, 0)>
#map1 = affine_map<(d0, d1) -> (0)>
module attributes {stable_mosaic.version = 14 : i64} {
  func.func @_pwl_body(%arg0: i32, %arg1: i32, %arg2: memref<1x1000000xf32, #tpu.memory_space<hbm>>, %arg3: memref<16xf32, #tpu.memory_space<hbm>>, %arg4: memref<112xf32, #tpu.memory_space<hbm>>, %arg5: memref<112xf32, #tpu.memory_space<hbm>>, %arg6: memref<1x1000000xf32, #tpu.memory_space<hbm>>, %arg7: memref<31312xf32, #tpu.memory_space<vmem>>, %arg8: memref<31312xf32, #tpu.memory_space<vmem>>, %arg9: memref<112xf32, #tpu.memory_space<vmem>>, %arg10: memref<112xf32, #tpu.memory_space<vmem>>, %arg11: memref<112xf32, #tpu.memory_space<vmem>>, %arg12: memref<112xf32, #tpu.memory_space<vmem>>, %arg13: memref<112xf32, #tpu.memory_space<vmem>>, %arg14: memref<16xf32, #tpu.memory_space<vmem>>, %arg15: memref<!tpu.dma_semaphore, #tpu.memory_space<semaphore_mem>>) attributes {dimension_semantics = [#tpu.dimension_semantics<core_parallel>, #tpu.dimension_semantics<subcore_parallel>], iteration_bounds = array<i64: 2, 16>, scalar_prefetch = 0 : i64, scratch_operands = 9 : i64, tpu.core_type = #tpu.core_type<sc_vector_subcore>, window_params = [{transform_indices = #map}, {transform_indices = #map1}, {transform_indices = #map1}, {transform_indices = #map1}, {transform_indices = #map}]} {
    %mul3A = arith.constant 2 : i32
    %mul3A_0 = arith.muli %arg1, %mul3A : i32
    %add3A = arith.addi %mul3A_0, %arg0 : i32
    %iota3A = tpu.iota {dimensions = array<i32: 0>} : vector<16xi32>
    %mul3A_1 = arith.constant 0 : i32
    %mul3A_2 = vector.broadcast %mul3A_1 : i32 to vector<16xi32>
    %mul3A_3 = arith.muli %iota3A, %mul3A_2 : vector<16xi32>
    "tpu.region"() ({
      %run_scoped3A_1161 = tpu.sem_alloc : memref<!tpu.dma_semaphore, #tpu.memory_space<semaphore_mem>>
      tpu.enqueue_dma source(%arg4 : memref<112xf32, #tpu.memory_space<hbm>>) target(%arg9 : memref<112xf32, #tpu.memory_space<vmem>>) target_semaphore(%run_scoped3A_1161 : memref<!tpu.dma_semaphore, #tpu.memory_space<semaphore_mem>>)
      tpu.wait_dma2 semaphore(%run_scoped3A_1161 : memref<!tpu.dma_semaphore, #tpu.memory_space<semaphore_mem>>) src(%arg4 : memref<112xf32, #tpu.memory_space<hbm>>) dst(%arg9 : memref<112xf32, #tpu.memory_space<vmem>>)
      tpu.yield
    }) : () -> ()
    "tpu.region"() ({
      %run_scoped3A_1161 = tpu.sem_alloc : memref<!tpu.dma_semaphore, #tpu.memory_space<semaphore_mem>>
      tpu.enqueue_dma source(%arg5 : memref<112xf32, #tpu.memory_space<hbm>>) target(%arg13 : memref<112xf32, #tpu.memory_space<vmem>>) target_semaphore(%run_scoped3A_1161 : memref<!tpu.dma_semaphore, #tpu.memory_space<semaphore_mem>>)
      tpu.wait_dma2 semaphore(%run_scoped3A_1161 : memref<!tpu.dma_semaphore, #tpu.memory_space<semaphore_mem>>) src(%arg5 : memref<112xf32, #tpu.memory_space<hbm>>) dst(%arg13 : memref<112xf32, #tpu.memory_space<vmem>>)
      tpu.yield
    }) : () -> ()
    "tpu.region"() ({
      %run_scoped3A_1161 = tpu.sem_alloc : memref<!tpu.dma_semaphore, #tpu.memory_space<semaphore_mem>>
      tpu.enqueue_dma source(%arg3 : memref<16xf32, #tpu.memory_space<hbm>>) target(%arg14 : memref<16xf32, #tpu.memory_space<vmem>>) target_semaphore(%run_scoped3A_1161 : memref<!tpu.dma_semaphore, #tpu.memory_space<semaphore_mem>>)
      tpu.wait_dma2 semaphore(%run_scoped3A_1161 : memref<!tpu.dma_semaphore, #tpu.memory_space<semaphore_mem>>) src(%arg3 : memref<16xf32, #tpu.memory_space<hbm>>) dst(%arg14 : memref<16xf32, #tpu.memory_space<vmem>>)
      tpu.yield
    }) : () -> ()
    %get3A = arith.constant 0 : index
    %get3A_4 = tpu.vector_load %arg14[%get3A] {strides = array<i32>} : memref<16xf32, #tpu.memory_space<vmem>>, vector<16xf32>,
    %slice3A = vector.extract_strided_slice %get3A_4 {offsets = [0], sizes = [1], strides = [1]} : vector<16xf32> to vector<1xf32>
    %squeeze3A = vector.extract %slice3A[0] : f32 from vector<1xf32>
    %mul3A_5 = arith.constant 1953 : i32
    %mul3A_6 = arith.muli %add3A, %mul3A_5 : i32
    %mul3A_7 = arith.constant 16 : i32
    %mul3A_8 = arith.muli %mul3A_6, %mul3A_7 : i32
    %dma_start3A = arith.constant 0 : i32
    %dma_start3A_9 = arith.constant 0 : i32
    %dma_start3A_10 = tpu.memref_slice %arg7[%dma_start3A_9] : memref<31312xf32, #tpu.memory_space<vmem>> -> memref<31248xf32, #tpu.memory_space<vmem>>
    %dma_start3A_11 = tpu.memref_slice %arg2[%dma_start3A, %mul3A_8] : memref<1x1000000xf32, #tpu.memory_space<hbm>> -> memref<1x31248xf32, #tpu.memory_space<hbm>>
    %dma_start3A_12 = tpu.memref_squeeze %dma_start3A_11 : memref<1x31248xf32, #tpu.memory_space<hbm>> -> memref<31248xf32, #tpu.memory_space<hbm>>
    %dma_start3A_13 = arith.constant 0 : i32
    %dma_start3A_14 = tpu.memref_slice %arg7[%dma_start3A_13] : memref<31312xf32, #tpu.memory_space<vmem>> -> memref<31248xf32, #tpu.memory_space<vmem>>
    %dma_start3A_15 = tpu.memref_slice %arg2[%dma_start3A, %mul3A_8] : memref<1x1000000xf32, #tpu.memory_space<hbm>> -> memref<1x31248xf32, #tpu.memory_space<hbm>>
    %dma_start3A_16 = tpu.memref_squeeze %dma_start3A_15 : memref<1x31248xf32, #tpu.memory_space<hbm>> -> memref<31248xf32, #tpu.memory_space<hbm>>
    tpu.enqueue_dma source(%dma_start3A_16 : memref<31248xf32, #tpu.memory_space<hbm>>) target(%dma_start3A_14 : memref<31248xf32, #tpu.memory_space<vmem>>) target_semaphore(%arg15 : memref<!tpu.dma_semaphore, #tpu.memory_space<semaphore_mem>>)
    %get3A_17 = arith.constant 0 : index
    %get3A_18 = tpu.vector_load %arg13[%get3A_17] {strides = array<i32>} : memref<112xf32, #tpu.memory_space<vmem>>, vector<16xf32>,
    %exp3A = math.exp %get3A_18 : vector<16xf32>
    %add3A_19 = arith.constant 1.000000e-03 : f32
    %add3A_20 = vector.broadcast %add3A_19 : f32 to vector<16xf32>
    %add3A_21 = arith.addf %exp3A, %add3A_20 : vector<16xf32>
    %swap3A = arith.constant 0 : index
    %swap3A_22 = tpu.vector_load %arg10[%swap3A] {strides = array<i32>} : memref<112xf32, #tpu.memory_space<vmem>>, vector<16xf32>,
    tpu.vector_store %arg10[%swap3A], %add3A_21 {strides = array<i32>} : memref<112xf32, #tpu.memory_space<vmem>>, vector<16xf32>,
    %get3A_23 = arith.constant 16 : index
    %get3A_24 = tpu.vector_load %arg13[%get3A_23] {strides = array<i32>} : memref<112xf32, #tpu.memory_space<vmem>>, vector<16xf32>,
    %exp3A_25 = math.exp %get3A_24 : vector<16xf32>
    %add3A_26 = arith.constant 1.000000e-03 : f32
    %add3A_27 = vector.broadcast %add3A_26 : f32 to vector<16xf32>
    %add3A_28 = arith.addf %exp3A_25, %add3A_27 : vector<16xf32>
    %swap3A_29 = arith.constant 16 : index
    %swap3A_30 = tpu.vector_load %arg10[%swap3A_29] {strides = array<i32>} : memref<112xf32, #tpu.memory_space<vmem>>, vector<16xf32>,
    tpu.vector_store %arg10[%swap3A_29], %add3A_28 {strides = array<i32>} : memref<112xf32, #tpu.memory_space<vmem>>, vector<16xf32>,
    %get3A_31 = arith.constant 32 : index
    %get3A_32 = tpu.vector_load %arg13[%get3A_31] {strides = array<i32>} : memref<112xf32, #tpu.memory_space<vmem>>, vector<16xf32>,
    %exp3A_33 = math.exp %get3A_32 : vector<16xf32>
    %add3A_34 = arith.constant 1.000000e-03 : f32
    %add3A_35 = vector.broadcast %add3A_34 : f32 to vector<16xf32>
    %add3A_36 = arith.addf %exp3A_33, %add3A_35 : vector<16xf32>
    %swap3A_37 = arith.constant 32 : index
    %swap3A_38 = tpu.vector_load %arg10[%swap3A_37] {strides = array<i32>} : memref<112xf32, #tpu.memory_space<vmem>>, vector<16xf32>,
    tpu.vector_store %arg10[%swap3A_37], %add3A_36 {strides = array<i32>} : memref<112xf32, #tpu.memory_space<vmem>>, vector<16xf32>,
    %get3A_39 = arith.constant 48 : index
    %get3A_40 = tpu.vector_load %arg13[%get3A_39] {strides = array<i32>} : memref<112xf32, #tpu.memory_space<vmem>>, vector<16xf32>,
    %exp3A_41 = math.exp %get3A_40 : vector<16xf32>
    %add3A_42 = arith.constant 1.000000e-03 : f32
    %add3A_43 = vector.broadcast %add3A_42 : f32 to vector<16xf32>
    %add3A_44 = arith.addf %exp3A_41, %add3A_43 : vector<16xf32>
    %swap3A_45 = arith.constant 48 : index
    %swap3A_46 = tpu.vector_load %arg10[%swap3A_45] {strides = array<i32>} : memref<112xf32, #tpu.memory_space<vmem>>, vector<16xf32>,
    tpu.vector_store %arg10[%swap3A_45], %add3A_44 {strides = array<i32>} : memref<112xf32, #tpu.memory_space<vmem>>, vector<16xf32>,
    %get3A_47 = arith.constant 64 : index
    %get3A_48 = tpu.vector_load %arg13[%get3A_47] {strides = array<i32>} : memref<112xf32, #tpu.memory_space<vmem>>, vector<16xf32>,
    %exp3A_49 = math.exp %get3A_48 : vector<16xf32>
    %add3A_50 = arith.constant 1.000000e-03 : f32
    %add3A_51 = vector.broadcast %add3A_50 : f32 to vector<16xf32>
    %add3A_52 = arith.addf %exp3A_49, %add3A_51 : vector<16xf32>
    %swap3A_53 = arith.constant 64 : index
    %swap3A_54 = tpu.vector_load %arg10[%swap3A_53] {strides = array<i32>} : memref<112xf32, #tpu.memory_space<vmem>>, vector<16xf32>,
    tpu.vector_store %arg10[%swap3A_53], %add3A_52 {strides = array<i32>} : memref<112xf32, #tpu.memory_space<vmem>>, vector<16xf32>,
    %get3A_55 = arith.constant 80 : index
    %get3A_56 = tpu.vector_load %arg13[%get3A_55] {strides = array<i32>} : memref<112xf32, #tpu.memory_space<vmem>>, vector<16xf32>,
    %exp3A_57 = math.exp %get3A_56 : vector<16xf32>
    %add3A_58 = arith.constant 1.000000e-03 : f32
    %add3A_59 = vector.broadcast %add3A_58 : f32 to vector<16xf32>
    %add3A_60 = arith.addf %exp3A_57, %add3A_59 : vector<16xf32>
    %swap3A_61 = arith.constant 80 : index
    %swap3A_62 = tpu.vector_load %arg10[%swap3A_61] {strides = array<i32>} : memref<112xf32, #tpu.memory_space<vmem>>, vector<16xf32>,
    tpu.vector_store %arg10[%swap3A_61], %add3A_60 {strides = array<i32>} : memref<112xf32, #tpu.memory_space<vmem>>, vector<16xf32>,
    %get3A_63 = arith.constant 96 : index
    %get3A_64 = tpu.vector_load %arg13[%get3A_63] {strides = array<i32>} : memref<112xf32, #tpu.memory_space<vmem>>, vector<16xf32>,
    %exp3A_65 = math.exp %get3A_64 : vector<16xf32>
    %add3A_66 = arith.constant 1.000000e-03 : f32
    %add3A_67 = vector.broadcast %add3A_66 : f32 to vector<16xf32>
    %add3A_68 = arith.addf %exp3A_65, %add3A_67 : vector<16xf32>
    %swap3A_69 = arith.constant 96 : index
    %swap3A_70 = tpu.vector_load %arg10[%swap3A_69] {strides = array<i32>} : memref<112xf32, #tpu.memory_space<vmem>>, vector<16xf32>,
    tpu.vector_store %arg10[%swap3A_69], %add3A_68 {strides = array<i32>} : memref<112xf32, #tpu.memory_space<vmem>>, vector<16xf32>,
    %get3A_71 = arith.constant 0 : index
    %get3A_72 = tpu.vector_load %arg10[%get3A_71] {strides = array<i32>} : memref<112xf32, #tpu.memory_space<vmem>>, vector<16xf32>,
    %mul3A_73 = arith.constant 0.101010099 : f32
    %mul3A_74 = vector.broadcast %mul3A_73 : f32 to vector<16xf32>
    %mul3A_75 = arith.mulf %mul3A_74, %get3A_72 : vector<16xf32>
    %eq3A = arith.constant 0 : i32
    %eq3A_76 = vector.broadcast %eq3A : i32 to vector<16xi32>
    %eq3A_77 = arith.cmpi eq, %iota3A, %eq3A_76 : vector<16xi32>
    %broadcast_in_dim3A = vector.broadcast %squeeze3A : f32 to vector<16xf32>
    %select_n3A = arith.select %eq3A_77, %broadcast_in_dim3A, %mul3A_75 : vector<16xi1>, vector<16xf32>
    %swap3A_78 = arith.constant 0 : index
    %swap3A_79 = tpu.vector_load %arg12[%swap3A_78] {strides = array<i32>} : memref<112xf32, #tpu.memory_space<vmem>>, vector<16xf32>,
    tpu.vector_store %arg12[%swap3A_78], %select_n3A {strides = array<i32>} : memref<112xf32, #tpu.memory_space<vmem>>, vector<16xf32>,
    %get3A_80 = arith.constant 16 : index
    %get3A_81 = tpu.vector_load %arg10[%get3A_80] {strides = array<i32>} : memref<112xf32, #tpu.memory_space<vmem>>, vector<16xf32>,
    %mul3A_82 = arith.constant 0.101010099 : f32
    %mul3A_83 = vector.broadcast %mul3A_82 : f32 to vector<16xf32>
    %mul3A_84 = arith.mulf %mul3A_83, %get3A_81 : vector<16xf32>
    %swap3A_85 = arith.constant 16 : index
    %swap3A_86 = tpu.vector_load %arg12[%swap3A_85] {strides = array<i32>} : memref<112xf32, #tpu.memory_space<vmem>>, vector<16xf32>,
    tpu.vector_store %arg12[%swap3A_85], %mul3A_84 {strides = array<i32>} : memref<112xf32, #tpu.memory_space<vmem>>, vector<16xf32>,
    %get3A_87 = arith.constant 32 : index
    %get3A_88 = tpu.vector_load %arg10[%get3A_87] {strides = array<i32>} : memref<112xf32, #tpu.memory_space<vmem>>, vector<16xf32>,
    %mul3A_89 = arith.constant 0.101010099 : f32
    %mul3A_90 = vector.broadcast %mul3A_89 : f32 to vector<16xf32>
    %mul3A_91 = arith.mulf %mul3A_90, %get3A_88 : vector<16xf32>
    %swap3A_92 = arith.constant 32 : index
    %swap3A_93 = tpu.vector_load %arg12[%swap3A_92] {strides = array<i32>} : memref<112xf32, #tpu.memory_space<vmem>>, vector<16xf32>,
    tpu.vector_store %arg12[%swap3A_92], %mul3A_91 {strides = array<i32>} : memref<112xf32, #tpu.memory_space<vmem>>, vector<16xf32>,
    %get3A_94 = arith.constant 48 : index
    %get3A_95 = tpu.vector_load %arg10[%get3A_94] {strides = array<i32>} : memref<112xf32, #tpu.memory_space<vmem>>, vector<16xf32>,
    %mul3A_96 = arith.constant 0.101010099 : f32
    %mul3A_97 = vector.broadcast %mul3A_96 : f32 to vector<16xf32>
    %mul3A_98 = arith.mulf %mul3A_97, %get3A_95 : vector<16xf32>
    %swap3A_99 = arith.constant 48 : index
    %swap3A_100 = tpu.vector_load %arg12[%swap3A_99] {strides = array<i32>} : memref<112xf32, #tpu.memory_space<vmem>>, vector<16xf32>,
    tpu.vector_store %arg12[%swap3A_99], %mul3A_98 {strides = array<i32>} : memref<112xf32, #tpu.memory_space<vmem>>, vector<16xf32>,
    %get3A_101 = arith.constant 64 : index
    %get3A_102 = tpu.vector_load %arg10[%get3A_101] {strides = array<i32>} : memref<112xf32, #tpu.memory_space<vmem>>, vector<16xf32>,
    %mul3A_103 = arith.constant 0.101010099 : f32
    %mul3A_104 = vector.broadcast %mul3A_103 : f32 to vector<16xf32>
    %mul3A_105 = arith.mulf %mul3A_104, %get3A_102 : vector<16xf32>
    %swap3A_106 = arith.constant 64 : index
    %swap3A_107 = tpu.vector_load %arg12[%swap3A_106] {strides = array<i32>} : memref<112xf32, #tpu.memory_space<vmem>>, vector<16xf32>,
    tpu.vector_store %arg12[%swap3A_106], %mul3A_105 {strides = array<i32>} : memref<112xf32, #tpu.memory_space<vmem>>, vector<16xf32>,
    %get3A_108 = arith.constant 80 : index
    %get3A_109 = tpu.vector_load %arg10[%get3A_108] {strides = array<i32>} : memref<112xf32, #tpu.memory_space<vmem>>, vector<16xf32>,
    %mul3A_110 = arith.constant 0.101010099 : f32
    %mul3A_111 = vector.broadcast %mul3A_110 : f32 to vector<16xf32>
    %mul3A_112 = arith.mulf %mul3A_111, %get3A_109 : vector<16xf32>
    %swap3A_113 = arith.constant 80 : index
    %swap3A_114 = tpu.vector_load %arg12[%swap3A_113] {strides = array<i32>} : memref<112xf32, #tpu.memory_space<vmem>>, vector<16xf32>,
    tpu.vector_store %arg12[%swap3A_113], %mul3A_112 {strides = array<i32>} : memref<112xf32, #tpu.memory_space<vmem>>, vector<16xf32>,
    %get3A_115 = arith.constant 96 : index
    %get3A_116 = tpu.vector_load %arg10[%get3A_115] {strides = array<i32>} : memref<112xf32, #tpu.memory_space<vmem>>, vector<16xf32>,
    %mul3A_117 = arith.constant 0.101010099 : f32
    %mul3A_118 = vector.broadcast %mul3A_117 : f32 to vector<16xf32>
    %mul3A_119 = arith.mulf %mul3A_118, %get3A_116 : vector<16xf32>
    %swap3A_120 = arith.constant 96 : index
    %swap3A_121 = tpu.vector_load %arg12[%swap3A_120] {strides = array<i32>} : memref<112xf32, #tpu.memory_space<vmem>>, vector<16xf32>,
    tpu.vector_store %arg12[%swap3A_120], %mul3A_119 {strides = array<i32>} : memref<112xf32, #tpu.memory_space<vmem>>, vector<16xf32>,
    %add3A_122 = arith.constant 0 : i32
    %add3A_123 = vector.broadcast %add3A_122 : i32 to vector<16xi32>
    %add3A_124 = arith.addi %iota3A, %add3A_123 : vector<16xi32>
    %sub3A = arith.constant 1 : i32
    %sub3A_125 = vector.broadcast %sub3A : i32 to vector<16xi32>
    %sub3A_126 = arith.subi %add3A_124, %sub3A_125 : vector<16xi32>
    %max3A = arith.constant 0 : i32
    %max3A_127 = vector.broadcast %max3A : i32 to vector<16xi32>
    %max3A_128 = arith.maxsi %sub3A_126, %max3A_127 : vector<16xi32>
    %gather3A = tpu.vector_load_idx %arg12[%max3A_128] : memref<112xf32, #tpu.memory_space<vmem>>[vector<16xi32>], vector<16xf32>,
    %get3A_129 = arith.constant 0 : index
    %get3A_130 = tpu.vector_load %arg12[%get3A_129] {strides = array<i32>} : memref<112xf32, #tpu.memory_space<vmem>>, vector<16xf32>,
    %ge3A = arith.constant 1 : i32
    %ge3A_131 = vector.broadcast %ge3A : i32 to vector<16xi32>
    %ge3A_132 = arith.cmpi sge, %add3A_124, %ge3A_131 : vector<16xi32>
    %jit3A = arith.constant 0.000000e+00 : f32
    %broadcast_in_dim3A_133 = vector.broadcast %jit3A : f32 to vector<16xf32>
    %select_n3A_134 = arith.select %ge3A_132, %gather3A, %broadcast_in_dim3A_133 : vector<16xi1>, vector<16xf32>
    %add3A_135 = arith.addf %get3A_130, %select_n3A_134 : vector<16xf32>
    %swap3A_136 = arith.constant 0 : index
    %swap3A_137 = tpu.vector_load %arg11[%swap3A_136] {strides = array<i32>} : memref<112xf32, #tpu.memory_space<vmem>>, vector<16xf32>,
    tpu.vector_store %arg11[%swap3A_136], %add3A_135 {strides = array<i32>} : memref<112xf32, #tpu.memory_space<vmem>>, vector<16xf32>,
    %add3A_138 = arith.constant 16 : i32
    %add3A_139 = vector.broadcast %add3A_138 : i32 to vector<16xi32>
    %add3A_140 = arith.addi %iota3A, %add3A_139 : vector<16xi32>
    %sub3A_141 = arith.constant 1 : i32
    %sub3A_142 = vector.broadcast %sub3A_141 : i32 to vector<16xi32>
    %sub3A_143 = arith.subi %add3A_140, %sub3A_142 : vector<16xi32>
    %max3A_144 = arith.constant 0 : i32
    %max3A_145 = vector.broadcast %max3A_144 : i32 to vector<16xi32>
    %max3A_146 = arith.maxsi %sub3A_143, %max3A_145 : vector<16xi32>
    %gather3A_147 = tpu.vector_load_idx %arg12[%max3A_146] : memref<112xf32, #tpu.memory_space<vmem>>[vector<16xi32>], vector<16xf32>,
    %get3A_148 = arith.constant 16 : index
    %get3A_149 = tpu.vector_load %arg12[%get3A_148] {strides = array<i32>} : memref<112xf32, #tpu.memory_space<vmem>>, vector<16xf32>,
    %ge3A_150 = arith.constant 1 : i32
    %ge3A_151 = vector.broadcast %ge3A_150 : i32 to vector<16xi32>
    %ge3A_152 = arith.cmpi sge, %add3A_140, %ge3A_151 : vector<16xi32>
    %jit3A_153 = arith.constant 0.000000e+00 : f32
    %broadcast_in_dim3A_154 = vector.broadcast %jit3A_153 : f32 to vector<16xf32>
    %select_n3A_155 = arith.select %ge3A_152, %gather3A_147, %broadcast_in_dim3A_154 : vector<16xi1>, vector<16xf32>
    %add3A_156 = arith.addf %get3A_149, %select_n3A_155 : vector<16xf32>
    %swap3A_157 = arith.constant 16 : index
    %swap3A_158 = tpu.vector_load %arg11[%swap3A_157] {strides = array<i32>} : memref<112xf32, #tpu.memory_space<vmem>>, vector<16xf32>,
    tpu.vector_store %arg11[%swap3A_157], %add3A_156 {strides = array<i32>} : memref<112xf32, #tpu.memory_space<vmem>>, vector<16xf32>,
    %add3A_159 = arith.constant 32 : i32
    %add3A_160 = vector.broadcast %add3A_159 : i32 to vector<16xi32>
    %add3A_161 = arith.addi %iota3A, %add3A_160 : vector<16xi32>
    %sub3A_162 = arith.constant 1 : i32
    %sub3A_163 = vector.broadcast %sub3A_162 : i32 to vector<16xi32>
    %sub3A_164 = arith.subi %add3A_161, %sub3A_163 : vector<16xi32>
    %max3A_165 = arith.constant 0 : i32
    %max3A_166 = vector.broadcast %max3A_165 : i32 to vector<16xi32>
    %max3A_167 = arith.maxsi %sub3A_164, %max3A_166 : vector<16xi32>
    %gather3A_168 = tpu.vector_load_idx %arg12[%max3A_167] : memref<112xf32, #tpu.memory_space<vmem>>[vector<16xi32>], vector<16xf32>,
    %get3A_169 = arith.constant 32 : index
    %get3A_170 = tpu.vector_load %arg12[%get3A_169] {strides = array<i32>} : memref<112xf32, #tpu.memory_space<vmem>>, vector<16xf32>,
    %ge3A_171 = arith.constant 1 : i32
    %ge3A_172 = vector.broadcast %ge3A_171 : i32 to vector<16xi32>
    %ge3A_173 = arith.cmpi sge, %add3A_161, %ge3A_172 : vector<16xi32>
    %jit3A_174 = arith.constant 0.000000e+00 : f32
    %broadcast_in_dim3A_175 = vector.broadcast %jit3A_174 : f32 to vector<16xf32>
    %select_n3A_176 = arith.select %ge3A_173, %gather3A_168, %broadcast_in_dim3A_175 : vector<16xi1>, vector<16xf32>
    %add3A_177 = arith.addf %get3A_170, %select_n3A_176 : vector<16xf32>
    %swap3A_178 = arith.constant 32 : index
    %swap3A_179 = tpu.vector_load %arg11[%swap3A_178] {strides = array<i32>} : memref<112xf32, #tpu.memory_space<vmem>>, vector<16xf32>,
    tpu.vector_store %arg11[%swap3A_178], %add3A_177 {strides = array<i32>} : memref<112xf32, #tpu.memory_space<vmem>>, vector<16xf32>,
    %add3A_180 = arith.constant 48 : i32
    %add3A_181 = vector.broadcast %add3A_180 : i32 to vector<16xi32>
    %add3A_182 = arith.addi %iota3A, %add3A_181 : vector<16xi32>
    %sub3A_183 = arith.constant 1 : i32
    %sub3A_184 = vector.broadcast %sub3A_183 : i32 to vector<16xi32>
    %sub3A_185 = arith.subi %add3A_182, %sub3A_184 : vector<16xi32>
    %max3A_186 = arith.constant 0 : i32
    %max3A_187 = vector.broadcast %max3A_186 : i32 to vector<16xi32>
    %max3A_188 = arith.maxsi %sub3A_185, %max3A_187 : vector<16xi32>
    %gather3A_189 = tpu.vector_load_idx %arg12[%max3A_188] : memref<112xf32, #tpu.memory_space<vmem>>[vector<16xi32>], vector<16xf32>,
    %get3A_190 = arith.constant 48 : index
    %get3A_191 = tpu.vector_load %arg12[%get3A_190] {strides = array<i32>} : memref<112xf32, #tpu.memory_space<vmem>>, vector<16xf32>,
    %ge3A_192 = arith.constant 1 : i32
    %ge3A_193 = vector.broadcast %ge3A_192 : i32 to vector<16xi32>
    %ge3A_194 = arith.cmpi sge, %add3A_182, %ge3A_193 : vector<16xi32>
    %jit3A_195 = arith.constant 0.000000e+00 : f32
    %broadcast_in_dim3A_196 = vector.broadcast %jit3A_195 : f32 to vector<16xf32>
    %select_n3A_197 = arith.select %ge3A_194, %gather3A_189, %broadcast_in_dim3A_196 : vector<16xi1>, vector<16xf32>
    %add3A_198 = arith.addf %get3A_191, %select_n3A_197 : vector<16xf32>
    %swap3A_199 = arith.constant 48 : index
    %swap3A_200 = tpu.vector_load %arg11[%swap3A_199] {strides = array<i32>} : memref<112xf32, #tpu.memory_space<vmem>>, vector<16xf32>,
    tpu.vector_store %arg11[%swap3A_199], %add3A_198 {strides = array<i32>} : memref<112xf32, #tpu.memory_space<vmem>>, vector<16xf32>,
    %add3A_201 = arith.constant 64 : i32
    %add3A_202 = vector.broadcast %add3A_201 : i32 to vector<16xi32>
    %add3A_203 = arith.addi %iota3A, %add3A_202 : vector<16xi32>
    %sub3A_204 = arith.constant 1 : i32
    %sub3A_205 = vector.broadcast %sub3A_204 : i32 to vector<16xi32>
    %sub3A_206 = arith.subi %add3A_203, %sub3A_205 : vector<16xi32>
    %max3A_207 = arith.constant 0 : i32
    %max3A_208 = vector.broadcast %max3A_207 : i32 to vector<16xi32>
    %max3A_209 = arith.maxsi %sub3A_206, %max3A_208 : vector<16xi32>
    %gather3A_210 = tpu.vector_load_idx %arg12[%max3A_209] : memref<112xf32, #tpu.memory_space<vmem>>[vector<16xi32>], vector<16xf32>,
    %get3A_211 = arith.constant 64 : index
    %get3A_212 = tpu.vector_load %arg12[%get3A_211] {strides = array<i32>} : memref<112xf32, #tpu.memory_space<vmem>>, vector<16xf32>,
    %ge3A_213 = arith.constant 1 : i32
    %ge3A_214 = vector.broadcast %ge3A_213 : i32 to vector<16xi32>
    %ge3A_215 = arith.cmpi sge, %add3A_203, %ge3A_214 : vector<16xi32>
    %jit3A_216 = arith.constant 0.000000e+00 : f32
    %broadcast_in_dim3A_217 = vector.broadcast %jit3A_216 : f32 to vector<16xf32>
    %select_n3A_218 = arith.select %ge3A_215, %gather3A_210, %broadcast_in_dim3A_217 : vector<16xi1>, vector<16xf32>
    %add3A_219 = arith.addf %get3A_212, %select_n3A_218 : vector<16xf32>
    %swap3A_220 = arith.constant 64 : index
    %swap3A_221 = tpu.vector_load %arg11[%swap3A_220] {strides = array<i32>} : memref<112xf32, #tpu.memory_space<vmem>>, vector<16xf32>,
    tpu.vector_store %arg11[%swap3A_220], %add3A_219 {strides = array<i32>} : memref<112xf32, #tpu.memory_space<vmem>>, vector<16xf32>,
    %add3A_222 = arith.constant 80 : i32
    %add3A_223 = vector.broadcast %add3A_222 : i32 to vector<16xi32>
    %add3A_224 = arith.addi %iota3A, %add3A_223 : vector<16xi32>
    %sub3A_225 = arith.constant 1 : i32
    %sub3A_226 = vector.broadcast %sub3A_225 : i32 to vector<16xi32>
    %sub3A_227 = arith.subi %add3A_224, %sub3A_226 : vector<16xi32>
    %max3A_228 = arith.constant 0 : i32
    %max3A_229 = vector.broadcast %max3A_228 : i32 to vector<16xi32>
    %max3A_230 = arith.maxsi %sub3A_227, %max3A_229 : vector<16xi32>
    %gather3A_231 = tpu.vector_load_idx %arg12[%max3A_230] : memref<112xf32, #tpu.memory_space<vmem>>[vector<16xi32>], vector<16xf32>,
    %get3A_232 = arith.constant 80 : index
    %get3A_233 = tpu.vector_load %arg12[%get3A_232] {strides = array<i32>} : memref<112xf32, #tpu.memory_space<vmem>>, vector<16xf32>,
    %ge3A_234 = arith.constant 1 : i32
    %ge3A_235 = vector.broadcast %ge3A_234 : i32 to vector<16xi32>
    %ge3A_236 = arith.cmpi sge, %add3A_224, %ge3A_235 : vector<16xi32>
    %jit3A_237 = arith.constant 0.000000e+00 : f32
    %broadcast_in_dim3A_238 = vector.broadcast %jit3A_237 : f32 to vector<16xf32>
    %select_n3A_239 = arith.select %ge3A_236, %gather3A_231, %broadcast_in_dim3A_238 : vector<16xi1>, vector<16xf32>
    %add3A_240 = arith.addf %get3A_233, %select_n3A_239 : vector<16xf32>
    %swap3A_241 = arith.constant 80 : index
    %swap3A_242 = tpu.vector_load %arg11[%swap3A_241] {strides = array<i32>} : memref<112xf32, #tpu.memory_space<vmem>>, vector<16xf32>,
    tpu.vector_store %arg11[%swap3A_241], %add3A_240 {strides = array<i32>} : memref<112xf32, #tpu.memory_space<vmem>>, vector<16xf32>,
    %add3A_243 = arith.constant 96 : i32
    %add3A_244 = vector.broadcast %add3A_243 : i32 to vector<16xi32>
    %add3A_245 = arith.addi %iota3A, %add3A_244 : vector<16xi32>
    %sub3A_246 = arith.constant 1 : i32
    %sub3A_247 = vector.broadcast %sub3A_246 : i32 to vector<16xi32>
    %sub3A_248 = arith.subi %add3A_245, %sub3A_247 : vector<16xi32>
    %max3A_249 = arith.constant 0 : i32
    %max3A_250 = vector.broadcast %max3A_249 : i32 to vector<16xi32>
    %max3A_251 = arith.maxsi %sub3A_248, %max3A_250 : vector<16xi32>
    %gather3A_252 = tpu.vector_load_idx %arg12[%max3A_251] : memref<112xf32, #tpu.memory_space<vmem>>[vector<16xi32>], vector<16xf32>,
    %get3A_253 = arith.constant 96 : index
    %get3A_254 = tpu.vector_load %arg12[%get3A_253] {strides = array<i32>} : memref<112xf32, #tpu.memory_space<vmem>>, vector<16xf32>,
    %ge3A_255 = arith.constant 1 : i32
    %ge3A_256 = vector.broadcast %ge3A_255 : i32 to vector<16xi32>
    %ge3A_257 = arith.cmpi sge, %add3A_245, %ge3A_256 : vector<16xi32>
    %jit3A_258 = arith.constant 0.000000e+00 : f32
    %broadcast_in_dim3A_259 = vector.broadcast %jit3A_258 : f32 to vector<16xf32>
    %select_n3A_260 = arith.select %ge3A_257, %gather3A_252, %broadcast_in_dim3A_259 : vector<16xi1>, vector<16xf32>
    %add3A_261 = arith.addf %get3A_254, %select_n3A_260 : vector<16xf32>
    %swap3A_262 = arith.constant 96 : index
    %swap3A_263 = tpu.vector_load %arg11[%swap3A_262] {strides = array<i32>} : memref<112xf32, #tpu.memory_space<vmem>>, vector<16xf32>,
    tpu.vector_store %arg11[%swap3A_262], %add3A_261 {strides = array<i32>} : memref<112xf32, #tpu.memory_space<vmem>>, vector<16xf32>,
    %add3A_264 = arith.constant 0 : i32
    %add3A_265 = vector.broadcast %add3A_264 : i32 to vector<16xi32>
    %add3A_266 = arith.addi %iota3A, %add3A_265 : vector<16xi32>
    %sub3A_267 = arith.constant 2 : i32
    %sub3A_268 = vector.broadcast %sub3A_267 : i32 to vector<16xi32>
    %sub3A_269 = arith.subi %add3A_266, %sub3A_268 : vector<16xi32>
    %max3A_270 = arith.constant 0 : i32
    %max3A_271 = vector.broadcast %max3A_270 : i32 to vector<16xi32>
    %max3A_272 = arith.maxsi %sub3A_269, %max3A_271 : vector<16xi32>
    %gather3A_273 = tpu.vector_load_idx %arg11[%max3A_272] : memref<112xf32, #tpu.memory_space<vmem>>[vector<16xi32>], vector<16xf32>,
    %get3A_274 = arith.constant 0 : index
    %get3A_275 = tpu.vector_load %arg11[%get3A_274] {strides = array<i32>} : memref<112xf32, #tpu.memory_space<vmem>>, vector<16xf32>,
    %ge3A_276 = arith.constant 2 : i32
    %ge3A_277 = vector.broadcast %ge3A_276 : i32 to vector<16xi32>
    %ge3A_278 = arith.cmpi sge, %add3A_266, %ge3A_277 : vector<16xi32>
    %jit3A_279 = arith.constant 0.000000e+00 : f32
    %broadcast_in_dim3A_280 = vector.broadcast %jit3A_279 : f32 to vector<16xf32>
    %select_n3A_281 = arith.select %ge3A_278, %gather3A_273, %broadcast_in_dim3A_280 : vector<16xi1>, vector<16xf32>
    %add3A_282 = arith.addf %get3A_275, %select_n3A_281 : vector<16xf32>
    %swap3A_283 = arith.constant 0 : index
    %swap3A_284 = tpu.vector_load %arg12[%swap3A_283] {strides = array<i32>} : memref<112xf32, #tpu.memory_space<vmem>>, vector<16xf32>,
    tpu.vector_store %arg12[%swap3A_283], %add3A_282 {strides = array<i32>} : memref<112xf32, #tpu.memory_space<vmem>>, vector<16xf32>,
    %add3A_285 = arith.constant 16 : i32
    %add3A_286 = vector.broadcast %add3A_285 : i32 to vector<16xi32>
    %add3A_287 = arith.addi %iota3A, %add3A_286 : vector<16xi32>
    %sub3A_288 = arith.constant 2 : i32
    %sub3A_289 = vector.broadcast %sub3A_288 : i32 to vector<16xi32>
    %sub3A_290 = arith.subi %add3A_287, %sub3A_289 : vector<16xi32>
    %max3A_291 = arith.constant 0 : i32
    %max3A_292 = vector.broadcast %max3A_291 : i32 to vector<16xi32>
    %max3A_293 = arith.maxsi %sub3A_290, %max3A_292 : vector<16xi32>
    %gather3A_294 = tpu.vector_load_idx %arg11[%max3A_293] : memref<112xf32, #tpu.memory_space<vmem>>[vector<16xi32>], vector<16xf32>,
    %get3A_295 = arith.constant 16 : index
    %get3A_296 = tpu.vector_load %arg11[%get3A_295] {strides = array<i32>} : memref<112xf32, #tpu.memory_space<vmem>>, vector<16xf32>,
    %ge3A_297 = arith.constant 2 : i32
    %ge3A_298 = vector.broadcast %ge3A_297 : i32 to vector<16xi32>
    %ge3A_299 = arith.cmpi sge, %add3A_287, %ge3A_298 : vector<16xi32>
    %jit3A_300 = arith.constant 0.000000e+00 : f32
    %broadcast_in_dim3A_301 = vector.broadcast %jit3A_300 : f32 to vector<16xf32>
    %select_n3A_302 = arith.select %ge3A_299, %gather3A_294, %broadcast_in_dim3A_301 : vector<16xi1>, vector<16xf32>
    %add3A_303 = arith.addf %get3A_296, %select_n3A_302 : vector<16xf32>
    %swap3A_304 = arith.constant 16 : index
    %swap3A_305 = tpu.vector_load %arg12[%swap3A_304] {strides = array<i32>} : memref<112xf32, #tpu.memory_space<vmem>>, vector<16xf32>,
    tpu.vector_store %arg12[%swap3A_304], %add3A_303 {strides = array<i32>} : memref<112xf32, #tpu.memory_space<vmem>>, vector<16xf32>,
    %add3A_306 = arith.constant 32 : i32
    %add3A_307 = vector.broadcast %add3A_306 : i32 to vector<16xi32>
    %add3A_308 = arith.addi %iota3A, %add3A_307 : vector<16xi32>
    %sub3A_309 = arith.constant 2 : i32
    %sub3A_310 = vector.broadcast %sub3A_309 : i32 to vector<16xi32>
    %sub3A_311 = arith.subi %add3A_308, %sub3A_310 : vector<16xi32>
    %max3A_312 = arith.constant 0 : i32
    %max3A_313 = vector.broadcast %max3A_312 : i32 to vector<16xi32>
    %max3A_314 = arith.maxsi %sub3A_311, %max3A_313 : vector<16xi32>
    %gather3A_315 = tpu.vector_load_idx %arg11[%max3A_314] : memref<112xf32, #tpu.memory_space<vmem>>[vector<16xi32>], vector<16xf32>,
    %get3A_316 = arith.constant 32 : index
    %get3A_317 = tpu.vector_load %arg11[%get3A_316] {strides = array<i32>} : memref<112xf32, #tpu.memory_space<vmem>>, vector<16xf32>,
    %ge3A_318 = arith.constant 2 : i32
    %ge3A_319 = vector.broadcast %ge3A_318 : i32 to vector<16xi32>
    %ge3A_320 = arith.cmpi sge, %add3A_308, %ge3A_319 : vector<16xi32>
    %jit3A_321 = arith.constant 0.000000e+00 : f32
    %broadcast_in_dim3A_322 = vector.broadcast %jit3A_321 : f32 to vector<16xf32>
    %select_n3A_323 = arith.select %ge3A_320, %gather3A_315, %broadcast_in_dim3A_322 : vector<16xi1>, vector<16xf32>
    %add3A_324 = arith.addf %get3A_317, %select_n3A_323 : vector<16xf32>
    %swap3A_325 = arith.constant 32 : index
    %swap3A_326 = tpu.vector_load %arg12[%swap3A_325] {strides = array<i32>} : memref<112xf32, #tpu.memory_space<vmem>>, vector<16xf32>,
    tpu.vector_store %arg12[%swap3A_325], %add3A_324 {strides = array<i32>} : memref<112xf32, #tpu.memory_space<vmem>>, vector<16xf32>,
    %add3A_327 = arith.constant 48 : i32
    %add3A_328 = vector.broadcast %add3A_327 : i32 to vector<16xi32>
    %add3A_329 = arith.addi %iota3A, %add3A_328 : vector<16xi32>
    %sub3A_330 = arith.constant 2 : i32
    %sub3A_331 = vector.broadcast %sub3A_330 : i32 to vector<16xi32>
    %sub3A_332 = arith.subi %add3A_329, %sub3A_331 : vector<16xi32>
    %max3A_333 = arith.constant 0 : i32
    %max3A_334 = vector.broadcast %max3A_333 : i32 to vector<16xi32>
    %max3A_335 = arith.maxsi %sub3A_332, %max3A_334 : vector<16xi32>
    %gather3A_336 = tpu.vector_load_idx %arg11[%max3A_335] : memref<112xf32, #tpu.memory_space<vmem>>[vector<16xi32>], vector<16xf32>,
    %get3A_337 = arith.constant 48 : index
    %get3A_338 = tpu.vector_load %arg11[%get3A_337] {strides = array<i32>} : memref<112xf32, #tpu.memory_space<vmem>>, vector<16xf32>,
    %ge3A_339 = arith.constant 2 : i32
    %ge3A_340 = vector.broadcast %ge3A_339 : i32 to vector<16xi32>
    %ge3A_341 = arith.cmpi sge, %add3A_329, %ge3A_340 : vector<16xi32>
    %jit3A_342 = arith.constant 0.000000e+00 : f32
    %broadcast_in_dim3A_343 = vector.broadcast %jit3A_342 : f32 to vector<16xf32>
    %select_n3A_344 = arith.select %ge3A_341, %gather3A_336, %broadcast_in_dim3A_343 : vector<16xi1>, vector<16xf32>
    %add3A_345 = arith.addf %get3A_338, %select_n3A_344 : vector<16xf32>
    %swap3A_346 = arith.constant 48 : index
    %swap3A_347 = tpu.vector_load %arg12[%swap3A_346] {strides = array<i32>} : memref<112xf32, #tpu.memory_space<vmem>>, vector<16xf32>,
    tpu.vector_store %arg12[%swap3A_346], %add3A_345 {strides = array<i32>} : memref<112xf32, #tpu.memory_space<vmem>>, vector<16xf32>,
    %add3A_348 = arith.constant 64 : i32
    %add3A_349 = vector.broadcast %add3A_348 : i32 to vector<16xi32>
    %add3A_350 = arith.addi %iota3A, %add3A_349 : vector<16xi32>
    %sub3A_351 = arith.constant 2 : i32
    %sub3A_352 = vector.broadcast %sub3A_351 : i32 to vector<16xi32>
    %sub3A_353 = arith.subi %add3A_350, %sub3A_352 : vector<16xi32>
    %max3A_354 = arith.constant 0 : i32
    %max3A_355 = vector.broadcast %max3A_354 : i32 to vector<16xi32>
    %max3A_356 = arith.maxsi %sub3A_353, %max3A_355 : vector<16xi32>
    %gather3A_357 = tpu.vector_load_idx %arg11[%max3A_356] : memref<112xf32, #tpu.memory_space<vmem>>[vector<16xi32>], vector<16xf32>,
    %get3A_358 = arith.constant 64 : index
    %get3A_359 = tpu.vector_load %arg11[%get3A_358] {strides = array<i32>} : memref<112xf32, #tpu.memory_space<vmem>>, vector<16xf32>,
    %ge3A_360 = arith.constant 2 : i32
    %ge3A_361 = vector.broadcast %ge3A_360 : i32 to vector<16xi32>
    %ge3A_362 = arith.cmpi sge, %add3A_350, %ge3A_361 : vector<16xi32>
    %jit3A_363 = arith.constant 0.000000e+00 : f32
    %broadcast_in_dim3A_364 = vector.broadcast %jit3A_363 : f32 to vector<16xf32>
    %select_n3A_365 = arith.select %ge3A_362, %gather3A_357, %broadcast_in_dim3A_364 : vector<16xi1>, vector<16xf32>
    %add3A_366 = arith.addf %get3A_359, %select_n3A_365 : vector<16xf32>
    %swap3A_367 = arith.constant 64 : index
    %swap3A_368 = tpu.vector_load %arg12[%swap3A_367] {strides = array<i32>} : memref<112xf32, #tpu.memory_space<vmem>>, vector<16xf32>,
    tpu.vector_store %arg12[%swap3A_367], %add3A_366 {strides = array<i32>} : memref<112xf32, #tpu.memory_space<vmem>>, vector<16xf32>,
    %add3A_369 = arith.constant 80 : i32
    %add3A_370 = vector.broadcast %add3A_369 : i32 to vector<16xi32>
    %add3A_371 = arith.addi %iota3A, %add3A_370 : vector<16xi32>
    %sub3A_372 = arith.constant 2 : i32
    %sub3A_373 = vector.broadcast %sub3A_372 : i32 to vector<16xi32>
    %sub3A_374 = arith.subi %add3A_371, %sub3A_373 : vector<16xi32>
    %max3A_375 = arith.constant 0 : i32
    %max3A_376 = vector.broadcast %max3A_375 : i32 to vector<16xi32>
    %max3A_377 = arith.maxsi %sub3A_374, %max3A_376 : vector<16xi32>
    %gather3A_378 = tpu.vector_load_idx %arg11[%max3A_377] : memref<112xf32, #tpu.memory_space<vmem>>[vector<16xi32>], vector<16xf32>,
    %get3A_379 = arith.constant 80 : index
    %get3A_380 = tpu.vector_load %arg11[%get3A_379] {strides = array<i32>} : memref<112xf32, #tpu.memory_space<vmem>>, vector<16xf32>,
    %ge3A_381 = arith.constant 2 : i32
    %ge3A_382 = vector.broadcast %ge3A_381 : i32 to vector<16xi32>
    %ge3A_383 = arith.cmpi sge, %add3A_371, %ge3A_382 : vector<16xi32>
    %jit3A_384 = arith.constant 0.000000e+00 : f32
    %broadcast_in_dim3A_385 = vector.broadcast %jit3A_384 : f32 to vector<16xf32>
    %select_n3A_386 = arith.select %ge3A_383, %gather3A_378, %broadcast_in_dim3A_385 : vector<16xi1>, vector<16xf32>
    %add3A_387 = arith.addf %get3A_380, %select_n3A_386 : vector<16xf32>
    %swap3A_388 = arith.constant 80 : index
    %swap3A_389 = tpu.vector_load %arg12[%swap3A_388] {strides = array<i32>} : memref<112xf32, #tpu.memory_space<vmem>>, vector<16xf32>,
    tpu.vector_store %arg12[%swap3A_388], %add3A_387 {strides = array<i32>} : memref<112xf32, #tpu.memory_space<vmem>>, vector<16xf32>,
    %add3A_390 = arith.constant 96 : i32
    %add3A_391 = vector.broadcast %add3A_390 : i32 to vector<16xi32>
    %add3A_392 = arith.addi %iota3A, %add3A_391 : vector<16xi32>
    %sub3A_393 = arith.constant 2 : i32
    %sub3A_394 = vector.broadcast %sub3A_393 : i32 to vector<16xi32>
    %sub3A_395 = arith.subi %add3A_392, %sub3A_394 : vector<16xi32>
    %max3A_396 = arith.constant 0 : i32
    %max3A_397 = vector.broadcast %max3A_396 : i32 to vector<16xi32>
    %max3A_398 = arith.maxsi %sub3A_395, %max3A_397 : vector<16xi32>
    %gather3A_399 = tpu.vector_load_idx %arg11[%max3A_398] : memref<112xf32, #tpu.memory_space<vmem>>[vector<16xi32>], vector<16xf32>,
    %get3A_400 = arith.constant 96 : index
    %get3A_401 = tpu.vector_load %arg11[%get3A_400] {strides = array<i32>} : memref<112xf32, #tpu.memory_space<vmem>>, vector<16xf32>,
    %ge3A_402 = arith.constant 2 : i32
    %ge3A_403 = vector.broadcast %ge3A_402 : i32 to vector<16xi32>
    %ge3A_404 = arith.cmpi sge, %add3A_392, %ge3A_403 : vector<16xi32>
    %jit3A_405 = arith.constant 0.000000e+00 : f32
    %broadcast_in_dim3A_406 = vector.broadcast %jit3A_405 : f32 to vector<16xf32>
    %select_n3A_407 = arith.select %ge3A_404, %gather3A_399, %broadcast_in_dim3A_406 : vector<16xi1>, vector<16xf32>
    %add3A_408 = arith.addf %get3A_401, %select_n3A_407 : vector<16xf32>
    %swap3A_409 = arith.constant 96 : index
    %swap3A_410 = tpu.vector_load %arg12[%swap3A_409] {strides = array<i32>} : memref<112xf32, #tpu.memory_space<vmem>>, vector<16xf32>,
    tpu.vector_store %arg12[%swap3A_409], %add3A_408 {strides = array<i32>} : memref<112xf32, #tpu.memory_space<vmem>>, vector<16xf32>,
    %add3A_411 = arith.constant 0 : i32
    %add3A_412 = vector.broadcast %add3A_411 : i32 to vector<16xi32>
    %add3A_413 = arith.addi %iota3A, %add3A_412 : vector<16xi32>
    %sub3A_414 = arith.constant 4 : i32
    %sub3A_415 = vector.broadcast %sub3A_414 : i32 to vector<16xi32>
    %sub3A_416 = arith.subi %add3A_413, %sub3A_415 : vector<16xi32>
    %max3A_417 = arith.constant 0 : i32
    %max3A_418 = vector.broadcast %max3A_417 : i32 to vector<16xi32>
    %max3A_419 = arith.maxsi %sub3A_416, %max3A_418 : vector<16xi32>
    %gather3A_420 = tpu.vector_load_idx %arg12[%max3A_419] : memref<112xf32, #tpu.memory_space<vmem>>[vector<16xi32>], vector<16xf32>,
    %get3A_421 = arith.constant 0 : index
    %get3A_422 = tpu.vector_load %arg12[%get3A_421] {strides = array<i32>} : memref<112xf32, #tpu.memory_space<vmem>>, vector<16xf32>,
    %ge3A_423 = arith.constant 4 : i32
    %ge3A_424 = vector.broadcast %ge3A_423 : i32 to vector<16xi32>
    %ge3A_425 = arith.cmpi sge, %add3A_413, %ge3A_424 : vector<16xi32>
    %jit3A_426 = arith.constant 0.000000e+00 : f32
    %broadcast_in_dim3A_427 = vector.broadcast %jit3A_426 : f32 to vector<16xf32>
    %select_n3A_428 = arith.select %ge3A_425, %gather3A_420, %broadcast_in_dim3A_427 : vector<16xi1>, vector<16xf32>
    %add3A_429 = arith.addf %get3A_422, %select_n3A_428 : vector<16xf32>
    %swap3A_430 = arith.constant 0 : index
    %swap3A_431 = tpu.vector_load %arg11[%swap3A_430] {strides = array<i32>} : memref<112xf32, #tpu.memory_space<vmem>>, vector<16xf32>,
    tpu.vector_store %arg11[%swap3A_430], %add3A_429 {strides = array<i32>} : memref<112xf32, #tpu.memory_space<vmem>>, vector<16xf32>,
    %add3A_432 = arith.constant 16 : i32
    %add3A_433 = vector.broadcast %add3A_432 : i32 to vector<16xi32>
    %add3A_434 = arith.addi %iota3A, %add3A_433 : vector<16xi32>
    %sub3A_435 = arith.constant 4 : i32
    %sub3A_436 = vector.broadcast %sub3A_435 : i32 to vector<16xi32>
    %sub3A_437 = arith.subi %add3A_434, %sub3A_436 : vector<16xi32>
    %max3A_438 = arith.constant 0 : i32
    %max3A_439 = vector.broadcast %max3A_438 : i32 to vector<16xi32>
    %max3A_440 = arith.maxsi %sub3A_437, %max3A_439 : vector<16xi32>
    %gather3A_441 = tpu.vector_load_idx %arg12[%max3A_440] : memref<112xf32, #tpu.memory_space<vmem>>[vector<16xi32>], vector<16xf32>,
    %get3A_442 = arith.constant 16 : index
    %get3A_443 = tpu.vector_load %arg12[%get3A_442] {strides = array<i32>} : memref<112xf32, #tpu.memory_space<vmem>>, vector<16xf32>,
    %ge3A_444 = arith.constant 4 : i32
    %ge3A_445 = vector.broadcast %ge3A_444 : i32 to vector<16xi32>
    %ge3A_446 = arith.cmpi sge, %add3A_434, %ge3A_445 : vector<16xi32>
    %jit3A_447 = arith.constant 0.000000e+00 : f32
    %broadcast_in_dim3A_448 = vector.broadcast %jit3A_447 : f32 to vector<16xf32>
    %select_n3A_449 = arith.select %ge3A_446, %gather3A_441, %broadcast_in_dim3A_448 : vector<16xi1>, vector<16xf32>
    %add3A_450 = arith.addf %get3A_443, %select_n3A_449 : vector<16xf32>
    %swap3A_451 = arith.constant 16 : index
    %swap3A_452 = tpu.vector_load %arg11[%swap3A_451] {strides = array<i32>} : memref<112xf32, #tpu.memory_space<vmem>>, vector<16xf32>,
    tpu.vector_store %arg11[%swap3A_451], %add3A_450 {strides = array<i32>} : memref<112xf32, #tpu.memory_space<vmem>>, vector<16xf32>,
    %add3A_453 = arith.constant 32 : i32
    %add3A_454 = vector.broadcast %add3A_453 : i32 to vector<16xi32>
    %add3A_455 = arith.addi %iota3A, %add3A_454 : vector<16xi32>
    %sub3A_456 = arith.constant 4 : i32
    %sub3A_457 = vector.broadcast %sub3A_456 : i32 to vector<16xi32>
    %sub3A_458 = arith.subi %add3A_455, %sub3A_457 : vector<16xi32>
    %max3A_459 = arith.constant 0 : i32
    %max3A_460 = vector.broadcast %max3A_459 : i32 to vector<16xi32>
    %max3A_461 = arith.maxsi %sub3A_458, %max3A_460 : vector<16xi32>
    %gather3A_462 = tpu.vector_load_idx %arg12[%max3A_461] : memref<112xf32, #tpu.memory_space<vmem>>[vector<16xi32>], vector<16xf32>,
    %get3A_463 = arith.constant 32 : index
    %get3A_464 = tpu.vector_load %arg12[%get3A_463] {strides = array<i32>} : memref<112xf32, #tpu.memory_space<vmem>>, vector<16xf32>,
    %ge3A_465 = arith.constant 4 : i32
    %ge3A_466 = vector.broadcast %ge3A_465 : i32 to vector<16xi32>
    %ge3A_467 = arith.cmpi sge, %add3A_455, %ge3A_466 : vector<16xi32>
    %jit3A_468 = arith.constant 0.000000e+00 : f32
    %broadcast_in_dim3A_469 = vector.broadcast %jit3A_468 : f32 to vector<16xf32>
    %select_n3A_470 = arith.select %ge3A_467, %gather3A_462, %broadcast_in_dim3A_469 : vector<16xi1>, vector<16xf32>
    %add3A_471 = arith.addf %get3A_464, %select_n3A_470 : vector<16xf32>
    %swap3A_472 = arith.constant 32 : index
    %swap3A_473 = tpu.vector_load %arg11[%swap3A_472] {strides = array<i32>} : memref<112xf32, #tpu.memory_space<vmem>>, vector<16xf32>,
    tpu.vector_store %arg11[%swap3A_472], %add3A_471 {strides = array<i32>} : memref<112xf32, #tpu.memory_space<vmem>>, vector<16xf32>,
    %add3A_474 = arith.constant 48 : i32
    %add3A_475 = vector.broadcast %add3A_474 : i32 to vector<16xi32>
    %add3A_476 = arith.addi %iota3A, %add3A_475 : vector<16xi32>
    %sub3A_477 = arith.constant 4 : i32
    %sub3A_478 = vector.broadcast %sub3A_477 : i32 to vector<16xi32>
    %sub3A_479 = arith.subi %add3A_476, %sub3A_478 : vector<16xi32>
    %max3A_480 = arith.constant 0 : i32
    %max3A_481 = vector.broadcast %max3A_480 : i32 to vector<16xi32>
    %max3A_482 = arith.maxsi %sub3A_479, %max3A_481 : vector<16xi32>
    %gather3A_483 = tpu.vector_load_idx %arg12[%max3A_482] : memref<112xf32, #tpu.memory_space<vmem>>[vector<16xi32>], vector<16xf32>,
    %get3A_484 = arith.constant 48 : index
    %get3A_485 = tpu.vector_load %arg12[%get3A_484] {strides = array<i32>} : memref<112xf32, #tpu.memory_space<vmem>>, vector<16xf32>,
    %ge3A_486 = arith.constant 4 : i32
    %ge3A_487 = vector.broadcast %ge3A_486 : i32 to vector<16xi32>
    %ge3A_488 = arith.cmpi sge, %add3A_476, %ge3A_487 : vector<16xi32>
    %jit3A_489 = arith.constant 0.000000e+00 : f32
    %broadcast_in_dim3A_490 = vector.broadcast %jit3A_489 : f32 to vector<16xf32>
    %select_n3A_491 = arith.select %ge3A_488, %gather3A_483, %broadcast_in_dim3A_490 : vector<16xi1>, vector<16xf32>
    %add3A_492 = arith.addf %get3A_485, %select_n3A_491 : vector<16xf32>
    %swap3A_493 = arith.constant 48 : index
    %swap3A_494 = tpu.vector_load %arg11[%swap3A_493] {strides = array<i32>} : memref<112xf32, #tpu.memory_space<vmem>>, vector<16xf32>,
    tpu.vector_store %arg11[%swap3A_493], %add3A_492 {strides = array<i32>} : memref<112xf32, #tpu.memory_space<vmem>>, vector<16xf32>,
    %add3A_495 = arith.constant 64 : i32
    %add3A_496 = vector.broadcast %add3A_495 : i32 to vector<16xi32>
    %add3A_497 = arith.addi %iota3A, %add3A_496 : vector<16xi32>
    %sub3A_498 = arith.constant 4 : i32
    %sub3A_499 = vector.broadcast %sub3A_498 : i32 to vector<16xi32>
    %sub3A_500 = arith.subi %add3A_497, %sub3A_499 : vector<16xi32>
    %max3A_501 = arith.constant 0 : i32
    %max3A_502 = vector.broadcast %max3A_501 : i32 to vector<16xi32>
    %max3A_503 = arith.maxsi %sub3A_500, %max3A_502 : vector<16xi32>
    %gather3A_504 = tpu.vector_load_idx %arg12[%max3A_503] : memref<112xf32, #tpu.memory_space<vmem>>[vector<16xi32>], vector<16xf32>,
    %get3A_505 = arith.constant 64 : index
    %get3A_506 = tpu.vector_load %arg12[%get3A_505] {strides = array<i32>} : memref<112xf32, #tpu.memory_space<vmem>>, vector<16xf32>,
    %ge3A_507 = arith.constant 4 : i32
    %ge3A_508 = vector.broadcast %ge3A_507 : i32 to vector<16xi32>
    %ge3A_509 = arith.cmpi sge, %add3A_497, %ge3A_508 : vector<16xi32>
    %jit3A_510 = arith.constant 0.000000e+00 : f32
    %broadcast_in_dim3A_511 = vector.broadcast %jit3A_510 : f32 to vector<16xf32>
    %select_n3A_512 = arith.select %ge3A_509, %gather3A_504, %broadcast_in_dim3A_511 : vector<16xi1>, vector<16xf32>
    %add3A_513 = arith.addf %get3A_506, %select_n3A_512 : vector<16xf32>
    %swap3A_514 = arith.constant 64 : index
    %swap3A_515 = tpu.vector_load %arg11[%swap3A_514] {strides = array<i32>} : memref<112xf32, #tpu.memory_space<vmem>>, vector<16xf32>,
    tpu.vector_store %arg11[%swap3A_514], %add3A_513 {strides = array<i32>} : memref<112xf32, #tpu.memory_space<vmem>>, vector<16xf32>,
    %add3A_516 = arith.constant 80 : i32
    %add3A_517 = vector.broadcast %add3A_516 : i32 to vector<16xi32>
    %add3A_518 = arith.addi %iota3A, %add3A_517 : vector<16xi32>
    %sub3A_519 = arith.constant 4 : i32
    %sub3A_520 = vector.broadcast %sub3A_519 : i32 to vector<16xi32>
    %sub3A_521 = arith.subi %add3A_518, %sub3A_520 : vector<16xi32>
    %max3A_522 = arith.constant 0 : i32
    %max3A_523 = vector.broadcast %max3A_522 : i32 to vector<16xi32>
    %max3A_524 = arith.maxsi %sub3A_521, %max3A_523 : vector<16xi32>
    %gather3A_525 = tpu.vector_load_idx %arg12[%max3A_524] : memref<112xf32, #tpu.memory_space<vmem>>[vector<16xi32>], vector<16xf32>,
    %get3A_526 = arith.constant 80 : index
    %get3A_527 = tpu.vector_load %arg12[%get3A_526] {strides = array<i32>} : memref<112xf32, #tpu.memory_space<vmem>>, vector<16xf32>,
    %ge3A_528 = arith.constant 4 : i32
    %ge3A_529 = vector.broadcast %ge3A_528 : i32 to vector<16xi32>
    %ge3A_530 = arith.cmpi sge, %add3A_518, %ge3A_529 : vector<16xi32>
    %jit3A_531 = arith.constant 0.000000e+00 : f32
    %broadcast_in_dim3A_532 = vector.broadcast %jit3A_531 : f32 to vector<16xf32>
    %select_n3A_533 = arith.select %ge3A_530, %gather3A_525, %broadcast_in_dim3A_532 : vector<16xi1>, vector<16xf32>
    %add3A_534 = arith.addf %get3A_527, %select_n3A_533 : vector<16xf32>
    %swap3A_535 = arith.constant 80 : index
    %swap3A_536 = tpu.vector_load %arg11[%swap3A_535] {strides = array<i32>} : memref<112xf32, #tpu.memory_space<vmem>>, vector<16xf32>,
    tpu.vector_store %arg11[%swap3A_535], %add3A_534 {strides = array<i32>} : memref<112xf32, #tpu.memory_space<vmem>>, vector<16xf32>,
    %add3A_537 = arith.constant 96 : i32
    %add3A_538 = vector.broadcast %add3A_537 : i32 to vector<16xi32>
    %add3A_539 = arith.addi %iota3A, %add3A_538 : vector<16xi32>
    %sub3A_540 = arith.constant 4 : i32
    %sub3A_541 = vector.broadcast %sub3A_540 : i32 to vector<16xi32>
    %sub3A_542 = arith.subi %add3A_539, %sub3A_541 : vector<16xi32>
    %max3A_543 = arith.constant 0 : i32
    %max3A_544 = vector.broadcast %max3A_543 : i32 to vector<16xi32>
    %max3A_545 = arith.maxsi %sub3A_542, %max3A_544 : vector<16xi32>
    %gather3A_546 = tpu.vector_load_idx %arg12[%max3A_545] : memref<112xf32, #tpu.memory_space<vmem>>[vector<16xi32>], vector<16xf32>,
    %get3A_547 = arith.constant 96 : index
    %get3A_548 = tpu.vector_load %arg12[%get3A_547] {strides = array<i32>} : memref<112xf32, #tpu.memory_space<vmem>>, vector<16xf32>,
    %ge3A_549 = arith.constant 4 : i32
    %ge3A_550 = vector.broadcast %ge3A_549 : i32 to vector<16xi32>
    %ge3A_551 = arith.cmpi sge, %add3A_539, %ge3A_550 : vector<16xi32>
    %jit3A_552 = arith.constant 0.000000e+00 : f32
    %broadcast_in_dim3A_553 = vector.broadcast %jit3A_552 : f32 to vector<16xf32>
    %select_n3A_554 = arith.select %ge3A_551, %gather3A_546, %broadcast_in_dim3A_553 : vector<16xi1>, vector<16xf32>
    %add3A_555 = arith.addf %get3A_548, %select_n3A_554 : vector<16xf32>
    %swap3A_556 = arith.constant 96 : index
    %swap3A_557 = tpu.vector_load %arg11[%swap3A_556] {strides = array<i32>} : memref<112xf32, #tpu.memory_space<vmem>>, vector<16xf32>,
    tpu.vector_store %arg11[%swap3A_556], %add3A_555 {strides = array<i32>} : memref<112xf32, #tpu.memory_space<vmem>>, vector<16xf32>,
    %add3A_558 = arith.constant 0 : i32
    %add3A_559 = vector.broadcast %add3A_558 : i32 to vector<16xi32>
    %add3A_560 = arith.addi %iota3A, %add3A_559 : vector<16xi32>
    %sub3A_561 = arith.constant 8 : i32
    %sub3A_562 = vector.broadcast %sub3A_561 : i32 to vector<16xi32>
    %sub3A_563 = arith.subi %add3A_560, %sub3A_562 : vector<16xi32>
    %max3A_564 = arith.constant 0 : i32
    %max3A_565 = vector.broadcast %max3A_564 : i32 to vector<16xi32>
    %max3A_566 = arith.maxsi %sub3A_563, %max3A_565 : vector<16xi32>
    %gather3A_567 = tpu.vector_load_idx %arg11[%max3A_566] : memref<112xf32, #tpu.memory_space<vmem>>[vector<16xi32>], vector<16xf32>,
    %get3A_568 = arith.constant 0 : index
    %get3A_569 = tpu.vector_load %arg11[%get3A_568] {strides = array<i32>} : memref<112xf32, #tpu.memory_space<vmem>>, vector<16xf32>,
    %ge3A_570 = arith.constant 8 : i32
    %ge3A_571 = vector.broadcast %ge3A_570 : i32 to vector<16xi32>
    %ge3A_572 = arith.cmpi sge, %add3A_560, %ge3A_571 : vector<16xi32>
    %jit3A_573 = arith.constant 0.000000e+00 : f32
    %broadcast_in_dim3A_574 = vector.broadcast %jit3A_573 : f32 to vector<16xf32>
    %select_n3A_575 = arith.select %ge3A_572, %gather3A_567, %broadcast_in_dim3A_574 : vector<16xi1>, vector<16xf32>
    %add3A_576 = arith.addf %get3A_569, %select_n3A_575 : vector<16xf32>
    %swap3A_577 = arith.constant 0 : index
    %swap3A_578 = tpu.vector_load %arg12[%swap3A_577] {strides = array<i32>} : memref<112xf32, #tpu.memory_space<vmem>>, vector<16xf32>,
    tpu.vector_store %arg12[%swap3A_577], %add3A_576 {strides = array<i32>} : memref<112xf32, #tpu.memory_space<vmem>>, vector<16xf32>,
    %add3A_579 = arith.constant 16 : i32
    %add3A_580 = vector.broadcast %add3A_579 : i32 to vector<16xi32>
    %add3A_581 = arith.addi %iota3A, %add3A_580 : vector<16xi32>
    %sub3A_582 = arith.constant 8 : i32
    %sub3A_583 = vector.broadcast %sub3A_582 : i32 to vector<16xi32>
    %sub3A_584 = arith.subi %add3A_581, %sub3A_583 : vector<16xi32>
    %max3A_585 = arith.constant 0 : i32
    %max3A_586 = vector.broadcast %max3A_585 : i32 to vector<16xi32>
    %max3A_587 = arith.maxsi %sub3A_584, %max3A_586 : vector<16xi32>
    %gather3A_588 = tpu.vector_load_idx %arg11[%max3A_587] : memref<112xf32, #tpu.memory_space<vmem>>[vector<16xi32>], vector<16xf32>,
    %get3A_589 = arith.constant 16 : index
    %get3A_590 = tpu.vector_load %arg11[%get3A_589] {strides = array<i32>} : memref<112xf32, #tpu.memory_space<vmem>>, vector<16xf32>,
    %ge3A_591 = arith.constant 8 : i32
    %ge3A_592 = vector.broadcast %ge3A_591 : i32 to vector<16xi32>
    %ge3A_593 = arith.cmpi sge, %add3A_581, %ge3A_592 : vector<16xi32>
    %jit3A_594 = arith.constant 0.000000e+00 : f32
    %broadcast_in_dim3A_595 = vector.broadcast %jit3A_594 : f32 to vector<16xf32>
    %select_n3A_596 = arith.select %ge3A_593, %gather3A_588, %broadcast_in_dim3A_595 : vector<16xi1>, vector<16xf32>
    %add3A_597 = arith.addf %get3A_590, %select_n3A_596 : vector<16xf32>
    %swap3A_598 = arith.constant 16 : index
    %swap3A_599 = tpu.vector_load %arg12[%swap3A_598] {strides = array<i32>} : memref<112xf32, #tpu.memory_space<vmem>>, vector<16xf32>,
    tpu.vector_store %arg12[%swap3A_598], %add3A_597 {strides = array<i32>} : memref<112xf32, #tpu.memory_space<vmem>>, vector<16xf32>,
    %add3A_600 = arith.constant 32 : i32
    %add3A_601 = vector.broadcast %add3A_600 : i32 to vector<16xi32>
    %add3A_602 = arith.addi %iota3A, %add3A_601 : vector<16xi32>
    %sub3A_603 = arith.constant 8 : i32
    %sub3A_604 = vector.broadcast %sub3A_603 : i32 to vector<16xi32>
    %sub3A_605 = arith.subi %add3A_602, %sub3A_604 : vector<16xi32>
    %max3A_606 = arith.constant 0 : i32
    %max3A_607 = vector.broadcast %max3A_606 : i32 to vector<16xi32>
    %max3A_608 = arith.maxsi %sub3A_605, %max3A_607 : vector<16xi32>
    %gather3A_609 = tpu.vector_load_idx %arg11[%max3A_608] : memref<112xf32, #tpu.memory_space<vmem>>[vector<16xi32>], vector<16xf32>,
    %get3A_610 = arith.constant 32 : index
    %get3A_611 = tpu.vector_load %arg11[%get3A_610] {strides = array<i32>} : memref<112xf32, #tpu.memory_space<vmem>>, vector<16xf32>,
    %ge3A_612 = arith.constant 8 : i32
    %ge3A_613 = vector.broadcast %ge3A_612 : i32 to vector<16xi32>
    %ge3A_614 = arith.cmpi sge, %add3A_602, %ge3A_613 : vector<16xi32>
    %jit3A_615 = arith.constant 0.000000e+00 : f32
    %broadcast_in_dim3A_616 = vector.broadcast %jit3A_615 : f32 to vector<16xf32>
    %select_n3A_617 = arith.select %ge3A_614, %gather3A_609, %broadcast_in_dim3A_616 : vector<16xi1>, vector<16xf32>
    %add3A_618 = arith.addf %get3A_611, %select_n3A_617 : vector<16xf32>
    %swap3A_619 = arith.constant 32 : index
    %swap3A_620 = tpu.vector_load %arg12[%swap3A_619] {strides = array<i32>} : memref<112xf32, #tpu.memory_space<vmem>>, vector<16xf32>,
    tpu.vector_store %arg12[%swap3A_619], %add3A_618 {strides = array<i32>} : memref<112xf32, #tpu.memory_space<vmem>>, vector<16xf32>,
    %add3A_621 = arith.constant 48 : i32
    %add3A_622 = vector.broadcast %add3A_621 : i32 to vector<16xi32>
    %add3A_623 = arith.addi %iota3A, %add3A_622 : vector<16xi32>
    %sub3A_624 = arith.constant 8 : i32
    %sub3A_625 = vector.broadcast %sub3A_624 : i32 to vector<16xi32>
    %sub3A_626 = arith.subi %add3A_623, %sub3A_625 : vector<16xi32>
    %max3A_627 = arith.constant 0 : i32
    %max3A_628 = vector.broadcast %max3A_627 : i32 to vector<16xi32>
    %max3A_629 = arith.maxsi %sub3A_626, %max3A_628 : vector<16xi32>
    %gather3A_630 = tpu.vector_load_idx %arg11[%max3A_629] : memref<112xf32, #tpu.memory_space<vmem>>[vector<16xi32>], vector<16xf32>,
    %get3A_631 = arith.constant 48 : index
    %get3A_632 = tpu.vector_load %arg11[%get3A_631] {strides = array<i32>} : memref<112xf32, #tpu.memory_space<vmem>>, vector<16xf32>,
    %ge3A_633 = arith.constant 8 : i32
    %ge3A_634 = vector.broadcast %ge3A_633 : i32 to vector<16xi32>
    %ge3A_635 = arith.cmpi sge, %add3A_623, %ge3A_634 : vector<16xi32>
    %jit3A_636 = arith.constant 0.000000e+00 : f32
    %broadcast_in_dim3A_637 = vector.broadcast %jit3A_636 : f32 to vector<16xf32>
    %select_n3A_638 = arith.select %ge3A_635, %gather3A_630, %broadcast_in_dim3A_637 : vector<16xi1>, vector<16xf32>
    %add3A_639 = arith.addf %get3A_632, %select_n3A_638 : vector<16xf32>
    %swap3A_640 = arith.constant 48 : index
    %swap3A_641 = tpu.vector_load %arg12[%swap3A_640] {strides = array<i32>} : memref<112xf32, #tpu.memory_space<vmem>>, vector<16xf32>,
    tpu.vector_store %arg12[%swap3A_640], %add3A_639 {strides = array<i32>} : memref<112xf32, #tpu.memory_space<vmem>>, vector<16xf32>,
    %add3A_642 = arith.constant 64 : i32
    %add3A_643 = vector.broadcast %add3A_642 : i32 to vector<16xi32>
    %add3A_644 = arith.addi %iota3A, %add3A_643 : vector<16xi32>
    %sub3A_645 = arith.constant 8 : i32
    %sub3A_646 = vector.broadcast %sub3A_645 : i32 to vector<16xi32>
    %sub3A_647 = arith.subi %add3A_644, %sub3A_646 : vector<16xi32>
    %max3A_648 = arith.constant 0 : i32
    %max3A_649 = vector.broadcast %max3A_648 : i32 to vector<16xi32>
    %max3A_650 = arith.maxsi %sub3A_647, %max3A_649 : vector<16xi32>
    %gather3A_651 = tpu.vector_load_idx %arg11[%max3A_650] : memref<112xf32, #tpu.memory_space<vmem>>[vector<16xi32>], vector<16xf32>,
    %get3A_652 = arith.constant 64 : index
    %get3A_653 = tpu.vector_load %arg11[%get3A_652] {strides = array<i32>} : memref<112xf32, #tpu.memory_space<vmem>>, vector<16xf32>,
    %ge3A_654 = arith.constant 8 : i32
    %ge3A_655 = vector.broadcast %ge3A_654 : i32 to vector<16xi32>
    %ge3A_656 = arith.cmpi sge, %add3A_644, %ge3A_655 : vector<16xi32>
    %jit3A_657 = arith.constant 0.000000e+00 : f32
    %broadcast_in_dim3A_658 = vector.broadcast %jit3A_657 : f32 to vector<16xf32>
    %select_n3A_659 = arith.select %ge3A_656, %gather3A_651, %broadcast_in_dim3A_658 : vector<16xi1>, vector<16xf32>
    %add3A_660 = arith.addf %get3A_653, %select_n3A_659 : vector<16xf32>
    %swap3A_661 = arith.constant 64 : index
    %swap3A_662 = tpu.vector_load %arg12[%swap3A_661] {strides = array<i32>} : memref<112xf32, #tpu.memory_space<vmem>>, vector<16xf32>,
    tpu.vector_store %arg12[%swap3A_661], %add3A_660 {strides = array<i32>} : memref<112xf32, #tpu.memory_space<vmem>>, vector<16xf32>,
    %add3A_663 = arith.constant 80 : i32
    %add3A_664 = vector.broadcast %add3A_663 : i32 to vector<16xi32>
    %add3A_665 = arith.addi %iota3A, %add3A_664 : vector<16xi32>
    %sub3A_666 = arith.constant 8 : i32
    %sub3A_667 = vector.broadcast %sub3A_666 : i32 to vector<16xi32>
    %sub3A_668 = arith.subi %add3A_665, %sub3A_667 : vector<16xi32>
    %max3A_669 = arith.constant 0 : i32
    %max3A_670 = vector.broadcast %max3A_669 : i32 to vector<16xi32>
    %max3A_671 = arith.maxsi %sub3A_668, %max3A_670 : vector<16xi32>
    %gather3A_672 = tpu.vector_load_idx %arg11[%max3A_671] : memref<112xf32, #tpu.memory_space<vmem>>[vector<16xi32>], vector<16xf32>,
    %get3A_673 = arith.constant 80 : index
    %get3A_674 = tpu.vector_load %arg11[%get3A_673] {strides = array<i32>} : memref<112xf32, #tpu.memory_space<vmem>>, vector<16xf32>,
    %ge3A_675 = arith.constant 8 : i32
    %ge3A_676 = vector.broadcast %ge3A_675 : i32 to vector<16xi32>
    %ge3A_677 = arith.cmpi sge, %add3A_665, %ge3A_676 : vector<16xi32>
    %jit3A_678 = arith.constant 0.000000e+00 : f32
    %broadcast_in_dim3A_679 = vector.broadcast %jit3A_678 : f32 to vector<16xf32>
    %select_n3A_680 = arith.select %ge3A_677, %gather3A_672, %broadcast_in_dim3A_679 : vector<16xi1>, vector<16xf32>
    %add3A_681 = arith.addf %get3A_674, %select_n3A_680 : vector<16xf32>
    %swap3A_682 = arith.constant 80 : index
    %swap3A_683 = tpu.vector_load %arg12[%swap3A_682] {strides = array<i32>} : memref<112xf32, #tpu.memory_space<vmem>>, vector<16xf32>,
    tpu.vector_store %arg12[%swap3A_682], %add3A_681 {strides = array<i32>} : memref<112xf32, #tpu.memory_space<vmem>>, vector<16xf32>,
    %add3A_684 = arith.constant 96 : i32
    %add3A_685 = vector.broadcast %add3A_684 : i32 to vector<16xi32>
    %add3A_686 = arith.addi %iota3A, %add3A_685 : vector<16xi32>
    %sub3A_687 = arith.constant 8 : i32
    %sub3A_688 = vector.broadcast %sub3A_687 : i32 to vector<16xi32>
    %sub3A_689 = arith.subi %add3A_686, %sub3A_688 : vector<16xi32>
    %max3A_690 = arith.constant 0 : i32
    %max3A_691 = vector.broadcast %max3A_690 : i32 to vector<16xi32>
    %max3A_692 = arith.maxsi %sub3A_689, %max3A_691 : vector<16xi32>
    %gather3A_693 = tpu.vector_load_idx %arg11[%max3A_692] : memref<112xf32, #tpu.memory_space<vmem>>[vector<16xi32>], vector<16xf32>,
    %get3A_694 = arith.constant 96 : index
    %get3A_695 = tpu.vector_load %arg11[%get3A_694] {strides = array<i32>} : memref<112xf32, #tpu.memory_space<vmem>>, vector<16xf32>,
    %ge3A_696 = arith.constant 8 : i32
    %ge3A_697 = vector.broadcast %ge3A_696 : i32 to vector<16xi32>
    %ge3A_698 = arith.cmpi sge, %add3A_686, %ge3A_697 : vector<16xi32>
    %jit3A_699 = arith.constant 0.000000e+00 : f32
    %broadcast_in_dim3A_700 = vector.broadcast %jit3A_699 : f32 to vector<16xf32>
    %select_n3A_701 = arith.select %ge3A_698, %gather3A_693, %broadcast_in_dim3A_700 : vector<16xi1>, vector<16xf32>
    %add3A_702 = arith.addf %get3A_695, %select_n3A_701 : vector<16xf32>
    %swap3A_703 = arith.constant 96 : index
    %swap3A_704 = tpu.vector_load %arg12[%swap3A_703] {strides = array<i32>} : memref<112xf32, #tpu.memory_space<vmem>>, vector<16xf32>,
    tpu.vector_store %arg12[%swap3A_703], %add3A_702 {strides = array<i32>} : memref<112xf32, #tpu.memory_space<vmem>>, vector<16xf32>,
    %add3A_705 = arith.constant 0 : i32
    %add3A_706 = vector.broadcast %add3A_705 : i32 to vector<16xi32>
    %add3A_707 = arith.addi %iota3A, %add3A_706 : vector<16xi32>
    %sub3A_708 = arith.constant 16 : i32
    %sub3A_709 = vector.broadcast %sub3A_708 : i32 to vector<16xi32>
    %sub3A_710 = arith.subi %add3A_707, %sub3A_709 : vector<16xi32>
    %max3A_711 = arith.constant 0 : i32
    %max3A_712 = vector.broadcast %max3A_711 : i32 to vector<16xi32>
    %max3A_713 = arith.maxsi %sub3A_710, %max3A_712 : vector<16xi32>
    %gather3A_714 = tpu.vector_load_idx %arg12[%max3A_713] : memref<112xf32, #tpu.memory_space<vmem>>[vector<16xi32>], vector<16xf32>,
    %get3A_715 = arith.constant 0 : index
    %get3A_716 = tpu.vector_load %arg12[%get3A_715] {strides = array<i32>} : memref<112xf32, #tpu.memory_space<vmem>>, vector<16xf32>,
    %ge3A_717 = arith.constant 16 : i32
    %ge3A_718 = vector.broadcast %ge3A_717 : i32 to vector<16xi32>
    %ge3A_719 = arith.cmpi sge, %add3A_707, %ge3A_718 : vector<16xi32>
    %jit3A_720 = arith.constant 0.000000e+00 : f32
    %broadcast_in_dim3A_721 = vector.broadcast %jit3A_720 : f32 to vector<16xf32>
    %select_n3A_722 = arith.select %ge3A_719, %gather3A_714, %broadcast_in_dim3A_721 : vector<16xi1>, vector<16xf32>
    %add3A_723 = arith.addf %get3A_716, %select_n3A_722 : vector<16xf32>
    %swap3A_724 = arith.constant 0 : index
    %swap3A_725 = tpu.vector_load %arg11[%swap3A_724] {strides = array<i32>} : memref<112xf32, #tpu.memory_space<vmem>>, vector<16xf32>,
    tpu.vector_store %arg11[%swap3A_724], %add3A_723 {strides = array<i32>} : memref<112xf32, #tpu.memory_space<vmem>>, vector<16xf32>,
    %add3A_726 = arith.constant 16 : i32
    %add3A_727 = vector.broadcast %add3A_726 : i32 to vector<16xi32>
    %add3A_728 = arith.addi %iota3A, %add3A_727 : vector<16xi32>
    %sub3A_729 = arith.constant 16 : i32
    %sub3A_730 = vector.broadcast %sub3A_729 : i32 to vector<16xi32>
    %sub3A_731 = arith.subi %add3A_728, %sub3A_730 : vector<16xi32>
    %max3A_732 = arith.constant 0 : i32
    %max3A_733 = vector.broadcast %max3A_732 : i32 to vector<16xi32>
    %max3A_734 = arith.maxsi %sub3A_731, %max3A_733 : vector<16xi32>
    %gather3A_735 = tpu.vector_load_idx %arg12[%max3A_734] : memref<112xf32, #tpu.memory_space<vmem>>[vector<16xi32>], vector<16xf32>,
    %get3A_736 = arith.constant 16 : index
    %get3A_737 = tpu.vector_load %arg12[%get3A_736] {strides = array<i32>} : memref<112xf32, #tpu.memory_space<vmem>>, vector<16xf32>,
    %ge3A_738 = arith.constant 16 : i32
    %ge3A_739 = vector.broadcast %ge3A_738 : i32 to vector<16xi32>
    %ge3A_740 = arith.cmpi sge, %add3A_728, %ge3A_739 : vector<16xi32>
    %jit3A_741 = arith.constant 0.000000e+00 : f32
    %broadcast_in_dim3A_742 = vector.broadcast %jit3A_741 : f32 to vector<16xf32>
    %select_n3A_743 = arith.select %ge3A_740, %gather3A_735, %broadcast_in_dim3A_742 : vector<16xi1>, vector<16xf32>
    %add3A_744 = arith.addf %get3A_737, %select_n3A_743 : vector<16xf32>
    %swap3A_745 = arith.constant 16 : index
    %swap3A_746 = tpu.vector_load %arg11[%swap3A_745] {strides = array<i32>} : memref<112xf32, #tpu.memory_space<vmem>>, vector<16xf32>,
    tpu.vector_store %arg11[%swap3A_745], %add3A_744 {strides = array<i32>} : memref<112xf32, #tpu.memory_space<vmem>>, vector<16xf32>,
    %add3A_747 = arith.constant 32 : i32
    %add3A_748 = vector.broadcast %add3A_747 : i32 to vector<16xi32>
    %add3A_749 = arith.addi %iota3A, %add3A_748 : vector<16xi32>
    %sub3A_750 = arith.constant 16 : i32
    %sub3A_751 = vector.broadcast %sub3A_750 : i32 to vector<16xi32>
    %sub3A_752 = arith.subi %add3A_749, %sub3A_751 : vector<16xi32>
    %max3A_753 = arith.constant 0 : i32
    %max3A_754 = vector.broadcast %max3A_753 : i32 to vector<16xi32>
    %max3A_755 = arith.maxsi %sub3A_752, %max3A_754 : vector<16xi32>
    %gather3A_756 = tpu.vector_load_idx %arg12[%max3A_755] : memref<112xf32, #tpu.memory_space<vmem>>[vector<16xi32>], vector<16xf32>,
    %get3A_757 = arith.constant 32 : index
    %get3A_758 = tpu.vector_load %arg12[%get3A_757] {strides = array<i32>} : memref<112xf32, #tpu.memory_space<vmem>>, vector<16xf32>,
    %ge3A_759 = arith.constant 16 : i32
    %ge3A_760 = vector.broadcast %ge3A_759 : i32 to vector<16xi32>
    %ge3A_761 = arith.cmpi sge, %add3A_749, %ge3A_760 : vector<16xi32>
    %jit3A_762 = arith.constant 0.000000e+00 : f32
    %broadcast_in_dim3A_763 = vector.broadcast %jit3A_762 : f32 to vector<16xf32>
    %select_n3A_764 = arith.select %ge3A_761, %gather3A_756, %broadcast_in_dim3A_763 : vector<16xi1>, vector<16xf32>
    %add3A_765 = arith.addf %get3A_758, %select_n3A_764 : vector<16xf32>
    %swap3A_766 = arith.constant 32 : index
    %swap3A_767 = tpu.vector_load %arg11[%swap3A_766] {strides = array<i32>} : memref<112xf32, #tpu.memory_space<vmem>>, vector<16xf32>,
    tpu.vector_store %arg11[%swap3A_766], %add3A_765 {strides = array<i32>} : memref<112xf32, #tpu.memory_space<vmem>>, vector<16xf32>,
    %add3A_768 = arith.constant 48 : i32
    %add3A_769 = vector.broadcast %add3A_768 : i32 to vector<16xi32>
    %add3A_770 = arith.addi %iota3A, %add3A_769 : vector<16xi32>
    %sub3A_771 = arith.constant 16 : i32
    %sub3A_772 = vector.broadcast %sub3A_771 : i32 to vector<16xi32>
    %sub3A_773 = arith.subi %add3A_770, %sub3A_772 : vector<16xi32>
    %max3A_774 = arith.constant 0 : i32
    %max3A_775 = vector.broadcast %max3A_774 : i32 to vector<16xi32>
    %max3A_776 = arith.maxsi %sub3A_773, %max3A_775 : vector<16xi32>
    %gather3A_777 = tpu.vector_load_idx %arg12[%max3A_776] : memref<112xf32, #tpu.memory_space<vmem>>[vector<16xi32>], vector<16xf32>,
    %get3A_778 = arith.constant 48 : index
    %get3A_779 = tpu.vector_load %arg12[%get3A_778] {strides = array<i32>} : memref<112xf32, #tpu.memory_space<vmem>>, vector<16xf32>,
    %ge3A_780 = arith.constant 16 : i32
    %ge3A_781 = vector.broadcast %ge3A_780 : i32 to vector<16xi32>
    %ge3A_782 = arith.cmpi sge, %add3A_770, %ge3A_781 : vector<16xi32>
    %jit3A_783 = arith.constant 0.000000e+00 : f32
    %broadcast_in_dim3A_784 = vector.broadcast %jit3A_783 : f32 to vector<16xf32>
    %select_n3A_785 = arith.select %ge3A_782, %gather3A_777, %broadcast_in_dim3A_784 : vector<16xi1>, vector<16xf32>
    %add3A_786 = arith.addf %get3A_779, %select_n3A_785 : vector<16xf32>
    %swap3A_787 = arith.constant 48 : index
    %swap3A_788 = tpu.vector_load %arg11[%swap3A_787] {strides = array<i32>} : memref<112xf32, #tpu.memory_space<vmem>>, vector<16xf32>,
    tpu.vector_store %arg11[%swap3A_787], %add3A_786 {strides = array<i32>} : memref<112xf32, #tpu.memory_space<vmem>>, vector<16xf32>,
    %add3A_789 = arith.constant 64 : i32
    %add3A_790 = vector.broadcast %add3A_789 : i32 to vector<16xi32>
    %add3A_791 = arith.addi %iota3A, %add3A_790 : vector<16xi32>
    %sub3A_792 = arith.constant 16 : i32
    %sub3A_793 = vector.broadcast %sub3A_792 : i32 to vector<16xi32>
    %sub3A_794 = arith.subi %add3A_791, %sub3A_793 : vector<16xi32>
    %max3A_795 = arith.constant 0 : i32
    %max3A_796 = vector.broadcast %max3A_795 : i32 to vector<16xi32>
    %max3A_797 = arith.maxsi %sub3A_794, %max3A_796 : vector<16xi32>
    %gather3A_798 = tpu.vector_load_idx %arg12[%max3A_797] : memref<112xf32, #tpu.memory_space<vmem>>[vector<16xi32>], vector<16xf32>,
    %get3A_799 = arith.constant 64 : index
    %get3A_800 = tpu.vector_load %arg12[%get3A_799] {strides = array<i32>} : memref<112xf32, #tpu.memory_space<vmem>>, vector<16xf32>,
    %ge3A_801 = arith.constant 16 : i32
    %ge3A_802 = vector.broadcast %ge3A_801 : i32 to vector<16xi32>
    %ge3A_803 = arith.cmpi sge, %add3A_791, %ge3A_802 : vector<16xi32>
    %jit3A_804 = arith.constant 0.000000e+00 : f32
    %broadcast_in_dim3A_805 = vector.broadcast %jit3A_804 : f32 to vector<16xf32>
    %select_n3A_806 = arith.select %ge3A_803, %gather3A_798, %broadcast_in_dim3A_805 : vector<16xi1>, vector<16xf32>
    %add3A_807 = arith.addf %get3A_800, %select_n3A_806 : vector<16xf32>
    %swap3A_808 = arith.constant 64 : index
    %swap3A_809 = tpu.vector_load %arg11[%swap3A_808] {strides = array<i32>} : memref<112xf32, #tpu.memory_space<vmem>>, vector<16xf32>,
    tpu.vector_store %arg11[%swap3A_808], %add3A_807 {strides = array<i32>} : memref<112xf32, #tpu.memory_space<vmem>>, vector<16xf32>,
    %add3A_810 = arith.constant 80 : i32
    %add3A_811 = vector.broadcast %add3A_810 : i32 to vector<16xi32>
    %add3A_812 = arith.addi %iota3A, %add3A_811 : vector<16xi32>
    %sub3A_813 = arith.constant 16 : i32
    %sub3A_814 = vector.broadcast %sub3A_813 : i32 to vector<16xi32>
    %sub3A_815 = arith.subi %add3A_812, %sub3A_814 : vector<16xi32>
    %max3A_816 = arith.constant 0 : i32
    %max3A_817 = vector.broadcast %max3A_816 : i32 to vector<16xi32>
    %max3A_818 = arith.maxsi %sub3A_815, %max3A_817 : vector<16xi32>
    %gather3A_819 = tpu.vector_load_idx %arg12[%max3A_818] : memref<112xf32, #tpu.memory_space<vmem>>[vector<16xi32>], vector<16xf32>,
    %get3A_820 = arith.constant 80 : index
    %get3A_821 = tpu.vector_load %arg12[%get3A_820] {strides = array<i32>} : memref<112xf32, #tpu.memory_space<vmem>>, vector<16xf32>,
    %ge3A_822 = arith.constant 16 : i32
    %ge3A_823 = vector.broadcast %ge3A_822 : i32 to vector<16xi32>
    %ge3A_824 = arith.cmpi sge, %add3A_812, %ge3A_823 : vector<16xi32>
    %jit3A_825 = arith.constant 0.000000e+00 : f32
    %broadcast_in_dim3A_826 = vector.broadcast %jit3A_825 : f32 to vector<16xf32>
    %select_n3A_827 = arith.select %ge3A_824, %gather3A_819, %broadcast_in_dim3A_826 : vector<16xi1>, vector<16xf32>
    %add3A_828 = arith.addf %get3A_821, %select_n3A_827 : vector<16xf32>
    %swap3A_829 = arith.constant 80 : index
    %swap3A_830 = tpu.vector_load %arg11[%swap3A_829] {strides = array<i32>} : memref<112xf32, #tpu.memory_space<vmem>>, vector<16xf32>,
    tpu.vector_store %arg11[%swap3A_829], %add3A_828 {strides = array<i32>} : memref<112xf32, #tpu.memory_space<vmem>>, vector<16xf32>,
    %add3A_831 = arith.constant 96 : i32
    %add3A_832 = vector.broadcast %add3A_831 : i32 to vector<16xi32>
    %add3A_833 = arith.addi %iota3A, %add3A_832 : vector<16xi32>
    %sub3A_834 = arith.constant 16 : i32
    %sub3A_835 = vector.broadcast %sub3A_834 : i32 to vector<16xi32>
    %sub3A_836 = arith.subi %add3A_833, %sub3A_835 : vector<16xi32>
    %max3A_837 = arith.constant 0 : i32
    %max3A_838 = vector.broadcast %max3A_837 : i32 to vector<16xi32>
    %max3A_839 = arith.maxsi %sub3A_836, %max3A_838 : vector<16xi32>
    %gather3A_840 = tpu.vector_load_idx %arg12[%max3A_839] : memref<112xf32, #tpu.memory_space<vmem>>[vector<16xi32>], vector<16xf32>,
    %get3A_841 = arith.constant 96 : index
    %get3A_842 = tpu.vector_load %arg12[%get3A_841] {strides = array<i32>} : memref<112xf32, #tpu.memory_space<vmem>>, vector<16xf32>,
    %ge3A_843 = arith.constant 16 : i32
    %ge3A_844 = vector.broadcast %ge3A_843 : i32 to vector<16xi32>
    %ge3A_845 = arith.cmpi sge, %add3A_833, %ge3A_844 : vector<16xi32>
    %jit3A_846 = arith.constant 0.000000e+00 : f32
    %broadcast_in_dim3A_847 = vector.broadcast %jit3A_846 : f32 to vector<16xf32>
    %select_n3A_848 = arith.select %ge3A_845, %gather3A_840, %broadcast_in_dim3A_847 : vector<16xi1>, vector<16xf32>
    %add3A_849 = arith.addf %get3A_842, %select_n3A_848 : vector<16xf32>
    %swap3A_850 = arith.constant 96 : index
    %swap3A_851 = tpu.vector_load %arg11[%swap3A_850] {strides = array<i32>} : memref<112xf32, #tpu.memory_space<vmem>>, vector<16xf32>,
    tpu.vector_store %arg11[%swap3A_850], %add3A_849 {strides = array<i32>} : memref<112xf32, #tpu.memory_space<vmem>>, vector<16xf32>,
    %add3A_852 = arith.constant 0 : i32
    %add3A_853 = vector.broadcast %add3A_852 : i32 to vector<16xi32>
    %add3A_854 = arith.addi %iota3A, %add3A_853 : vector<16xi32>
    %sub3A_855 = arith.constant 32 : i32
    %sub3A_856 = vector.broadcast %sub3A_855 : i32 to vector<16xi32>
    %sub3A_857 = arith.subi %add3A_854, %sub3A_856 : vector<16xi32>
    %max3A_858 = arith.constant 0 : i32
    %max3A_859 = vector.broadcast %max3A_858 : i32 to vector<16xi32>
    %max3A_860 = arith.maxsi %sub3A_857, %max3A_859 : vector<16xi32>
    %gather3A_861 = tpu.vector_load_idx %arg11[%max3A_860] : memref<112xf32, #tpu.memory_space<vmem>>[vector<16xi32>], vector<16xf32>,
    %get3A_862 = arith.constant 0 : index
    %get3A_863 = tpu.vector_load %arg11[%get3A_862] {strides = array<i32>} : memref<112xf32, #tpu.memory_space<vmem>>, vector<16xf32>,
    %ge3A_864 = arith.constant 32 : i32
    %ge3A_865 = vector.broadcast %ge3A_864 : i32 to vector<16xi32>
    %ge3A_866 = arith.cmpi sge, %add3A_854, %ge3A_865 : vector<16xi32>
    %jit3A_867 = arith.constant 0.000000e+00 : f32
    %broadcast_in_dim3A_868 = vector.broadcast %jit3A_867 : f32 to vector<16xf32>
    %select_n3A_869 = arith.select %ge3A_866, %gather3A_861, %broadcast_in_dim3A_868 : vector<16xi1>, vector<16xf32>
    %add3A_870 = arith.addf %get3A_863, %select_n3A_869 : vector<16xf32>
    %swap3A_871 = arith.constant 0 : index
    %swap3A_872 = tpu.vector_load %arg12[%swap3A_871] {strides = array<i32>} : memref<112xf32, #tpu.memory_space<vmem>>, vector<16xf32>,
    tpu.vector_store %arg12[%swap3A_871], %add3A_870 {strides = array<i32>} : memref<112xf32, #tpu.memory_space<vmem>>, vector<16xf32>,
    %add3A_873 = arith.constant 16 : i32
    %add3A_874 = vector.broadcast %add3A_873 : i32 to vector<16xi32>
    %add3A_875 = arith.addi %iota3A, %add3A_874 : vector<16xi32>
    %sub3A_876 = arith.constant 32 : i32
    %sub3A_877 = vector.broadcast %sub3A_876 : i32 to vector<16xi32>
    %sub3A_878 = arith.subi %add3A_875, %sub3A_877 : vector<16xi32>
    %max3A_879 = arith.constant 0 : i32
    %max3A_880 = vector.broadcast %max3A_879 : i32 to vector<16xi32>
    %max3A_881 = arith.maxsi %sub3A_878, %max3A_880 : vector<16xi32>
    %gather3A_882 = tpu.vector_load_idx %arg11[%max3A_881] : memref<112xf32, #tpu.memory_space<vmem>>[vector<16xi32>], vector<16xf32>,
    %get3A_883 = arith.constant 16 : index
    %get3A_884 = tpu.vector_load %arg11[%get3A_883] {strides = array<i32>} : memref<112xf32, #tpu.memory_space<vmem>>, vector<16xf32>,
    %ge3A_885 = arith.constant 32 : i32
    %ge3A_886 = vector.broadcast %ge3A_885 : i32 to vector<16xi32>
    %ge3A_887 = arith.cmpi sge, %add3A_875, %ge3A_886 : vector<16xi32>
    %jit3A_888 = arith.constant 0.000000e+00 : f32
    %broadcast_in_dim3A_889 = vector.broadcast %jit3A_888 : f32 to vector<16xf32>
    %select_n3A_890 = arith.select %ge3A_887, %gather3A_882, %broadcast_in_dim3A_889 : vector<16xi1>, vector<16xf32>
    %add3A_891 = arith.addf %get3A_884, %select_n3A_890 : vector<16xf32>
    %swap3A_892 = arith.constant 16 : index
    %swap3A_893 = tpu.vector_load %arg12[%swap3A_892] {strides = array<i32>} : memref<112xf32, #tpu.memory_space<vmem>>, vector<16xf32>,
    tpu.vector_store %arg12[%swap3A_892], %add3A_891 {strides = array<i32>} : memref<112xf32, #tpu.memory_space<vmem>>, vector<16xf32>,
    %add3A_894 = arith.constant 32 : i32
    %add3A_895 = vector.broadcast %add3A_894 : i32 to vector<16xi32>
    %add3A_896 = arith.addi %iota3A, %add3A_895 : vector<16xi32>
    %sub3A_897 = arith.constant 32 : i32
    %sub3A_898 = vector.broadcast %sub3A_897 : i32 to vector<16xi32>
    %sub3A_899 = arith.subi %add3A_896, %sub3A_898 : vector<16xi32>
    %max3A_900 = arith.constant 0 : i32
    %max3A_901 = vector.broadcast %max3A_900 : i32 to vector<16xi32>
    %max3A_902 = arith.maxsi %sub3A_899, %max3A_901 : vector<16xi32>
    %gather3A_903 = tpu.vector_load_idx %arg11[%max3A_902] : memref<112xf32, #tpu.memory_space<vmem>>[vector<16xi32>], vector<16xf32>,
    %get3A_904 = arith.constant 32 : index
    %get3A_905 = tpu.vector_load %arg11[%get3A_904] {strides = array<i32>} : memref<112xf32, #tpu.memory_space<vmem>>, vector<16xf32>,
    %ge3A_906 = arith.constant 32 : i32
    %ge3A_907 = vector.broadcast %ge3A_906 : i32 to vector<16xi32>
    %ge3A_908 = arith.cmpi sge, %add3A_896, %ge3A_907 : vector<16xi32>
    %jit3A_909 = arith.constant 0.000000e+00 : f32
    %broadcast_in_dim3A_910 = vector.broadcast %jit3A_909 : f32 to vector<16xf32>
    %select_n3A_911 = arith.select %ge3A_908, %gather3A_903, %broadcast_in_dim3A_910 : vector<16xi1>, vector<16xf32>
    %add3A_912 = arith.addf %get3A_905, %select_n3A_911 : vector<16xf32>
    %swap3A_913 = arith.constant 32 : index
    %swap3A_914 = tpu.vector_load %arg12[%swap3A_913] {strides = array<i32>} : memref<112xf32, #tpu.memory_space<vmem>>, vector<16xf32>,
    tpu.vector_store %arg12[%swap3A_913], %add3A_912 {strides = array<i32>} : memref<112xf32, #tpu.memory_space<vmem>>, vector<16xf32>,
    %add3A_915 = arith.constant 48 : i32
    %add3A_916 = vector.broadcast %add3A_915 : i32 to vector<16xi32>
    %add3A_917 = arith.addi %iota3A, %add3A_916 : vector<16xi32>
    %sub3A_918 = arith.constant 32 : i32
    %sub3A_919 = vector.broadcast %sub3A_918 : i32 to vector<16xi32>
    %sub3A_920 = arith.subi %add3A_917, %sub3A_919 : vector<16xi32>
    %max3A_921 = arith.constant 0 : i32
    %max3A_922 = vector.broadcast %max3A_921 : i32 to vector<16xi32>
    %max3A_923 = arith.maxsi %sub3A_920, %max3A_922 : vector<16xi32>
    %gather3A_924 = tpu.vector_load_idx %arg11[%max3A_923] : memref<112xf32, #tpu.memory_space<vmem>>[vector<16xi32>], vector<16xf32>,
    %get3A_925 = arith.constant 48 : index
    %get3A_926 = tpu.vector_load %arg11[%get3A_925] {strides = array<i32>} : memref<112xf32, #tpu.memory_space<vmem>>, vector<16xf32>,
    %ge3A_927 = arith.constant 32 : i32
    %ge3A_928 = vector.broadcast %ge3A_927 : i32 to vector<16xi32>
    %ge3A_929 = arith.cmpi sge, %add3A_917, %ge3A_928 : vector<16xi32>
    %jit3A_930 = arith.constant 0.000000e+00 : f32
    %broadcast_in_dim3A_931 = vector.broadcast %jit3A_930 : f32 to vector<16xf32>
    %select_n3A_932 = arith.select %ge3A_929, %gather3A_924, %broadcast_in_dim3A_931 : vector<16xi1>, vector<16xf32>
    %add3A_933 = arith.addf %get3A_926, %select_n3A_932 : vector<16xf32>
    %swap3A_934 = arith.constant 48 : index
    %swap3A_935 = tpu.vector_load %arg12[%swap3A_934] {strides = array<i32>} : memref<112xf32, #tpu.memory_space<vmem>>, vector<16xf32>,
    tpu.vector_store %arg12[%swap3A_934], %add3A_933 {strides = array<i32>} : memref<112xf32, #tpu.memory_space<vmem>>, vector<16xf32>,
    %add3A_936 = arith.constant 64 : i32
    %add3A_937 = vector.broadcast %add3A_936 : i32 to vector<16xi32>
    %add3A_938 = arith.addi %iota3A, %add3A_937 : vector<16xi32>
    %sub3A_939 = arith.constant 32 : i32
    %sub3A_940 = vector.broadcast %sub3A_939 : i32 to vector<16xi32>
    %sub3A_941 = arith.subi %add3A_938, %sub3A_940 : vector<16xi32>
    %max3A_942 = arith.constant 0 : i32
    %max3A_943 = vector.broadcast %max3A_942 : i32 to vector<16xi32>
    %max3A_944 = arith.maxsi %sub3A_941, %max3A_943 : vector<16xi32>
    %gather3A_945 = tpu.vector_load_idx %arg11[%max3A_944] : memref<112xf32, #tpu.memory_space<vmem>>[vector<16xi32>], vector<16xf32>,
    %get3A_946 = arith.constant 64 : index
    %get3A_947 = tpu.vector_load %arg11[%get3A_946] {strides = array<i32>} : memref<112xf32, #tpu.memory_space<vmem>>, vector<16xf32>,
    %ge3A_948 = arith.constant 32 : i32
    %ge3A_949 = vector.broadcast %ge3A_948 : i32 to vector<16xi32>
    %ge3A_950 = arith.cmpi sge, %add3A_938, %ge3A_949 : vector<16xi32>
    %jit3A_951 = arith.constant 0.000000e+00 : f32
    %broadcast_in_dim3A_952 = vector.broadcast %jit3A_951 : f32 to vector<16xf32>
    %select_n3A_953 = arith.select %ge3A_950, %gather3A_945, %broadcast_in_dim3A_952 : vector<16xi1>, vector<16xf32>
    %add3A_954 = arith.addf %get3A_947, %select_n3A_953 : vector<16xf32>
    %swap3A_955 = arith.constant 64 : index
    %swap3A_956 = tpu.vector_load %arg12[%swap3A_955] {strides = array<i32>} : memref<112xf32, #tpu.memory_space<vmem>>, vector<16xf32>,
    tpu.vector_store %arg12[%swap3A_955], %add3A_954 {strides = array<i32>} : memref<112xf32, #tpu.memory_space<vmem>>, vector<16xf32>,
    %add3A_957 = arith.constant 80 : i32
    %add3A_958 = vector.broadcast %add3A_957 : i32 to vector<16xi32>
    %add3A_959 = arith.addi %iota3A, %add3A_958 : vector<16xi32>
    %sub3A_960 = arith.constant 32 : i32
    %sub3A_961 = vector.broadcast %sub3A_960 : i32 to vector<16xi32>
    %sub3A_962 = arith.subi %add3A_959, %sub3A_961 : vector<16xi32>
    %max3A_963 = arith.constant 0 : i32
    %max3A_964 = vector.broadcast %max3A_963 : i32 to vector<16xi32>
    %max3A_965 = arith.maxsi %sub3A_962, %max3A_964 : vector<16xi32>
    %gather3A_966 = tpu.vector_load_idx %arg11[%max3A_965] : memref<112xf32, #tpu.memory_space<vmem>>[vector<16xi32>], vector<16xf32>,
    %get3A_967 = arith.constant 80 : index
    %get3A_968 = tpu.vector_load %arg11[%get3A_967] {strides = array<i32>} : memref<112xf32, #tpu.memory_space<vmem>>, vector<16xf32>,
    %ge3A_969 = arith.constant 32 : i32
    %ge3A_970 = vector.broadcast %ge3A_969 : i32 to vector<16xi32>
    %ge3A_971 = arith.cmpi sge, %add3A_959, %ge3A_970 : vector<16xi32>
    %jit3A_972 = arith.constant 0.000000e+00 : f32
    %broadcast_in_dim3A_973 = vector.broadcast %jit3A_972 : f32 to vector<16xf32>
    %select_n3A_974 = arith.select %ge3A_971, %gather3A_966, %broadcast_in_dim3A_973 : vector<16xi1>, vector<16xf32>
    %add3A_975 = arith.addf %get3A_968, %select_n3A_974 : vector<16xf32>
    %swap3A_976 = arith.constant 80 : index
    %swap3A_977 = tpu.vector_load %arg12[%swap3A_976] {strides = array<i32>} : memref<112xf32, #tpu.memory_space<vmem>>, vector<16xf32>,
    tpu.vector_store %arg12[%swap3A_976], %add3A_975 {strides = array<i32>} : memref<112xf32, #tpu.memory_space<vmem>>, vector<16xf32>,
    %add3A_978 = arith.constant 96 : i32
    %add3A_979 = vector.broadcast %add3A_978 : i32 to vector<16xi32>
    %add3A_980 = arith.addi %iota3A, %add3A_979 : vector<16xi32>
    %sub3A_981 = arith.constant 32 : i32
    %sub3A_982 = vector.broadcast %sub3A_981 : i32 to vector<16xi32>
    %sub3A_983 = arith.subi %add3A_980, %sub3A_982 : vector<16xi32>
    %max3A_984 = arith.constant 0 : i32
    %max3A_985 = vector.broadcast %max3A_984 : i32 to vector<16xi32>
    %max3A_986 = arith.maxsi %sub3A_983, %max3A_985 : vector<16xi32>
    %gather3A_987 = tpu.vector_load_idx %arg11[%max3A_986] : memref<112xf32, #tpu.memory_space<vmem>>[vector<16xi32>], vector<16xf32>,
    %get3A_988 = arith.constant 96 : index
    %get3A_989 = tpu.vector_load %arg11[%get3A_988] {strides = array<i32>} : memref<112xf32, #tpu.memory_space<vmem>>, vector<16xf32>,
    %ge3A_990 = arith.constant 32 : i32
    %ge3A_991 = vector.broadcast %ge3A_990 : i32 to vector<16xi32>
    %ge3A_992 = arith.cmpi sge, %add3A_980, %ge3A_991 : vector<16xi32>
    %jit3A_993 = arith.constant 0.000000e+00 : f32
    %broadcast_in_dim3A_994 = vector.broadcast %jit3A_993 : f32 to vector<16xf32>
    %select_n3A_995 = arith.select %ge3A_992, %gather3A_987, %broadcast_in_dim3A_994 : vector<16xi1>, vector<16xf32>
    %add3A_996 = arith.addf %get3A_989, %select_n3A_995 : vector<16xf32>
    %swap3A_997 = arith.constant 96 : index
    %swap3A_998 = tpu.vector_load %arg12[%swap3A_997] {strides = array<i32>} : memref<112xf32, #tpu.memory_space<vmem>>, vector<16xf32>,
    tpu.vector_store %arg12[%swap3A_997], %add3A_996 {strides = array<i32>} : memref<112xf32, #tpu.memory_space<vmem>>, vector<16xf32>,
    %add3A_999 = arith.constant 0 : i32
    %add3A_1000 = vector.broadcast %add3A_999 : i32 to vector<16xi32>
    %add3A_1001 = arith.addi %iota3A, %add3A_1000 : vector<16xi32>
    %sub3A_1002 = arith.constant 64 : i32
    %sub3A_1003 = vector.broadcast %sub3A_1002 : i32 to vector<16xi32>
    %sub3A_1004 = arith.subi %add3A_1001, %sub3A_1003 : vector<16xi32>
    %max3A_1005 = arith.constant 0 : i32
    %max3A_1006 = vector.broadcast %max3A_1005 : i32 to vector<16xi32>
    %max3A_1007 = arith.maxsi %sub3A_1004, %max3A_1006 : vector<16xi32>
    %gather3A_1008 = tpu.vector_load_idx %arg12[%max3A_1007] : memref<112xf32, #tpu.memory_space<vmem>>[vector<16xi32>], vector<16xf32>,
    %get3A_1009 = arith.constant 0 : index
    %get3A_1010 = tpu.vector_load %arg12[%get3A_1009] {strides = array<i32>} : memref<112xf32, #tpu.memory_space<vmem>>, vector<16xf32>,
    %ge3A_1011 = arith.constant 64 : i32
    %ge3A_1012 = vector.broadcast %ge3A_1011 : i32 to vector<16xi32>
    %ge3A_1013 = arith.cmpi sge, %add3A_1001, %ge3A_1012 : vector<16xi32>
    %jit3A_1014 = arith.constant 0.000000e+00 : f32
    %broadcast_in_dim3A_1015 = vector.broadcast %jit3A_1014 : f32 to vector<16xf32>
    %select_n3A_1016 = arith.select %ge3A_1013, %gather3A_1008, %broadcast_in_dim3A_1015 : vector<16xi1>, vector<16xf32>
    %add3A_1017 = arith.addf %get3A_1010, %select_n3A_1016 : vector<16xf32>
    %swap3A_1018 = arith.constant 0 : index
    %swap3A_1019 = tpu.vector_load %arg11[%swap3A_1018] {strides = array<i32>} : memref<112xf32, #tpu.memory_space<vmem>>, vector<16xf32>,
    tpu.vector_store %arg11[%swap3A_1018], %add3A_1017 {strides = array<i32>} : memref<112xf32, #tpu.memory_space<vmem>>, vector<16xf32>,
    %add3A_1020 = arith.constant 16 : i32
    %add3A_1021 = vector.broadcast %add3A_1020 : i32 to vector<16xi32>
    %add3A_1022 = arith.addi %iota3A, %add3A_1021 : vector<16xi32>
    %sub3A_1023 = arith.constant 64 : i32
    %sub3A_1024 = vector.broadcast %sub3A_1023 : i32 to vector<16xi32>
    %sub3A_1025 = arith.subi %add3A_1022, %sub3A_1024 : vector<16xi32>
    %max3A_1026 = arith.constant 0 : i32
    %max3A_1027 = vector.broadcast %max3A_1026 : i32 to vector<16xi32>
    %max3A_1028 = arith.maxsi %sub3A_1025, %max3A_1027 : vector<16xi32>
    %gather3A_1029 = tpu.vector_load_idx %arg12[%max3A_1028] : memref<112xf32, #tpu.memory_space<vmem>>[vector<16xi32>], vector<16xf32>,
    %get3A_1030 = arith.constant 16 : index
    %get3A_1031 = tpu.vector_load %arg12[%get3A_1030] {strides = array<i32>} : memref<112xf32, #tpu.memory_space<vmem>>, vector<16xf32>,
    %ge3A_1032 = arith.constant 64 : i32
    %ge3A_1033 = vector.broadcast %ge3A_1032 : i32 to vector<16xi32>
    %ge3A_1034 = arith.cmpi sge, %add3A_1022, %ge3A_1033 : vector<16xi32>
    %jit3A_1035 = arith.constant 0.000000e+00 : f32
    %broadcast_in_dim3A_1036 = vector.broadcast %jit3A_1035 : f32 to vector<16xf32>
    %select_n3A_1037 = arith.select %ge3A_1034, %gather3A_1029, %broadcast_in_dim3A_1036 : vector<16xi1>, vector<16xf32>
    %add3A_1038 = arith.addf %get3A_1031, %select_n3A_1037 : vector<16xf32>
    %swap3A_1039 = arith.constant 16 : index
    %swap3A_1040 = tpu.vector_load %arg11[%swap3A_1039] {strides = array<i32>} : memref<112xf32, #tpu.memory_space<vmem>>, vector<16xf32>,
    tpu.vector_store %arg11[%swap3A_1039], %add3A_1038 {strides = array<i32>} : memref<112xf32, #tpu.memory_space<vmem>>, vector<16xf32>,
    %add3A_1041 = arith.constant 32 : i32
    %add3A_1042 = vector.broadcast %add3A_1041 : i32 to vector<16xi32>
    %add3A_1043 = arith.addi %iota3A, %add3A_1042 : vector<16xi32>
    %sub3A_1044 = arith.constant 64 : i32
    %sub3A_1045 = vector.broadcast %sub3A_1044 : i32 to vector<16xi32>
    %sub3A_1046 = arith.subi %add3A_1043, %sub3A_1045 : vector<16xi32>
    %max3A_1047 = arith.constant 0 : i32
    %max3A_1048 = vector.broadcast %max3A_1047 : i32 to vector<16xi32>
    %max3A_1049 = arith.maxsi %sub3A_1046, %max3A_1048 : vector<16xi32>
    %gather3A_1050 = tpu.vector_load_idx %arg12[%max3A_1049] : memref<112xf32, #tpu.memory_space<vmem>>[vector<16xi32>], vector<16xf32>,
    %get3A_1051 = arith.constant 32 : index
    %get3A_1052 = tpu.vector_load %arg12[%get3A_1051] {strides = array<i32>} : memref<112xf32, #tpu.memory_space<vmem>>, vector<16xf32>,
    %ge3A_1053 = arith.constant 64 : i32
    %ge3A_1054 = vector.broadcast %ge3A_1053 : i32 to vector<16xi32>
    %ge3A_1055 = arith.cmpi sge, %add3A_1043, %ge3A_1054 : vector<16xi32>
    %jit3A_1056 = arith.constant 0.000000e+00 : f32
    %broadcast_in_dim3A_1057 = vector.broadcast %jit3A_1056 : f32 to vector<16xf32>
    %select_n3A_1058 = arith.select %ge3A_1055, %gather3A_1050, %broadcast_in_dim3A_1057 : vector<16xi1>, vector<16xf32>
    %add3A_1059 = arith.addf %get3A_1052, %select_n3A_1058 : vector<16xf32>
    %swap3A_1060 = arith.constant 32 : index
    %swap3A_1061 = tpu.vector_load %arg11[%swap3A_1060] {strides = array<i32>} : memref<112xf32, #tpu.memory_space<vmem>>, vector<16xf32>,
    tpu.vector_store %arg11[%swap3A_1060], %add3A_1059 {strides = array<i32>} : memref<112xf32, #tpu.memory_space<vmem>>, vector<16xf32>,
    %add3A_1062 = arith.constant 48 : i32
    %add3A_1063 = vector.broadcast %add3A_1062 : i32 to vector<16xi32>
    %add3A_1064 = arith.addi %iota3A, %add3A_1063 : vector<16xi32>
    %sub3A_1065 = arith.constant 64 : i32
    %sub3A_1066 = vector.broadcast %sub3A_1065 : i32 to vector<16xi32>
    %sub3A_1067 = arith.subi %add3A_1064, %sub3A_1066 : vector<16xi32>
    %max3A_1068 = arith.constant 0 : i32
    %max3A_1069 = vector.broadcast %max3A_1068 : i32 to vector<16xi32>
    %max3A_1070 = arith.maxsi %sub3A_1067, %max3A_1069 : vector<16xi32>
    %gather3A_1071 = tpu.vector_load_idx %arg12[%max3A_1070] : memref<112xf32, #tpu.memory_space<vmem>>[vector<16xi32>], vector<16xf32>,
    %get3A_1072 = arith.constant 48 : index
    %get3A_1073 = tpu.vector_load %arg12[%get3A_1072] {strides = array<i32>} : memref<112xf32, #tpu.memory_space<vmem>>, vector<16xf32>,
    %ge3A_1074 = arith.constant 64 : i32
    %ge3A_1075 = vector.broadcast %ge3A_1074 : i32 to vector<16xi32>
    %ge3A_1076 = arith.cmpi sge, %add3A_1064, %ge3A_1075 : vector<16xi32>
    %jit3A_1077 = arith.constant 0.000000e+00 : f32
    %broadcast_in_dim3A_1078 = vector.broadcast %jit3A_1077 : f32 to vector<16xf32>
    %select_n3A_1079 = arith.select %ge3A_1076, %gather3A_1071, %broadcast_in_dim3A_1078 : vector<16xi1>, vector<16xf32>
    %add3A_1080 = arith.addf %get3A_1073, %select_n3A_1079 : vector<16xf32>
    %swap3A_1081 = arith.constant 48 : index
    %swap3A_1082 = tpu.vector_load %arg11[%swap3A_1081] {strides = array<i32>} : memref<112xf32, #tpu.memory_space<vmem>>, vector<16xf32>,
    tpu.vector_store %arg11[%swap3A_1081], %add3A_1080 {strides = array<i32>} : memref<112xf32, #tpu.memory_space<vmem>>, vector<16xf32>,
    %add3A_1083 = arith.constant 64 : i32
    %add3A_1084 = vector.broadcast %add3A_1083 : i32 to vector<16xi32>
    %add3A_1085 = arith.addi %iota3A, %add3A_1084 : vector<16xi32>
    %sub3A_1086 = arith.constant 64 : i32
    %sub3A_1087 = vector.broadcast %sub3A_1086 : i32 to vector<16xi32>
    %sub3A_1088 = arith.subi %add3A_1085, %sub3A_1087 : vector<16xi32>
    %max3A_1089 = arith.constant 0 : i32
    %max3A_1090 = vector.broadcast %max3A_1089 : i32 to vector<16xi32>
    %max3A_1091 = arith.maxsi %sub3A_1088, %max3A_1090 : vector<16xi32>
    %gather3A_1092 = tpu.vector_load_idx %arg12[%max3A_1091] : memref<112xf32, #tpu.memory_space<vmem>>[vector<16xi32>], vector<16xf32>,
    %get3A_1093 = arith.constant 64 : index
    %get3A_1094 = tpu.vector_load %arg12[%get3A_1093] {strides = array<i32>} : memref<112xf32, #tpu.memory_space<vmem>>, vector<16xf32>,
    %ge3A_1095 = arith.constant 64 : i32
    %ge3A_1096 = vector.broadcast %ge3A_1095 : i32 to vector<16xi32>
    %ge3A_1097 = arith.cmpi sge, %add3A_1085, %ge3A_1096 : vector<16xi32>
    %jit3A_1098 = arith.constant 0.000000e+00 : f32
    %broadcast_in_dim3A_1099 = vector.broadcast %jit3A_1098 : f32 to vector<16xf32>
    %select_n3A_1100 = arith.select %ge3A_1097, %gather3A_1092, %broadcast_in_dim3A_1099 : vector<16xi1>, vector<16xf32>
    %add3A_1101 = arith.addf %get3A_1094, %select_n3A_1100 : vector<16xf32>
    %swap3A_1102 = arith.constant 64 : index
    %swap3A_1103 = tpu.vector_load %arg11[%swap3A_1102] {strides = array<i32>} : memref<112xf32, #tpu.memory_space<vmem>>, vector<16xf32>,
    tpu.vector_store %arg11[%swap3A_1102], %add3A_1101 {strides = array<i32>} : memref<112xf32, #tpu.memory_space<vmem>>, vector<16xf32>,
    %add3A_1104 = arith.constant 80 : i32
    %add3A_1105 = vector.broadcast %add3A_1104 : i32 to vector<16xi32>
    %add3A_1106 = arith.addi %iota3A, %add3A_1105 : vector<16xi32>
    %sub3A_1107 = arith.constant 64 : i32
    %sub3A_1108 = vector.broadcast %sub3A_1107 : i32 to vector<16xi32>
    %sub3A_1109 = arith.subi %add3A_1106, %sub3A_1108 : vector<16xi32>
    %max3A_1110 = arith.constant 0 : i32
    %max3A_1111 = vector.broadcast %max3A_1110 : i32 to vector<16xi32>
    %max3A_1112 = arith.maxsi %sub3A_1109, %max3A_1111 : vector<16xi32>
    %gather3A_1113 = tpu.vector_load_idx %arg12[%max3A_1112] : memref<112xf32, #tpu.memory_space<vmem>>[vector<16xi32>], vector<16xf32>,
    %get3A_1114 = arith.constant 80 : index
    %get3A_1115 = tpu.vector_load %arg12[%get3A_1114] {strides = array<i32>} : memref<112xf32, #tpu.memory_space<vmem>>, vector<16xf32>,
    %ge3A_1116 = arith.constant 64 : i32
    %ge3A_1117 = vector.broadcast %ge3A_1116 : i32 to vector<16xi32>
    %ge3A_1118 = arith.cmpi sge, %add3A_1106, %ge3A_1117 : vector<16xi32>
    %jit3A_1119 = arith.constant 0.000000e+00 : f32
    %broadcast_in_dim3A_1120 = vector.broadcast %jit3A_1119 : f32 to vector<16xf32>
    %select_n3A_1121 = arith.select %ge3A_1118, %gather3A_1113, %broadcast_in_dim3A_1120 : vector<16xi1>, vector<16xf32>
    %add3A_1122 = arith.addf %get3A_1115, %select_n3A_1121 : vector<16xf32>
    %swap3A_1123 = arith.constant 80 : index
    %swap3A_1124 = tpu.vector_load %arg11[%swap3A_1123] {strides = array<i32>} : memref<112xf32, #tpu.memory_space<vmem>>, vector<16xf32>,
    tpu.vector_store %arg11[%swap3A_1123], %add3A_1122 {strides = array<i32>} : memref<112xf32, #tpu.memory_space<vmem>>, vector<16xf32>,
    %add3A_1125 = arith.constant 96 : i32
    %add3A_1126 = vector.broadcast %add3A_1125 : i32 to vector<16xi32>
    %add3A_1127 = arith.addi %iota3A, %add3A_1126 : vector<16xi32>
    %sub3A_1128 = arith.constant 64 : i32
    %sub3A_1129 = vector.broadcast %sub3A_1128 : i32 to vector<16xi32>
    %sub3A_1130 = arith.subi %add3A_1127, %sub3A_1129 : vector<16xi32>
    %max3A_1131 = arith.constant 0 : i32
    %max3A_1132 = vector.broadcast %max3A_1131 : i32 to vector<16xi32>
    %max3A_1133 = arith.maxsi %sub3A_1130, %max3A_1132 : vector<16xi32>
    %gather3A_1134 = tpu.vector_load_idx %arg12[%max3A_1133] : memref<112xf32, #tpu.memory_space<vmem>>[vector<16xi32>], vector<16xf32>,
    %get3A_1135 = arith.constant 96 : index
    %get3A_1136 = tpu.vector_load %arg12[%get3A_1135] {strides = array<i32>} : memref<112xf32, #tpu.memory_space<vmem>>, vector<16xf32>,
    %ge3A_1137 = arith.constant 64 : i32
    %ge3A_1138 = vector.broadcast %ge3A_1137 : i32 to vector<16xi32>
    %ge3A_1139 = arith.cmpi sge, %add3A_1127, %ge3A_1138 : vector<16xi32>
    %jit3A_1140 = arith.constant 0.000000e+00 : f32
    %broadcast_in_dim3A_1141 = vector.broadcast %jit3A_1140 : f32 to vector<16xf32>
    %select_n3A_1142 = arith.select %ge3A_1139, %gather3A_1134, %broadcast_in_dim3A_1141 : vector<16xi1>, vector<16xf32>
    %add3A_1143 = arith.addf %get3A_1136, %select_n3A_1142 : vector<16xf32>
    %swap3A_1144 = arith.constant 96 : index
    %swap3A_1145 = tpu.vector_load %arg11[%swap3A_1144] {strides = array<i32>} : memref<112xf32, #tpu.memory_space<vmem>>, vector<16xf32>,
    tpu.vector_store %arg11[%swap3A_1144], %add3A_1143 {strides = array<i32>} : memref<112xf32, #tpu.memory_space<vmem>>, vector<16xf32>,
    %dma_wait3A = arith.constant 0 : i32
    %dma_wait3A_1146 = arith.constant 0 : i32
    %dma_wait3A_1147 = tpu.memref_slice %arg7[%dma_wait3A_1146] : memref<31312xf32, #tpu.memory_space<vmem>> -> memref<31248xf32, #tpu.memory_space<vmem>>
    %dma_wait3A_1148 = tpu.memref_slice %arg2[%dma_wait3A, %mul3A_8] : memref<1x1000000xf32, #tpu.memory_space<hbm>> -> memref<1x31248xf32, #tpu.memory_space<hbm>>
    %dma_wait3A_1149 = tpu.memref_squeeze %dma_wait3A_1148 : memref<1x31248xf32, #tpu.memory_space<hbm>> -> memref<31248xf32, #tpu.memory_space<hbm>>
    %dma_wait3A_1150 = arith.constant 0 : i32
    %dma_wait3A_1151 = tpu.memref_slice %arg7[%dma_wait3A_1150] : memref<31312xf32, #tpu.memory_space<vmem>> -> memref<31248xf32, #tpu.memory_space<vmem>>
    %dma_wait3A_1152 = tpu.memref_slice %arg2[%dma_wait3A, %mul3A_8] : memref<1x1000000xf32, #tpu.memory_space<hbm>> -> memref<1x31248xf32, #tpu.memory_space<hbm>>
    %dma_wait3A_1153 = tpu.memref_squeeze %dma_wait3A_1152 : memref<1x31248xf32, #tpu.memory_space<hbm>> -> memref<31248xf32, #tpu.memory_space<hbm>>
    tpu.wait_dma2 semaphore(%arg15 : memref<!tpu.dma_semaphore, #tpu.memory_space<semaphore_mem>>) src(%dma_wait3A_1153 : memref<31248xf32, #tpu.memory_space<hbm>>) dst(%dma_wait3A_1151 : memref<31248xf32, #tpu.memory_space<vmem>>)
    %parallel_loop3A = arith.constant 0 : i32
    %parallel_loop3A_1154 = arith.constant 1953 : i32
    %parallel_loop3A_1155 = arith.constant 1 : i32
    scf.for %parallel_loop3A_1161 = %parallel_loop3A to %parallel_loop3A_1154 step %parallel_loop3A_1155  : i32 {
      %parallel_loop3A_1162 = arith.constant 16 : i32
      %parallel_loop3A_1163 = arith.muli %parallel_loop3A_1161, %parallel_loop3A_1162 : i32
      %parallel_loop3A_1164 = vector.broadcast %parallel_loop3A_1163 : i32 to vector<16xi32>
      %parallel_loop3A_1165 = arith.addi %iota3A, %parallel_loop3A_1164 : vector<16xi32>
      %parallel_loop3A_1166 = tpu.vector_load_idx %arg7[%parallel_loop3A_1165] : memref<31312xf32, #tpu.memory_space<vmem>>[vector<16xi32>], vector<16xf32>,
      %parallel_loop3A_1167 = arith.constant -5.000000e+00 : f32
      %parallel_loop3A_1168 = vector.broadcast %parallel_loop3A_1167 : f32 to vector<16xf32>
      %parallel_loop3A_1169 = arith.subf %parallel_loop3A_1166, %parallel_loop3A_1168 : vector<16xf32>
      %parallel_loop3A_1170 = arith.constant 9.89999961 : f32
      %parallel_loop3A_1171 = vector.broadcast %parallel_loop3A_1170 : f32 to vector<16xf32>
      %parallel_loop3A_1172 = arith.mulf %parallel_loop3A_1169, %parallel_loop3A_1171 : vector<16xf32>
      %parallel_loop3A_1173 = arith.constant 0.000000e+00 : f32
      %parallel_loop3A_1174 = vector.broadcast %parallel_loop3A_1173 : f32 to vector<16xf32>
      %parallel_loop3A_1175 = arith.maximumf %parallel_loop3A_1172, %parallel_loop3A_1174 : vector<16xf32>
      %parallel_loop3A_1176 = arith.constant 9.900000e+01 : f32
      %parallel_loop3A_1177 = vector.broadcast %parallel_loop3A_1176 : f32 to vector<16xf32>
      %parallel_loop3A_1178 = arith.minimumf %parallel_loop3A_1175, %parallel_loop3A_1177 : vector<16xf32>
      %parallel_loop3A_1179 = arith.fptosi %parallel_loop3A_1178 : vector<16xf32> to vector<16xi32>
      %parallel_loop3A_1180 = arith.constant 99 : i32
      %parallel_loop3A_1181 = vector.broadcast %parallel_loop3A_1180 : i32 to vector<16xi32>
      %parallel_loop3A_1182 = arith.minsi %parallel_loop3A_1179, %parallel_loop3A_1181 : vector<16xi32>
      %parallel_loop3A_1183 = tpu.vector_load_idx %arg9[%parallel_loop3A_1182] : memref<112xf32, #tpu.memory_space<vmem>>[vector<16xi32>], vector<16xf32>,
      %parallel_loop3A_1184 = arith.constant 1 : i32
      %parallel_loop3A_1185 = vector.broadcast %parallel_loop3A_1184 : i32 to vector<16xi32>
      %parallel_loop3A_1186 = arith.addi %parallel_loop3A_1182, %parallel_loop3A_1185 : vector<16xi32>
      %parallel_loop3A_1187 = tpu.vector_load_idx %arg9[%parallel_loop3A_1186] : memref<112xf32, #tpu.memory_space<vmem>>[vector<16xi32>], vector<16xf32>,
      %parallel_loop3A_1188 = arith.cmpf oge, %parallel_loop3A_1166, %parallel_loop3A_1183 : vector<16xf32>
      %parallel_loop3A_1189 = arith.constant 1 : i32
      %parallel_loop3A_1190 = arith.constant 0 : i32
      %parallel_loop3A_1191 = vector.broadcast %parallel_loop3A_1189 : i32 to vector<16xi32>
      %parallel_loop3A_1192 = vector.broadcast %parallel_loop3A_1190 : i32 to vector<16xi32>
      %parallel_loop3A_1193 = arith.select %parallel_loop3A_1188, %parallel_loop3A_1191, %parallel_loop3A_1192 : vector<16xi1>, vector<16xi32>
      %parallel_loop3A_1194 = arith.addi %parallel_loop3A_1182, %parallel_loop3A_1193 : vector<16xi32>
      %parallel_loop3A_1195 = arith.cmpf oge, %parallel_loop3A_1166, %parallel_loop3A_1187 : vector<16xf32>
      %parallel_loop3A_1196 = arith.constant 1 : i32
      %parallel_loop3A_1197 = arith.constant 0 : i32
      %parallel_loop3A_1198 = vector.broadcast %parallel_loop3A_1196 : i32 to vector<16xi32>
      %parallel_loop3A_1199 = vector.broadcast %parallel_loop3A_1197 : i32 to vector<16xi32>
      %parallel_loop3A_1200 = arith.select %parallel_loop3A_1195, %parallel_loop3A_1198, %parallel_loop3A_1199 : vector<16xi1>, vector<16xi32>
      %parallel_loop3A_1201 = arith.addi %parallel_loop3A_1194, %parallel_loop3A_1200 : vector<16xi32>
      %parallel_loop3A_1202 = arith.constant 1 : i32
      %parallel_loop3A_1203 = vector.broadcast %parallel_loop3A_1202 : i32 to vector<16xi32>
      %parallel_loop3A_1204 = arith.subi %parallel_loop3A_1201, %parallel_loop3A_1203 : vector<16xi32>
      %parallel_loop3A_1205 = arith.constant 0 : i32
      %parallel_loop3A_1206 = vector.broadcast %parallel_loop3A_1205 : i32 to vector<16xi32>
      %parallel_loop3A_1207 = arith.maxsi %parallel_loop3A_1204, %parallel_loop3A_1206 : vector<16xi32>
      %parallel_loop3A_1208 = tpu.vector_load_idx %arg10[%parallel_loop3A_1201] : memref<112xf32, #tpu.memory_space<vmem>>[vector<16xi32>], vector<16xf32>,
      %parallel_loop3A_1209 = tpu.vector_load_idx %arg9[%parallel_loop3A_1207] : memref<112xf32, #tpu.memory_space<vmem>>[vector<16xi32>], vector<16xf32>,
      %parallel_loop3A_1210 = tpu.vector_load_idx %arg11[%parallel_loop3A_1207] : memref<112xf32, #tpu.memory_space<vmem>>[vector<16xi32>], vector<16xf32>,
      %parallel_loop3A_1211 = arith.subf %parallel_loop3A_1166, %parallel_loop3A_1209 : vector<16xf32>
      %parallel_loop3A_1212 = arith.mulf %parallel_loop3A_1211, %parallel_loop3A_1208 : vector<16xf32>
      %parallel_loop3A_1213 = arith.addf %parallel_loop3A_1212, %parallel_loop3A_1210 : vector<16xf32>
      tpu.vector_store_idx %arg8[%parallel_loop3A_1165], %parallel_loop3A_1213 : memref<31312xf32, #tpu.memory_space<vmem>>[vector<16xi32>], vector<16xf32>,
    } {sc.loop_unroll_factor = 8 : i64, sc.parallel_access}
    %eq3A_1156 = arith.constant 31 : i32
    %eq3A_1157 = arith.cmpi eq, %add3A, %eq3A_1156 : i32
    %convert_element_type3A = arith.extui %eq3A_1157 : i1 to i32
    %cond3A = arith.constant 0 : i32
    %cond3A_1158 = arith.cmpi ne, %convert_element_type3A, %cond3A : i32
    scf.if %cond3A_1158 {
      %run_scoped3A_1161 = arith.constant 0 : i32
      "tpu.region"() ({
        %run_scoped3A_1366 = tpu.sem_alloc : memref<!tpu.dma_semaphore, #tpu.memory_space<semaphore_mem>>
        %dma_start3A_1367 = arith.constant 31248 : i32
        %dma_start3A_1368 = tpu.memref_slice %arg7[%dma_start3A_1367] : memref<31312xf32, #tpu.memory_space<vmem>> -> memref<64xf32, #tpu.memory_space<vmem>>
        %dma_start3A_1369 = arith.constant 999936 : i32
        %dma_start3A_1370 = tpu.memref_slice %arg2[%run_scoped3A_1161, %dma_start3A_1369] : memref<1x1000000xf32, #tpu.memory_space<hbm>> -> memref<1x64xf32, #tpu.memory_space<hbm>>
        %dma_start3A_1371 = tpu.memref_squeeze %dma_start3A_1370 : memref<1x64xf32, #tpu.memory_space<hbm>> -> memref<64xf32, #tpu.memory_space<hbm>>
        %dma_start3A_1372 = arith.constant 31248 : i32
        %dma_start3A_1373 = tpu.memref_slice %arg7[%dma_start3A_1372] : memref<31312xf32, #tpu.memory_space<vmem>> -> memref<64xf32, #tpu.memory_space<vmem>>
        %dma_start3A_1374 = arith.constant 999936 : i32
        %dma_start3A_1375 = tpu.memref_slice %arg2[%run_scoped3A_1161, %dma_start3A_1374] : memref<1x1000000xf32, #tpu.memory_space<hbm>> -> memref<1x64xf32, #tpu.memory_space<hbm>>
        %dma_start3A_1376 = tpu.memref_squeeze %dma_start3A_1375 : memref<1x64xf32, #tpu.memory_space<hbm>> -> memref<64xf32, #tpu.memory_space<hbm>>
        tpu.enqueue_dma source(%dma_start3A_1376 : memref<64xf32, #tpu.memory_space<hbm>>) target(%dma_start3A_1373 : memref<64xf32, #tpu.memory_space<vmem>>) target_semaphore(%run_scoped3A_1366 : memref<!tpu.dma_semaphore, #tpu.memory_space<semaphore_mem>>)
        %dma_wait3A_1377 = arith.constant 31248 : i32
        %dma_wait3A_1378 = tpu.memref_slice %arg7[%dma_wait3A_1377] : memref<31312xf32, #tpu.memory_space<vmem>> -> memref<64xf32, #tpu.memory_space<vmem>>
        %dma_wait3A_1379 = arith.constant 999936 : i32
        %dma_wait3A_1380 = tpu.memref_slice %arg2[%run_scoped3A_1161, %dma_wait3A_1379] : memref<1x1000000xf32, #tpu.memory_space<hbm>> -> memref<1x64xf32, #tpu.memory_space<hbm>>
        %dma_wait3A_1381 = tpu.memref_squeeze %dma_wait3A_1380 : memref<1x64xf32, #tpu.memory_space<hbm>> -> memref<64xf32, #tpu.memory_space<hbm>>
        %dma_wait3A_1382 = arith.constant 31248 : i32
        %dma_wait3A_1383 = tpu.memref_slice %arg7[%dma_wait3A_1382] : memref<31312xf32, #tpu.memory_space<vmem>> -> memref<64xf32, #tpu.memory_space<vmem>>
        %dma_wait3A_1384 = arith.constant 999936 : i32
        %dma_wait3A_1385 = tpu.memref_slice %arg2[%run_scoped3A_1161, %dma_wait3A_1384] : memref<1x1000000xf32, #tpu.memory_space<hbm>> -> memref<1x64xf32, #tpu.memory_space<hbm>>
        %dma_wait3A_1386 = tpu.memref_squeeze %dma_wait3A_1385 : memref<1x64xf32, #tpu.memory_space<hbm>> -> memref<64xf32, #tpu.memory_space<hbm>>
        tpu.wait_dma2 semaphore(%run_scoped3A_1366 : memref<!tpu.dma_semaphore, #tpu.memory_space<semaphore_mem>>) src(%dma_wait3A_1386 : memref<64xf32, #tpu.memory_space<hbm>>) dst(%dma_wait3A_1383 : memref<64xf32, #tpu.memory_space<vmem>>)
        tpu.yield
      }) : () -> ()
      %add3A_1162 = arith.constant 31248 : i32
      %add3A_1163 = vector.broadcast %add3A_1162 : i32 to vector<16xi32>
      %add3A_1164 = arith.addi %iota3A, %add3A_1163 : vector<16xi32>
      %gather3A_1165 = tpu.vector_load_idx %arg7[%add3A_1164] : memref<31312xf32, #tpu.memory_space<vmem>>[vector<16xi32>], vector<16xf32>,
      %sub3A_1166 = arith.constant -5.000000e+00 : f32
      %sub3A_1167 = vector.broadcast %sub3A_1166 : f32 to vector<16xf32>
      %sub3A_1168 = arith.subf %gather3A_1165, %sub3A_1167 : vector<16xf32>
      %mul3A_1169 = arith.constant 9.89999961 : f32
      %mul3A_1170 = vector.broadcast %mul3A_1169 : f32 to vector<16xf32>
      %mul3A_1171 = arith.mulf %sub3A_1168, %mul3A_1170 : vector<16xf32>
      %max3A_1172 = arith.constant 0.000000e+00 : f32
      %max3A_1173 = vector.broadcast %max3A_1172 : f32 to vector<16xf32>
      %max3A_1174 = arith.maximumf %mul3A_1171, %max3A_1173 : vector<16xf32>
      %min3A = arith.constant 9.900000e+01 : f32
      %min3A_1175 = vector.broadcast %min3A : f32 to vector<16xf32>
      %min3A_1176 = arith.minimumf %max3A_1174, %min3A_1175 : vector<16xf32>
      %convert_element_type3A_1177 = arith.fptosi %min3A_1176 : vector<16xf32> to vector<16xi32>
      %min3A_1178 = arith.constant 99 : i32
      %min3A_1179 = vector.broadcast %min3A_1178 : i32 to vector<16xi32>
      %min3A_1180 = arith.minsi %convert_element_type3A_1177, %min3A_1179 : vector<16xi32>
      %gather3A_1181 = tpu.vector_load_idx %arg9[%min3A_1180] : memref<112xf32, #tpu.memory_space<vmem>>[vector<16xi32>], vector<16xf32>,
      %add3A_1182 = arith.constant 1 : i32
      %add3A_1183 = vector.broadcast %add3A_1182 : i32 to vector<16xi32>
      %add3A_1184 = arith.addi %min3A_1180, %add3A_1183 : vector<16xi32>
      %gather3A_1185 = tpu.vector_load_idx %arg9[%add3A_1184] : memref<112xf32, #tpu.memory_space<vmem>>[vector<16xi32>], vector<16xf32>,
      %ge3A_1186 = arith.cmpf oge, %gather3A_1165, %gather3A_1181 : vector<16xf32>
      %jit3A_1187 = arith.constant 1 : i32
      %jit3A_1188 = arith.constant 0 : i32
      %broadcast_in_dim3A_1189 = vector.broadcast %jit3A_1187 : i32 to vector<16xi32>
      %broadcast_in_dim3A_1190 = vector.broadcast %jit3A_1188 : i32 to vector<16xi32>
      %select_n3A_1191 = arith.select %ge3A_1186, %broadcast_in_dim3A_1189, %broadcast_in_dim3A_1190 : vector<16xi1>, vector<16xi32>
      %add3A_1192 = arith.addi %min3A_1180, %select_n3A_1191 : vector<16xi32>
      %ge3A_1193 = arith.cmpf oge, %gather3A_1165, %gather3A_1185 : vector<16xf32>
      %jit3A_1194 = arith.constant 1 : i32
      %jit3A_1195 = arith.constant 0 : i32
      %broadcast_in_dim3A_1196 = vector.broadcast %jit3A_1194 : i32 to vector<16xi32>
      %broadcast_in_dim3A_1197 = vector.broadcast %jit3A_1195 : i32 to vector<16xi32>
      %select_n3A_1198 = arith.select %ge3A_1193, %broadcast_in_dim3A_1196, %broadcast_in_dim3A_1197 : vector<16xi1>, vector<16xi32>
      %add3A_1199 = arith.addi %add3A_1192, %select_n3A_1198 : vector<16xi32>
      %sub3A_1200 = arith.constant 1 : i32
      %sub3A_1201 = vector.broadcast %sub3A_1200 : i32 to vector<16xi32>
      %sub3A_1202 = arith.subi %add3A_1199, %sub3A_1201 : vector<16xi32>
      %max3A_1203 = arith.constant 0 : i32
      %max3A_1204 = vector.broadcast %max3A_1203 : i32 to vector<16xi32>
      %max3A_1205 = arith.maxsi %sub3A_1202, %max3A_1204 : vector<16xi32>
      %gather3A_1206 = tpu.vector_load_idx %arg10[%add3A_1199] : memref<112xf32, #tpu.memory_space<vmem>>[vector<16xi32>], vector<16xf32>,
      %gather3A_1207 = tpu.vector_load_idx %arg9[%max3A_1205] : memref<112xf32, #tpu.memory_space<vmem>>[vector<16xi32>], vector<16xf32>,
      %gather3A_1208 = tpu.vector_load_idx %arg11[%max3A_1205] : memref<112xf32, #tpu.memory_space<vmem>>[vector<16xi32>], vector<16xf32>,
      %sub3A_1209 = arith.subf %gather3A_1165, %gather3A_1207 : vector<16xf32>
      %mul3A_1210 = arith.mulf %sub3A_1209, %gather3A_1206 : vector<16xf32>
      %add3A_1211 = arith.addf %mul3A_1210, %gather3A_1208 : vector<16xf32>
      tpu.vector_store_idx %arg8[%add3A_1164], %add3A_1211 : memref<31312xf32, #tpu.memory_space<vmem>>[vector<16xi32>], vector<16xf32>,
      %add3A_1212 = arith.constant 31264 : i32
      %add3A_1213 = vector.broadcast %add3A_1212 : i32 to vector<16xi32>
      %add3A_1214 = arith.addi %iota3A, %add3A_1213 : vector<16xi32>
      %gather3A_1215 = tpu.vector_load_idx %arg7[%add3A_1214] : memref<31312xf32, #tpu.memory_space<vmem>>[vector<16xi32>], vector<16xf32>,
      %sub3A_1216 = arith.constant -5.000000e+00 : f32
      %sub3A_1217 = vector.broadcast %sub3A_1216 : f32 to vector<16xf32>
      %sub3A_1218 = arith.subf %gather3A_1215, %sub3A_1217 : vector<16xf32>
      %mul3A_1219 = arith.constant 9.89999961 : f32
      %mul3A_1220 = vector.broadcast %mul3A_1219 : f32 to vector<16xf32>
      %mul3A_1221 = arith.mulf %sub3A_1218, %mul3A_1220 : vector<16xf32>
      %max3A_1222 = arith.constant 0.000000e+00 : f32
      %max3A_1223 = vector.broadcast %max3A_1222 : f32 to vector<16xf32>
      %max3A_1224 = arith.maximumf %mul3A_1221, %max3A_1223 : vector<16xf32>
      %min3A_1225 = arith.constant 9.900000e+01 : f32
      %min3A_1226 = vector.broadcast %min3A_1225 : f32 to vector<16xf32>
      %min3A_1227 = arith.minimumf %max3A_1224, %min3A_1226 : vector<16xf32>
      %convert_element_type3A_1228 = arith.fptosi %min3A_1227 : vector<16xf32> to vector<16xi32>
      %min3A_1229 = arith.constant 99 : i32
      %min3A_1230 = vector.broadcast %min3A_1229 : i32 to vector<16xi32>
      %min3A_1231 = arith.minsi %convert_element_type3A_1228, %min3A_1230 : vector<16xi32>
      %gather3A_1232 = tpu.vector_load_idx %arg9[%min3A_1231] : memref<112xf32, #tpu.memory_space<vmem>>[vector<16xi32>], vector<16xf32>,
      %add3A_1233 = arith.constant 1 : i32
      %add3A_1234 = vector.broadcast %add3A_1233 : i32 to vector<16xi32>
      %add3A_1235 = arith.addi %min3A_1231, %add3A_1234 : vector<16xi32>
      %gather3A_1236 = tpu.vector_load_idx %arg9[%add3A_1235] : memref<112xf32, #tpu.memory_space<vmem>>[vector<16xi32>], vector<16xf32>,
      %ge3A_1237 = arith.cmpf oge, %gather3A_1215, %gather3A_1232 : vector<16xf32>
      %jit3A_1238 = arith.constant 1 : i32
      %jit3A_1239 = arith.constant 0 : i32
      %broadcast_in_dim3A_1240 = vector.broadcast %jit3A_1238 : i32 to vector<16xi32>
      %broadcast_in_dim3A_1241 = vector.broadcast %jit3A_1239 : i32 to vector<16xi32>
      %select_n3A_1242 = arith.select %ge3A_1237, %broadcast_in_dim3A_1240, %broadcast_in_dim3A_1241 : vector<16xi1>, vector<16xi32>
      %add3A_1243 = arith.addi %min3A_1231, %select_n3A_1242 : vector<16xi32>
      %ge3A_1244 = arith.cmpf oge, %gather3A_1215, %gather3A_1236 : vector<16xf32>
      %jit3A_1245 = arith.constant 1 : i32
      %jit3A_1246 = arith.constant 0 : i32
      %broadcast_in_dim3A_1247 = vector.broadcast %jit3A_1245 : i32 to vector<16xi32>
      %broadcast_in_dim3A_1248 = vector.broadcast %jit3A_1246 : i32 to vector<16xi32>
      %select_n3A_1249 = arith.select %ge3A_1244, %broadcast_in_dim3A_1247, %broadcast_in_dim3A_1248 : vector<16xi1>, vector<16xi32>
      %add3A_1250 = arith.addi %add3A_1243, %select_n3A_1249 : vector<16xi32>
      %sub3A_1251 = arith.constant 1 : i32
      %sub3A_1252 = vector.broadcast %sub3A_1251 : i32 to vector<16xi32>
      %sub3A_1253 = arith.subi %add3A_1250, %sub3A_1252 : vector<16xi32>
      %max3A_1254 = arith.constant 0 : i32
      %max3A_1255 = vector.broadcast %max3A_1254 : i32 to vector<16xi32>
      %max3A_1256 = arith.maxsi %sub3A_1253, %max3A_1255 : vector<16xi32>
      %gather3A_1257 = tpu.vector_load_idx %arg10[%add3A_1250] : memref<112xf32, #tpu.memory_space<vmem>>[vector<16xi32>], vector<16xf32>,
      %gather3A_1258 = tpu.vector_load_idx %arg9[%max3A_1256] : memref<112xf32, #tpu.memory_space<vmem>>[vector<16xi32>], vector<16xf32>,
      %gather3A_1259 = tpu.vector_load_idx %arg11[%max3A_1256] : memref<112xf32, #tpu.memory_space<vmem>>[vector<16xi32>], vector<16xf32>,
      %sub3A_1260 = arith.subf %gather3A_1215, %gather3A_1258 : vector<16xf32>
      %mul3A_1261 = arith.mulf %sub3A_1260, %gather3A_1257 : vector<16xf32>
      %add3A_1262 = arith.addf %mul3A_1261, %gather3A_1259 : vector<16xf32>
      tpu.vector_store_idx %arg8[%add3A_1214], %add3A_1262 : memref<31312xf32, #tpu.memory_space<vmem>>[vector<16xi32>], vector<16xf32>,
      %add3A_1263 = arith.constant 31280 : i32
      %add3A_1264 = vector.broadcast %add3A_1263 : i32 to vector<16xi32>
      %add3A_1265 = arith.addi %iota3A, %add3A_1264 : vector<16xi32>
      %gather3A_1266 = tpu.vector_load_idx %arg7[%add3A_1265] : memref<31312xf32, #tpu.memory_space<vmem>>[vector<16xi32>], vector<16xf32>,
      %sub3A_1267 = arith.constant -5.000000e+00 : f32
      %sub3A_1268 = vector.broadcast %sub3A_1267 : f32 to vector<16xf32>
      %sub3A_1269 = arith.subf %gather3A_1266, %sub3A_1268 : vector<16xf32>
      %mul3A_1270 = arith.constant 9.89999961 : f32
      %mul3A_1271 = vector.broadcast %mul3A_1270 : f32 to vector<16xf32>
      %mul3A_1272 = arith.mulf %sub3A_1269, %mul3A_1271 : vector<16xf32>
      %max3A_1273 = arith.constant 0.000000e+00 : f32
      %max3A_1274 = vector.broadcast %max3A_1273 : f32 to vector<16xf32>
      %max3A_1275 = arith.maximumf %mul3A_1272, %max3A_1274 : vector<16xf32>
      %min3A_1276 = arith.constant 9.900000e+01 : f32
      %min3A_1277 = vector.broadcast %min3A_1276 : f32 to vector<16xf32>
      %min3A_1278 = arith.minimumf %max3A_1275, %min3A_1277 : vector<16xf32>
      %convert_element_type3A_1279 = arith.fptosi %min3A_1278 : vector<16xf32> to vector<16xi32>
      %min3A_1280 = arith.constant 99 : i32
      %min3A_1281 = vector.broadcast %min3A_1280 : i32 to vector<16xi32>
      %min3A_1282 = arith.minsi %convert_element_type3A_1279, %min3A_1281 : vector<16xi32>
      %gather3A_1283 = tpu.vector_load_idx %arg9[%min3A_1282] : memref<112xf32, #tpu.memory_space<vmem>>[vector<16xi32>], vector<16xf32>,
      %add3A_1284 = arith.constant 1 : i32
      %add3A_1285 = vector.broadcast %add3A_1284 : i32 to vector<16xi32>
      %add3A_1286 = arith.addi %min3A_1282, %add3A_1285 : vector<16xi32>
      %gather3A_1287 = tpu.vector_load_idx %arg9[%add3A_1286] : memref<112xf32, #tpu.memory_space<vmem>>[vector<16xi32>], vector<16xf32>,
      %ge3A_1288 = arith.cmpf oge, %gather3A_1266, %gather3A_1283 : vector<16xf32>
      %jit3A_1289 = arith.constant 1 : i32
      %jit3A_1290 = arith.constant 0 : i32
      %broadcast_in_dim3A_1291 = vector.broadcast %jit3A_1289 : i32 to vector<16xi32>
      %broadcast_in_dim3A_1292 = vector.broadcast %jit3A_1290 : i32 to vector<16xi32>
      %select_n3A_1293 = arith.select %ge3A_1288, %broadcast_in_dim3A_1291, %broadcast_in_dim3A_1292 : vector<16xi1>, vector<16xi32>
      %add3A_1294 = arith.addi %min3A_1282, %select_n3A_1293 : vector<16xi32>
      %ge3A_1295 = arith.cmpf oge, %gather3A_1266, %gather3A_1287 : vector<16xf32>
      %jit3A_1296 = arith.constant 1 : i32
      %jit3A_1297 = arith.constant 0 : i32
      %broadcast_in_dim3A_1298 = vector.broadcast %jit3A_1296 : i32 to vector<16xi32>
      %broadcast_in_dim3A_1299 = vector.broadcast %jit3A_1297 : i32 to vector<16xi32>
      %select_n3A_1300 = arith.select %ge3A_1295, %broadcast_in_dim3A_1298, %broadcast_in_dim3A_1299 : vector<16xi1>, vector<16xi32>
      %add3A_1301 = arith.addi %add3A_1294, %select_n3A_1300 : vector<16xi32>
      %sub3A_1302 = arith.constant 1 : i32
      %sub3A_1303 = vector.broadcast %sub3A_1302 : i32 to vector<16xi32>
      %sub3A_1304 = arith.subi %add3A_1301, %sub3A_1303 : vector<16xi32>
      %max3A_1305 = arith.constant 0 : i32
      %max3A_1306 = vector.broadcast %max3A_1305 : i32 to vector<16xi32>
      %max3A_1307 = arith.maxsi %sub3A_1304, %max3A_1306 : vector<16xi32>
      %gather3A_1308 = tpu.vector_load_idx %arg10[%add3A_1301] : memref<112xf32, #tpu.memory_space<vmem>>[vector<16xi32>], vector<16xf32>,
      %gather3A_1309 = tpu.vector_load_idx %arg9[%max3A_1307] : memref<112xf32, #tpu.memory_space<vmem>>[vector<16xi32>], vector<16xf32>,
      %gather3A_1310 = tpu.vector_load_idx %arg11[%max3A_1307] : memref<112xf32, #tpu.memory_space<vmem>>[vector<16xi32>], vector<16xf32>,
      %sub3A_1311 = arith.subf %gather3A_1266, %gather3A_1309 : vector<16xf32>
      %mul3A_1312 = arith.mulf %sub3A_1311, %gather3A_1308 : vector<16xf32>
      %add3A_1313 = arith.addf %mul3A_1312, %gather3A_1310 : vector<16xf32>
      tpu.vector_store_idx %arg8[%add3A_1265], %add3A_1313 : memref<31312xf32, #tpu.memory_space<vmem>>[vector<16xi32>], vector<16xf32>,
      %add3A_1314 = arith.constant 31296 : i32
      %add3A_1315 = vector.broadcast %add3A_1314 : i32 to vector<16xi32>
      %add3A_1316 = arith.addi %iota3A, %add3A_1315 : vector<16xi32>
      %gather3A_1317 = tpu.vector_load_idx %arg7[%add3A_1316] : memref<31312xf32, #tpu.memory_space<vmem>>[vector<16xi32>], vector<16xf32>,
      %sub3A_1318 = arith.constant -5.000000e+00 : f32
      %sub3A_1319 = vector.broadcast %sub3A_1318 : f32 to vector<16xf32>
      %sub3A_1320 = arith.subf %gather3A_1317, %sub3A_1319 : vector<16xf32>
      %mul3A_1321 = arith.constant 9.89999961 : f32
      %mul3A_1322 = vector.broadcast %mul3A_1321 : f32 to vector<16xf32>
      %mul3A_1323 = arith.mulf %sub3A_1320, %mul3A_1322 : vector<16xf32>
      %max3A_1324 = arith.constant 0.000000e+00 : f32
      %max3A_1325 = vector.broadcast %max3A_1324 : f32 to vector<16xf32>
      %max3A_1326 = arith.maximumf %mul3A_1323, %max3A_1325 : vector<16xf32>
      %min3A_1327 = arith.constant 9.900000e+01 : f32
      %min3A_1328 = vector.broadcast %min3A_1327 : f32 to vector<16xf32>
      %min3A_1329 = arith.minimumf %max3A_1326, %min3A_1328 : vector<16xf32>
      %convert_element_type3A_1330 = arith.fptosi %min3A_1329 : vector<16xf32> to vector<16xi32>
      %min3A_1331 = arith.constant 99 : i32
      %min3A_1332 = vector.broadcast %min3A_1331 : i32 to vector<16xi32>
      %min3A_1333 = arith.minsi %convert_element_type3A_1330, %min3A_1332 : vector<16xi32>
      %gather3A_1334 = tpu.vector_load_idx %arg9[%min3A_1333] : memref<112xf32, #tpu.memory_space<vmem>>[vector<16xi32>], vector<16xf32>,
      %add3A_1335 = arith.constant 1 : i32
      %add3A_1336 = vector.broadcast %add3A_1335 : i32 to vector<16xi32>
      %add3A_1337 = arith.addi %min3A_1333, %add3A_1336 : vector<16xi32>
      %gather3A_1338 = tpu.vector_load_idx %arg9[%add3A_1337] : memref<112xf32, #tpu.memory_space<vmem>>[vector<16xi32>], vector<16xf32>,
      %ge3A_1339 = arith.cmpf oge, %gather3A_1317, %gather3A_1334 : vector<16xf32>
      %jit3A_1340 = arith.constant 1 : i32
      %jit3A_1341 = arith.constant 0 : i32
      %broadcast_in_dim3A_1342 = vector.broadcast %jit3A_1340 : i32 to vector<16xi32>
      %broadcast_in_dim3A_1343 = vector.broadcast %jit3A_1341 : i32 to vector<16xi32>
      %select_n3A_1344 = arith.select %ge3A_1339, %broadcast_in_dim3A_1342, %broadcast_in_dim3A_1343 : vector<16xi1>, vector<16xi32>
      %add3A_1345 = arith.addi %min3A_1333, %select_n3A_1344 : vector<16xi32>
      %ge3A_1346 = arith.cmpf oge, %gather3A_1317, %gather3A_1338 : vector<16xf32>
      %jit3A_1347 = arith.constant 1 : i32
      %jit3A_1348 = arith.constant 0 : i32
      %broadcast_in_dim3A_1349 = vector.broadcast %jit3A_1347 : i32 to vector<16xi32>
      %broadcast_in_dim3A_1350 = vector.broadcast %jit3A_1348 : i32 to vector<16xi32>
      %select_n3A_1351 = arith.select %ge3A_1346, %broadcast_in_dim3A_1349, %broadcast_in_dim3A_1350 : vector<16xi1>, vector<16xi32>
      %add3A_1352 = arith.addi %add3A_1345, %select_n3A_1351 : vector<16xi32>
      %sub3A_1353 = arith.constant 1 : i32
      %sub3A_1354 = vector.broadcast %sub3A_1353 : i32 to vector<16xi32>
      %sub3A_1355 = arith.subi %add3A_1352, %sub3A_1354 : vector<16xi32>
      %max3A_1356 = arith.constant 0 : i32
      %max3A_1357 = vector.broadcast %max3A_1356 : i32 to vector<16xi32>
      %max3A_1358 = arith.maxsi %sub3A_1355, %max3A_1357 : vector<16xi32>
      %gather3A_1359 = tpu.vector_load_idx %arg10[%add3A_1352] : memref<112xf32, #tpu.memory_space<vmem>>[vector<16xi32>], vector<16xf32>,
      %gather3A_1360 = tpu.vector_load_idx %arg9[%max3A_1358] : memref<112xf32, #tpu.memory_space<vmem>>[vector<16xi32>], vector<16xf32>,
      %gather3A_1361 = tpu.vector_load_idx %arg11[%max3A_1358] : memref<112xf32, #tpu.memory_space<vmem>>[vector<16xi32>], vector<16xf32>,
      %sub3A_1362 = arith.subf %gather3A_1317, %gather3A_1360 : vector<16xf32>
      %mul3A_1363 = arith.mulf %sub3A_1362, %gather3A_1359 : vector<16xf32>
      %add3A_1364 = arith.addf %mul3A_1363, %gather3A_1361 : vector<16xf32>
      tpu.vector_store_idx %arg8[%add3A_1316], %add3A_1364 : memref<31312xf32, #tpu.memory_space<vmem>>[vector<16xi32>], vector<16xf32>,
      %run_scoped3A_1365 = arith.constant 0 : i32
      "tpu.region"() ({
        %run_scoped3A_1366 = tpu.sem_alloc : memref<!tpu.dma_semaphore, #tpu.memory_space<semaphore_mem>>
        %dma_start3A_1367 = arith.constant 31248 : i32
        %dma_start3A_1368 = tpu.memref_slice %arg8[%dma_start3A_1367] : memref<31312xf32, #tpu.memory_space<vmem>> -> memref<64xf32, #tpu.memory_space<vmem>>
        %dma_start3A_1369 = arith.constant 999936 : i32
        %dma_start3A_1370 = tpu.memref_slice %arg6[%run_scoped3A_1365, %dma_start3A_1369] : memref<1x1000000xf32, #tpu.memory_space<hbm>> -> memref<1x64xf32, #tpu.memory_space<hbm>>
        %dma_start3A_1371 = tpu.memref_squeeze %dma_start3A_1370 : memref<1x64xf32, #tpu.memory_space<hbm>> -> memref<64xf32, #tpu.memory_space<hbm>>
        %dma_start3A_1372 = arith.constant 999936 : i32
        %dma_start3A_1373 = tpu.memref_slice %arg6[%run_scoped3A_1365, %dma_start3A_1372] : memref<1x1000000xf32, #tpu.memory_space<hbm>> -> memref<1x64xf32, #tpu.memory_space<hbm>>
        %dma_start3A_1374 = tpu.memref_squeeze %dma_start3A_1373 : memref<1x64xf32, #tpu.memory_space<hbm>> -> memref<64xf32, #tpu.memory_space<hbm>>
        %dma_start3A_1375 = arith.constant 31248 : i32
        %dma_start3A_1376 = tpu.memref_slice %arg8[%dma_start3A_1375] : memref<31312xf32, #tpu.memory_space<vmem>> -> memref<64xf32, #tpu.memory_space<vmem>>
        tpu.enqueue_dma source(%dma_start3A_1376 : memref<64xf32, #tpu.memory_space<vmem>>) target(%dma_start3A_1374 : memref<64xf32, #tpu.memory_space<hbm>>) target_semaphore(%run_scoped3A_1366 : memref<!tpu.dma_semaphore, #tpu.memory_space<semaphore_mem>>)
        %dma_wait3A_1377 = arith.constant 31248 : i32
        %dma_wait3A_1378 = tpu.memref_slice %arg8[%dma_wait3A_1377] : memref<31312xf32, #tpu.memory_space<vmem>> -> memref<64xf32, #tpu.memory_space<vmem>>
        %dma_wait3A_1379 = arith.constant 999936 : i32
        %dma_wait3A_1380 = tpu.memref_slice %arg6[%run_scoped3A_1365, %dma_wait3A_1379] : memref<1x1000000xf32, #tpu.memory_space<hbm>> -> memref<1x64xf32, #tpu.memory_space<hbm>>
        %dma_wait3A_1381 = tpu.memref_squeeze %dma_wait3A_1380 : memref<1x64xf32, #tpu.memory_space<hbm>> -> memref<64xf32, #tpu.memory_space<hbm>>
        %dma_wait3A_1382 = arith.constant 999936 : i32
        %dma_wait3A_1383 = tpu.memref_slice %arg6[%run_scoped3A_1365, %dma_wait3A_1382] : memref<1x1000000xf32, #tpu.memory_space<hbm>> -> memref<1x64xf32, #tpu.memory_space<hbm>>
        %dma_wait3A_1384 = tpu.memref_squeeze %dma_wait3A_1383 : memref<1x64xf32, #tpu.memory_space<hbm>> -> memref<64xf32, #tpu.memory_space<hbm>>
        %dma_wait3A_1385 = arith.constant 31248 : i32
        %dma_wait3A_1386 = tpu.memref_slice %arg8[%dma_wait3A_1385] : memref<31312xf32, #tpu.memory_space<vmem>> -> memref<64xf32, #tpu.memory_space<vmem>>
        tpu.wait_dma2 semaphore(%run_scoped3A_1366 : memref<!tpu.dma_semaphore, #tpu.memory_space<semaphore_mem>>) src(%dma_wait3A_1386 : memref<64xf32, #tpu.memory_space<vmem>>) dst(%dma_wait3A_1384 : memref<64xf32, #tpu.memory_space<hbm>>)
        tpu.yield
      }) : () -> ()
    } else {
    }
    %mul3A_1159 = arith.constant 16 : i32
    %mul3A_1160 = arith.muli %mul3A_6, %mul3A_1159 : i32
    %run_scoped3A = arith.constant 0 : i32
    "tpu.region"() ({
      %run_scoped3A_1161 = tpu.sem_alloc : memref<!tpu.dma_semaphore, #tpu.memory_space<semaphore_mem>>
      %dma_start3A_1162 = arith.constant 0 : i32
      %dma_start3A_1163 = tpu.memref_slice %arg8[%dma_start3A_1162] : memref<31312xf32, #tpu.memory_space<vmem>> -> memref<31248xf32, #tpu.memory_space<vmem>>
      %dma_start3A_1164 = tpu.memref_slice %arg6[%run_scoped3A, %mul3A_1160] : memref<1x1000000xf32, #tpu.memory_space<hbm>> -> memref<1x31248xf32, #tpu.memory_space<hbm>>
      %dma_start3A_1165 = tpu.memref_squeeze %dma_start3A_1164 : memref<1x31248xf32, #tpu.memory_space<hbm>> -> memref<31248xf32, #tpu.memory_space<hbm>>
      %dma_start3A_1166 = tpu.memref_slice %arg6[%run_scoped3A, %mul3A_1160] : memref<1x1000000xf32, #tpu.memory_space<hbm>> -> memref<1x31248xf32, #tpu.memory_space<hbm>>
      %dma_start3A_1167 = tpu.memref_squeeze %dma_start3A_1166 : memref<1x31248xf32, #tpu.memory_space<hbm>> -> memref<31248xf32, #tpu.memory_space<hbm>>
      %dma_start3A_1168 = arith.constant 0 : i32
      %dma_start3A_1169 = tpu.memref_slice %arg8[%dma_start3A_1168] : memref<31312xf32, #tpu.memory_space<vmem>> -> memref<31248xf32, #tpu.memory_space<vmem>>
      tpu.enqueue_dma source(%dma_start3A_1169 : memref<31248xf32, #tpu.memory_space<vmem>>) target(%dma_start3A_1167 : memref<31248xf32, #tpu.memory_space<hbm>>) target_semaphore(%run_scoped3A_1161 : memref<!tpu.dma_semaphore, #tpu.memory_space<semaphore_mem>>)
      %dma_wait3A_1170 = arith.constant 0 : i32
      %dma_wait3A_1171 = tpu.memref_slice %arg8[%dma_wait3A_1170] : memref<31312xf32, #tpu.memory_space<vmem>> -> memref<31248xf32, #tpu.memory_space<vmem>>
      %dma_wait3A_1172 = tpu.memref_slice %arg6[%run_scoped3A, %mul3A_1160] : memref<1x1000000xf32, #tpu.memory_space<hbm>> -> memref<1x31248xf32, #tpu.memory_space<hbm>>
      %dma_wait3A_1173 = tpu.memref_squeeze %dma_wait3A_1172 : memref<1x31248xf32, #tpu.memory_space<hbm>> -> memref<31248xf32, #tpu.memory_space<hbm>>
      %dma_wait3A_1174 = tpu.memref_slice %arg6[%run_scoped3A, %mul3A_1160] : memref<1x1000000xf32, #tpu.memory_space<hbm>> -> memref<1x31248xf32, #tpu.memory_space<hbm>>
      %dma_wait3A_1175 = tpu.memref_squeeze %dma_wait3A_1174 : memref<1x31248xf32, #tpu.memory_space<hbm>> -> memref<31248xf32, #tpu.memory_space<hbm>>
      %dma_wait3A_1176 = arith.constant 0 : i32
      %dma_wait3A_1177 = tpu.memref_slice %arg8[%dma_wait3A_1176] : memref<31312xf32, #tpu.memory_space<vmem>> -> memref<31248xf32, #tpu.memory_space<vmem>>
      tpu.wait_dma2 semaphore(%run_scoped3A_1161 : memref<!tpu.dma_semaphore, #tpu.memory_space<semaphore_mem>>) src(%dma_wait3A_1177 : memref<31248xf32, #tpu.memory_space<vmem>>) dst(%dma_wait3A_1175 : memref<31248xf32, #tpu.memory_space<hbm>>)
      tpu.yield
    }) : () -> ()
    return
  }
}

</mosaic_0001>

<sc_bundles>
// kernel: _pwl.3.cloned.1.call-start
scs
__scs_entry_jumppad:
0x0: {  	(pc) =	sbr.rel $0x88, $3  }
0x1: {  	(tag) =	ssettag $0x0;
	lr =	simm.s32 $0x1  }
0x2: {  	[smem:$0x3F9D] =	sst lr;
	_ =	strace $0xD0000000  }
0x3: {  	_ = 	snop  }
0x4: {  	_ = 	snop  }
0x5: {  	_ = 	snop  }
0x6: {  	_ = 	snop  }
0x7: {  	_ = 	snop  }
__scs_overlays_trampoline_lowered:
0x8: {  	[smem:$0x3FAC] =	sst s0  }
0x9: {  	[smem:$0x3FAD] =	sst s1  }
0xa: {  	[smem:$0x3FAE] =	sst s2  }
0xb: {  	[smem:$0x3FAF] =	sst s3  }
0xc: {  	[smem:$0x3FB0] =	sst s4  }
0xd: {  	[smem:$0x3FB1] =	sst s5  }
0xe: {  	[smem:$0x3FB2] =	sst s6  }
0xf: {  	[smem:$0x3FB3] =	sst s7  }
0x10: {  	[smem:$0x3FB4] =	sst s8  }
0x11: {  	[smem:$0x3FB5] =	sst s9;
	s0 =	simm.s32 @!p0 $0x0  }
0x12: {  	s1 =	sld [smem:$0x3F9B];
	s0 =	simm.s32 @p0 $0x1  }
0x13: {  	[smem:$0x3FB6] =	sst s0;
	s0 =	simm.s32 @!p1 $0x0  }
0x14: {  	s2 =	sld [smem:$0x3F9A];
	s0 =	simm.s32 @p1 $0x1  }
0x15: {  	[smem:$0x3FB7] =	sst s0;
	s0 =	simm.s32 @!p2 $0x0  }
0x16: {  	s3 =	sld [smem:$0x3FDB];
	s0 =	simm.s32 @p2 $0x1  }
0x17: {  	s4 =	simm.s32 $0x1BF5;
	[smem:$0x3FB9] =	sst s0  }
0x18: {  	s0 =	sld [smem:$0x3F9C];
	_ =	swait.ge [sflag:s4], $0x0  }
0x19: {  	s7 =	sld [smem:$0x3F9D]  }
0x1a: {  	s8 =	sadd.s32 $0xFFFFE003, lr  }
0x1b: {  	s9 =	sadd.s32 $0xFFFFFEF7, lr;
	s5 =	simm.s32 $0xFFFFFFFF;
	p2 =	slt.u32 s8, $0xFFFFF086  }
0x1c: {  	p1 =	slt.u32 s9, $0xF7A;
	s5 =	simm.s32 @!p2 $0x0  }
0x1d: {  	s5 =	simm.s32 @p1 $0x1;
	p0 =	seq.s32 s7, s2  }
0x1e: {  	s7 =	smul.u32 @!p0 $0xF7A, s2;
	p2 =	seq.s32 @!p0 s5, $0x0  }
0x1f: {  	s9 =	smul.u32 $0xF7A, s1;
	s8 =	simm.s32 @!p0 $0x1BF5;
	p2 =	por !p2, p0  }
0x20: {  	[sflag:s8] =	ssyncset.s32 @!p0 $0xFFFFF086;
	s6 =	sadd.s32 @!p0 s3, s7;
	s7 =	simm.s32 @!p0 $0x108  }
0x21: {  	s3 =	sadd.s32 s3, s9;
	s6 =	sadd.s32 @!p0 $0x88, s6;
	s7 =	simm.s32 @p2 $0x1082  }
0x22: {  	[simem:s7], [sflag:s8] =	dma.local @!p0 [hbm:s6], $0xF7A  }
0x23: {  	s9 =	sor.u32 $0xD0000000, s2;
	s6 =	simm.s32 $0x108;
	_ =	swait.ge @!p0 [sflag:s8], $0x0  }
0x24: {  	s3 =	sadd.s32 $0x88, s3;
	s6 =	simm.s32 @!p1 $0x1082;
	[sflag:s4] =	ssyncset.s32 $0xFFFFF086  }
0x25: {  	[simem:s6], [sflag:s4] =	dma.local [hbm:s3], $0xF7A  }
0x26: {  	[smem:$0x3F9D] =	sst s1;
	(tag) =	ssettag s2;
	_ =	strace s9  }
0x27: {  	s1 =	sld [smem:$0x3FAD]  }
0x28: {  	s2 =	sld [smem:$0x3FAE]  }
0x29: {  	s4 =	sld [smem:$0x3FB0]  }
0x2a: {  	p0 =	seq.s32 s5, $0x0;
	s5 =	sld [smem:$0x3FB1]  }
0x2b: {  	s6 =	sld [smem:$0x3FB2]  }
0x2c: {  	s7 =	sld [smem:$0x3FB3]  }
0x2d: {  	s3 =	simm.s32 $0x108;
	s8 =	sld [smem:$0x3FB4]  }
0x2e: {  	s3 =	simm.s32 @!p0 $0x1082;
	s9 =	sld [smem:$0x3FB5]  }
0x2f: {  	lr =	sadd.s32 s0, s3;
	s0 =	sld [smem:$0x3FAC]  }
0x30: {  	s3 =	sld [smem:$0x3FAF]  }
0x31: {  	[smem:$0x3FB8] =	sst s10  }
0x32: {  	s10 =	sld [smem:$0x3FB6];
	_ =	sdelay $0x3  }
0x33: {  	p0 =	seq.s32 s10, $0x1;
	s10 =	sld [smem:$0x3FB8];
	_ =	sdelay $0x3  }
0x34: {  	[smem:$0x3FB8] =	sst s10  }
0x35: {  	s10 =	sld [smem:$0x3FB7];
	_ =	sdelay $0x3  }
0x36: {  	p1 =	seq.s32 s10, $0x1;
	s10 =	sld [smem:$0x3FB8];
	_ =	sdelay $0x3  }
0x37: {  	[smem:$0x3FB8] =	sst s10  }
0x38: {  	s10 =	sld [smem:$0x3FB9]  }
0x39: {  	_ = 	snop;
	(pc) =	sbr.ind lr, $3  }
0x3a: {  	_ = 	snop  }
0x3b: {  	_ = 	snop  }
0x3c: {  	p2 =	seq.s32 s10, $0x1;
	s10 =	sld [smem:$0x3FB8]  }
0x3d: {  	_ =	shalt  }
0x3e: {  	_ =	shalt  }
0x3f: {  	_ =	shalt  }
0x40: {  	_ =	shalt  }
0x41: {  	_ =	shalt  }
0x42: {  	_ =	shalt  }
0x43: {  	_ =	shalt  }
0x44: {  	_ =	shalt  }
0x45: {  	_ =	shalt  }
0x46: {  	_ =	shalt  }
0x47: {  	_ =	shalt  }
0x48: {  	_ =	shalt  }
0x49: {  	_ =	shalt  }
0x4a: {  	_ =	shalt  }
0x4b: {  	_ =	shalt  }
0x4c: {  	_ =	shalt  }
0x4d: {  	_ =	shalt  }
0x4e: {  	_ =	shalt  }
0x4f: {  	_ =	shalt  }
0x50: {  	_ =	shalt  }
0x51: {  	_ =	shalt  }
0x52: {  	_ =	shalt  }
0x53: {  	_ =	shalt  }
0x54: {  	_ =	shalt  }
0x55: {  	_ =	shalt  }
0x56: {  	_ =	shalt  }
0x57: {  	_ =	shalt  }
0x58: {  	_ =	shalt  }
0x59: {  	_ =	shalt  }
0x5a: {  	_ =	shalt  }
0x5b: {  	_ =	shalt  }
0x5c: {  	_ =	shalt  }
0x5d: {  	_ =	shalt  }
0x5e: {  	_ =	shalt  }
0x5f: {  	_ =	shalt  }
0x60: {  	_ =	shalt  }
0x61: {  	_ =	shalt  }
0x62: {  	_ =	shalt  }
0x63: {  	_ =	shalt  }
0x64: {  	_ =	shalt  }
0x65: {  	_ =	shalt  }
0x66: {  	_ =	shalt  }
0x67: {  	_ =	shalt  }
0x68: {  	_ =	shalt  }
0x69: {  	_ =	shalt  }
0x6a: {  	_ =	shalt  }
0x6b: {  	_ =	shalt  }
0x6c: {  	_ =	shalt  }
0x6d: {  	_ =	shalt  }
0x6e: {  	_ =	shalt  }
0x6f: {  	_ =	shalt  }
0x70: {  	_ =	shalt  }
0x71: {  	_ =	shalt  }
0x72: {  	_ =	shalt  }
0x73: {  	_ =	shalt  }
0x74: {  	_ =	shalt  }
0x75: {  	_ =	shalt  }
0x76: {  	_ =	shalt  }
0x77: {  	_ =	shalt  }
0x78: {  	_ =	shalt  }
0x79: {  	_ =	shalt  }
0x7a: {  	_ =	shalt  }
0x7b: {  	_ =	shalt  }
0x7c: {  	_ =	shalt  }
0x7d: {  	_ =	shalt  }
0x7e: {  	_ =	shalt  }
0x7f: {  	_ =	shalt  }
0x80: {  	_ =	shalt  }
0x81: {  	_ =	shalt  }
0x82: {  	_ =	shalt  }
0x83: {  	_ =	shalt  }
0x84: {  	_ =	shalt  }
0x85: {  	_ =	shalt  }
0x86: {  	_ =	shalt  }
0x87: {  	_ =	shalt  }
.Lfunc_end0:
.L_simem_size_0:
called_computation_lowered:
.L_overlay_start_0:
0x88: {  	s2 =	sld [smem:$0x3FD9]  }
0x89: {  	s3 =	sld [smem:$0x3FFE];
	_ =	sdelay $0x1  }
0x8a: {  	s1 =	srdreg.scid  }
0x8b: {  	s0 =	sand.u32 $0x1, s1  }
0x8c: {  	s17 =	sshll.u32 s0, $0xA;
	s2 =	sadd.s32 s3, s2  }
0x8d: {  	s2 =	sadd.s32 s2, s17  }
0x8e: {  	[smem:$0x3FC4] =	sst s2  }
0x8f: {  	_ = 	snop  }
0x90: {  	s2 =	sld [smem:$0x3FC8]  }
0x91: {  	s18 =	sld [smem:$0x3FC7]  }
0x92: {  	s4 =	sld [smem:$0x3FC6];
	(tm) =	ssettm $0x1  }
0x93: {  	s5 =	sld [smem:$0x3FFB];
	_ =	sdelay $0x3  }
0x94: {  	_ =	strace s5  }
0x95: {  	s5 =	sld [smem:$0x3FFC];
	_ =	sdelay $0x3  }
0x96: {  	_ =	strace s5  }
0x97: {  	s5 =	sld [smem:$0x3FFD];
	_ =	sdelay $0x3  }
0x98: {  	_ =	strace s5  }
0x99: {  	_ =	strace $0x8FFFFFFF  }
0x9a: {  	s19 =	sld [smem:$0x3FDB];
	_ =	sdelay $0x1  }
0x9b: {  	s6 =	simm.s32 $_scs_section_size  }
0x9c: {  	s7 =	simm.s32 $_size__tile_overlayer_lowered;
	s8 =	simm.s32 $_tile_overlayer_lowered  }
0x9d: {  	s22 =	simm.s32 $0x1BFF;
	s21 =	sshll.u32 s8, $0x1;
	s5 =	sadd.s32 s6, s19  }
0x9e: {  	s9 =	simm.s32 $0x0;
	s20 =	sshll.u32 s7, $0x1;
	s7 =	sadd.s32 s21, s5  }
0x9f: {  	[timem:s9], [sflag:s22] =	dma.local [hbm:s7], s20  }
0xa0: {  	_ =	swait.ge [sflag:s22], s20  }
0xa1: {  	s6 =	ssub.s32 $0x0, s20;
	[sflag:s22] =	ssyncset.done $0x0  }
0xa2: {  	[sflag:s22] =	ssyncadd.s32 s6;
	_ =	sdelay $0x1  }
0xa3: {  	s23 =	simm.s32 $0x1B8B  }
0xa4: {  	_ =	swait.ge [sflag:s23], $0x1  }
0xa5: {  	[sflag:s23] =	ssyncset.done $0x0  }
0xa6: {  	s25 =	simm.s32 $0x1B8E;
	s24 =	sld [smem:$0x3FFE];
	[sflag:s23] =	ssyncadd.s32 $0xFFFFFFFF  }
0xa7: {  	s26 =	simm.s32 $execute0_lowered;
	[smem:$0x3FD2] =	sst s25  }
0xa8: {  	s7 =	sshll.u32 s26, $0x1;
	_ =	strace $0x80000046;
	[dreg:$0x1] =	wrdreg $0xFFFFFFFF  }
0xa9: {  	s28 =	simm.s32 $_size_execute0_lowered;
	s5 =	sadd.s32 s5, s7;
	[dreg:$0x0] =	wrdreg $0x0  }
0xaa: {  	s7 =	sshll.u32 s28, $0x1;
	[dreg:$0x2] =	wrdreg s5  }
0xab: {  	[dreg:$0x3] =	wrdreg s7  }
0xac: {  	[dreg:$0x4] =	wrdreg $0xC0  }
0xad: {  	_ =	task [dreg:s9], $0x5FFFF  }
0xae: {  	[dreg:$0x1] =	wrdreg $0xFFFFFFFF  }
0xaf: {  	[dreg:$0x0] =	wrdreg $0x60  }
0xb0: {  	[dreg:$0x2] =	wrdreg s24  }
0xb1: {  	[dreg:$0x3] =	wrdreg s2  }
0xb2: {  	[dreg:$0x4] =	wrdreg s18  }
0xb3: {  	[dreg:$0x5] =	wrdreg s4  }
0xb4: {  	[dreg:$0x6] =	wrdreg $0x9  }
0xb5: {  	_ =	task.clear_ibuf [dreg:s9], $0x7FFFF;
	_ =	strace $0x90000046  }
0xb6: {  	s29 =	simm.s32 $0x9;
	_ =	strace $0x80000048  }
0xb7: {  	_ =	swait.ge [sflag:s29], $0x1  }
0xb8: {  	[sflag:s29] =	ssyncadd.s32 $0xFFFFFFFF  }
0xb9: {  	_ =	strace $0x90000048  }
0xba: {  	_ =	sfence  }
0xbb: {  	s30 =	sld [smem:$0x0];
	_ =	sdelay $0x2  }
0xbc: {  	s31 =	sshll.u32 s1, $0xD;
	s1 =	sshrl.u32 s1, $0x2  }
0xbd: {  	s3 =	sand.u32 $0x4000, s31;
	s1 =	sadd.s32 s1, s30  }
0xbe: {  	s0 =	sor.u32 s3, s0;
	s1 =	sshll.u32 s1, $0x11  }
0xbf: {  	s0 =	sor.u32 s1, s0  }
0xc0: {  	s0 =	sadd.s32 $0x8F2B, s0  }
0xc1: {  	[sflag:s0] =	ssyncadd.remote.s32 $0x1  }
0xc2: {  	_ =	sfence.sel $0xFFFF  }
0xc3: {  	[dreg:$0x0] =	wrdreg $0xFFFFFFFF;
	(pc) =	sbr.abs _section_cstart, $3  }
0xc4: {  	[dreg:$0x1] =	wrdreg $0xFFFFFFFF  }
0xc5: {  	_ =	task.clear_ibuf [dreg:s9], $0x2FFFF;
	_ =	strace $0x9FFFFFFF  }
0xc6: {  	(tm) =	ssettm $0x7FFFFFFF  }
0xc7: {  	_ =	shalt  }
tec
execute0_lowered:
.L_overlay_start_1:
0x0: {  	(tag) =	ssettag $0x1  }
0x1: {  	v0 =	vimm.s32 $0xEDCBA987  }
0x2: {  	v1 =	vimm.s32 $0x65432100;
	v29 =	vlaneseq.u32;
	v0 =	vunpack.c.l.s4.s8 v0  }
0x3: {  	v1 =	vunpack.c.l.s4.s8 v1;
	v25 =	vadd.s32 $0xF, v29  }
0x4: {  	v2 =	vimm.s32 $0xDCBA9876;
	v26 =	vadd.s32 $0x1F, v29;
	[tilespmem:$0x1FE00] =	vst v25;
	v0 =	vunpack.c.0.s8.s32 v0  }
0x5: {  	v3 =	vimm.s32 $0x54321000;
	v32 =	vadd.s32 $0x2F, v29;
	[tilespmem:$0x1FE10] =	vst v26;
	v1 =	vunpack.c.0.s8.s32 v1  }
0x6: {  	v2 =	vunpack.c.l.s4.s8 v2;
	v33 =	vadd.s32 $0x3F, v29;
	[tilespmem:$0x1FE20] =	vst v32;
	v0 =	vand.u32 $0xF, v0  }
0x7: {  	v24 =	vunpack.c.l.s4.s8 v3;
	v34 =	vadd.s32 $0x4F, v29;
	[tilespmem:$0x1FE30] =	vst v33;
	v0 =	vcombine.low v1, v0  }
0x8: {  	[tilespmem:$0x1FE40] =	vst v34;
	v2 =	vunpack.c.0.s8.s32 v2  }
0x9: {  	v35 =	vadd.s32 $0x5F, v29;
	[tilespmem:$0x1FDF0] =	vst v0;
	v0 =	vunpack.c.0.s8.s32 v24  }
0xa: {  	v37 =	vadd.s32 $0xE, v29;
	[tilespmem:$0x1FE50] =	vst v35;
	v2 =	vand.u32 $0xF, v2  }
0xb: {  	v39 =	vadd.s32 $0x1E, v29;
	[tilespmem:$0x1FE70] =	vst v37;
	v0 =	vcombine.low v0, v2  }
0xc: {  	v36 =	vimm.s32 $0xBA987654;
	[tilespmem:$0x1FE80] =	vst v39  }
0xd: {  	v38 =	vimm.s32 $0x32100000;
	v41 =	vadd.s32 $0x2E, v29;
	[tilespmem:$0x1FE60] =	vst v0;
	v0 =	vunpack.c.l.s4.s8 v36  }
0xe: {  	v42 =	vadd.s32 $0x3E, v29;
	[tilespmem:$0x1FE90] =	vst v41;
	v2 =	vunpack.c.l.s4.s8 v38  }
0xf: {  	v43 =	vadd.s32 $0x4E, v29;
	[tilespmem:$0x1FEA0] =	vst v42;
	v0 =	vunpack.c.0.s8.s32 v0  }
0x10: {  	s8 =	rddreg [dreg:$0x0];
	v44 =	vadd.s32 $0x5E, v29;
	[tilespmem:$0x1FEB0] =	vst v43;
	v2 =	vunpack.c.0.s8.s32 v2  }
0x11: {  	s0 =	rddreg [dreg:$0x1];
	v45 =	vadd.s32 $0xC, v29;
	[tilespmem:$0x1FEC0] =	vst v44;
	v0 =	vand.u32 $0xF, v0  }
0x12: {  	s1 =	rddreg [dreg:$0x2];
	s5 =	srdreg.scid;
	v46 =	vadd.s32 $0x1C, v29;
	[tilespmem:$0x1FEE0] =	vst v45;
	v0 =	vcombine.low v2, v0  }
0x13: {  	s2 =	rddreg [dreg:$0x3];
	s6 =	sand.u32 $0x1, s5;
	s5 =	simm.s32 $0x0;
	[tilespmem:$0x1FEF0] =	vst v46  }
0x14: {  	v49 =	vadd.s32 $0x2C, v29;
	[smem:$0x7FF] =	sst s5;
	[tilespmem:$0x1FED0] =	vst v0  }
0x15: {  	s4 =	rddreg [dreg:$0x4];
	v50 =	vadd.s32 $0x3C, v29;
	_ =	strace $0x80000047;
	[tilespmem:$0x1FF00] =	vst v49  }
0x16: {  	v51 =	vadd.s32 $0x4C, v29;
	[tilespmem:$0x1FF10] =	vst v50  }
0x17: {  	v52 =	vadd.s32 $0x5C, v29;
	[tilespmem:$0x1FF20] =	vst v51  }
0x18: {  	v53 =	vadd.s32 $0x8, v29;
	[tilespmem:$0x1FF30] =	vst v52  }
0x19: {  	v54 =	vadd.s32 $0x18, v29;
	[tilespmem:$0x1FF50] =	vst v53  }
0x1a: {  	v55 =	vadd.s32 $0x28, v29;
	[tilespmem:$0x1FF60] =	vst v54  }
0x1b: {  	v40 =	vimm.s32 $0xE40000;
	v56 =	vadd.s32 $0x38, v29;
	[tilespmem:$0x1FF70] =	vst v55  }
0x1c: {  	s3 =	stileid.u32;
	s11 =	simm.s32 $0xF4A0;
	v3 =	vunpack.c.l.s2.s4 v40;
	v57 =	vadd.s32 $0x48, v29;
	[tilespmem:$0x1FF80] =	vst v56  }
0x1d: {  	s12 =	simm.s32 $0x2;
	s13 =	simm.s32 $0xF660;
	s14 =	simm.s32 $0xF6D0;
	v58 =	vadd.s32 $0x58, v29;
	[tilespmem:$0x1FF90] =	vst v57  }
0x1e: {  	s15 =	simm.s32 $0xF5F0;
	s16 =	simm.s32 $0xF580;
	s17 =	simm.s32 $0x1;
	v59 =	vor.u32 $0x10, v29;
	v3 =	vunpack.c.l.s4.s8 v3;
	[tilespmem:$0x1FFA0] =	vst v58  }
0x1f: {  	s18 =	simm.s32 $0xF510;
	s19 =	simm.s32 $0x7A50;
	s7 =	sshll.u32 s3, $0x1;
	v60 =	vor.u32 $0x20, v29;
	[tilespmem:$0x1FFB0] =	vst v59  }
.Ltmp0:
0x20: {  	v47 =	vimm.s32 $0x7060504;
	s21 =	simm.s32 $0xF460;
	v61 =	vor.u32 $0x30, v29;
	s20 =	sor.u32 s6, s7;
	v48 =	vunpack.c.0.s8.s32 v3;
	[tilespmem:$0x1FFC0] =	vst v60;
	(pc) =	sbr.rel .LBB2_1-.Ltmp0, $4  }
0x21: {  	s22 =	simm.s32 $0x0;
	v62 =	vor.u32 $0x40, v29;
	s9 =	ssub.s32 $0x2, s6;
	s7 =	smul.u32 $0xF42, s20;
	v0 =	vunpack.c.0.s8.s32 v47;
	[tilespmem:$0x1FFD0] =	vst v61  }
0x22: {  	vm3 =	vcmask $0x3F30;
	v63 =	vor.u32 $0x50, v29;
	s31 =	sshrl.u32 s9, $0x1;
	p0 =	sne.s32 s20, $0x1F;
	s20 =	simm.s32 $0x7A10;
	v2 =	vand.u32 $0x3, v48;
	[tilespmem:$0x1FFE0] =	vst v62  }
0x23: {  	vm0 =	vmmov $0x1;
	vm1 =	vmmov $0x3;
	s10 =	ssub.s32 s9, s31;
	s6 =	sadd.s32 s8, s7;
	s7 =	sadd.s32 $0x1E840, s8;
	[tilespmem:$0x1FFF0] =	vst v63;
	v0 =	vsel vm3, v0, v2  }
0x24: {  	vm2 =	vmmov $0xf;
	v34 =	vimm.s32 $0x0;
	s8 =	sadd.s32 $0x3D240, s8;
	s10 =	smax.u32 s10, $0x1;
	s9 =	sadd.s32 $0x1EA00, s6;
	vm3 =	vmmov $0xff;
	[tilespmem:$0x1FF40] =	vst v0  }
.LBB2_5:
0x25: {  	s22 =	sadd.s32 $0x1, s22  }
0x26: {  	p1 =	sne.s32 s22, s10  }
.Ltmp1:
0x27: {  	_ = 	snop;
	(pc) =	sbr.rel @!p1 .LBB2_6-.Ltmp1, $4  }
0x28: {  	[hbm4b:s9+s5] =	stream.linear.scatter [tilespmem:s19], [sflag:$0x2], $0x7A10, $0x38;
	[tilespmem:$0xF6E0] =	vst v63  }
0x29: {  	_ =	swait.ge [sflag:s12], $0x7A10  }
0x2a: {  	[sflag:s12] =	ssyncset.done $0x0  }
0x2b: {  	[sflag:s12] =	ssyncadd.s32 $0xFFFF85F0  }
.LBB2_1:
0x2c: {  	[tilespmem:s11], [sflag:$0x2] =	stream.linear.gather [hbm4b:s1+s5], $0x70, $0x38;
	[tilespmem:$0xF6E0] =	vst v63  }
0x2d: {  	_ =	swait.ge [sflag:s12], $0x70  }
0x2e: {  	[sflag:s12] =	ssyncset.done $0x0  }
0x2f: {  	[sflag:s12] =	ssyncadd.s32 $0xFFFFFF90  }
0x30: {  	[tilespmem:s13], [sflag:$0x2] =	stream.linear.gather [hbm4b:s2+s5], $0x70, $0x38;
	[tilespmem:$0xF6E0] =	vst v63  }
0x31: {  	_ =	swait.ge [sflag:s12], $0x70  }
0x32: {  	[sflag:s12] =	ssyncset.done $0x0  }
0x33: {  	[sflag:s12] =	ssyncadd.s32 $0xFFFFFF90  }
0x34: {  	[tilespmem:s14], [sflag:$0x2] =	stream.linear.gather [hbm4b:s0+s5], $0x10, $0x38;
	[tilespmem:$0xF6E0] =	vst v63  }
0x35: {  	_ =	swait.ge [sflag:s12], $0x10  }
0x36: {  	[sflag:s12] =	ssyncset.done $0x0  }
0x37: {  	[sflag:s12] =	ssyncadd.s32 $0xFFFFFFF0  }
0x38: {  	v0 =	vld [tilespmem:$0xF6D0];
	[tilespmem:s5], [sflag:$0x1] =	stream.linear.gather [hbm4b:s6+s5], $0x7A10, $0x38  }
0x39: {  	v2 =	vld [tilespmem:$0xF660]  }
0x3a: {  	v3 =	vld [tilespmem:$0xF670]  }
0x3b: {  	v4 =	vld [tilespmem:$0xF680]  }
0x3c: {  	v5 =	vld [tilespmem:$0xF690]  }
0x3d: {  	v6 =	vld [tilespmem:$0xF6A0]  }
0x3e: {  	v7 =	vld [tilespmem:$0xF6B0];
	v2 =	vmul.f32 $1.442695020e+00, v2  }
0x3f: {  	v8 =	vld [tilespmem:$0xF6C0];
	v3 =	vmul.f32 $1.442695020e+00, v3  }
0x40: {  	(erf) = vpow2.f32 v2;
	v2 =	vmul.f32 $1.442695020e+00, v4  }
0x41: {  	(erf) = vpow2.f32 v3;
	v3 =	vmul.f32 $1.442695020e+00, v5  }
0x42: {  	(erf) = vpow2.f32 v2;
	v2 =	vmul.f32 $1.442695020e+00, v6  }
0x43: {  	(erf) = vpow2.f32 v3;
	v3 =	vmul.f32 $1.442695020e+00, v7  }
0x44: {  	(erf) = vpow2.f32 v2;
	v2 =	vmul.f32 $1.442695020e+00, v8  }
0x45: {  	(erf) = vpow2.f32 v3  }
0x46: {  	(erf) = vpow2.f32 v2;
	_ =	sdelay $0x2  }
0x47: {  	v2 =	vpop (erf)  }
0x48: {  	v3 =	vpop (erf)  }
0x49: {  	v4 =	vpop (erf);
	v3 =	vadd.f32 $1.000000050e-03, v3  }
0x4a: {  	v5 =	vpop (erf);
	v4 =	vadd.f32 $1.000000050e-03, v4  }
0x4b: {  	v1 =	vld [tilespmem:$0x1FDF0];
	v6 =	vpop (erf);
	[tilespmem:$0xF520] =	vst v3;
	v3 =	vadd.f32 $1.000000050e-03, v5  }
0x4c: {  	v5 =	vpop (erf);
	[tilespmem:$0xF530] =	vst v4;
	v4 =	vadd.f32 $1.000000050e-03, v6;
	v6 =	vld [tilespmem:$0xF520]  }
0x4d: {  	v2 =	vadd.f32 $1.000000050e-03, v2;
	[tilespmem:$0xF540] =	vst v3;
	v3 =	vadd.f32 $1.000000050e-03, v5;
	v5 =	vpop (erf);
	v7 =	vld [tilespmem:$0xF530]  }
0x4e: {  	[tilespmem:$0xF550] =	vst v4;
	v4 =	vadd.f32 $1.000000050e-03, v5;
	v5 =	vld [tilespmem:$0xF540]  }
0x4f: {  	[tilespmem:$0xF560] =	vst v3;
	v3 =	vmul.f32 $1.010100990e-01, v2;
	v8 =	vld [tilespmem:$0xF550]  }
0x50: {  	[tilespmem:$0xF570] =	vst v4;
	v4 =	vld [tilespmem:$0xF560]  }
0x51: {  	[tilespmem:$0xF510] =	vst v2;
	v0 =	vsel vm0, v0, v3;
	v2 =	vmul.f32 $1.010100990e-01, v6;
	v3 =	vld [tilespmem:$0xF570]  }
0x52: {  	[tilespmem:$0xF5F0] =	vst v0;
	v6 =	vmul.f32 $1.010100990e-01, v7  }
0x53: {  	[tilespmem:$0xF600] =	vst v2;
	v2 =	vmul.f32 $1.010100990e-01, v5  }
0x54: {  	[tilespmem:$0xF610] =	vst v6;
	v5 =	vmul.f32 $1.010100990e-01, v8  }
0x55: {  	[tilespmem:$0xF620] =	vst v2;
	v2 =	vmul.f32 $1.010100990e-01, v4  }
0x56: {  	[tilespmem:$0xF630] =	vst v5;
	v3 =	vmul.f32 $1.010100990e-01, v3  }
0x57: {  	[tilespmem:$0xF640] =	vst v2  }
0x58: {  	[tilespmem:$0xF650] =	vst v3  }
0x59: {  	v2 =	vld.idx.msk [tilespmem:v1+s15+$0x0], $0xffff  }
0x5a: {  	v1 =	vld [tilespmem:$0x1FE00];
	_ =	sdelay $0x2  }
0x5b: {  	vm4 =	veq.s32 v29, $0x0  }
0x5c: {  	v2 =	vsel vm4, $0x0, v2  }
0x5d: {  	v0 =	vadd.f32 v2, v0;
	_ =	sdelay $0x1  }
0x5e: {  	v3 =	vld [tilespmem:$0xF600];
	[tilespmem:$0xF580] =	vst v0  }
0x5f: {  	v2 =	vld.idx.msk [tilespmem:v1+s15+$0x0], $0xffff  }
0x60: {  	v1 =	vld [tilespmem:$0x1FE10];
	_ =	sdelay $0x4  }
0x61: {  	v2 =	vadd.f32 v3, v2;
	_ =	sdelay $0x1  }
0x62: {  	v3 =	vld [tilespmem:$0xF610];
	[tilespmem:$0xF590] =	vst v2  }
0x63: {  	v2 =	vld.idx.msk [tilespmem:v1+s15+$0x0], $0xffff  }
0x64: {  	v1 =	vld [tilespmem:$0x1FE20];
	_ =	sdelay $0x4  }
0x65: {  	v2 =	vadd.f32 v3, v2;
	_ =	sdelay $0x1  }
0x66: {  	v3 =	vld [tilespmem:$0xF620];
	[tilespmem:$0xF5A0] =	vst v2  }
0x67: {  	v2 =	vld.idx.msk [tilespmem:v1+s15+$0x0], $0xffff  }
0x68: {  	v1 =	vld [tilespmem:$0x1FE30];
	_ =	sdelay $0x4  }
0x69: {  	v2 =	vadd.f32 v3, v2;
	_ =	sdelay $0x1  }
0x6a: {  	v3 =	vld [tilespmem:$0xF630];
	[tilespmem:$0xF5B0] =	vst v2  }
0x6b: {  	v2 =	vld.idx.msk [tilespmem:v1+s15+$0x0], $0xffff  }
0x6c: {  	v1 =	vld [tilespmem:$0x1FE40];
	_ =	sdelay $0x4  }
0x6d: {  	v2 =	vadd.f32 v3, v2;
	_ =	sdelay $0x1  }
0x6e: {  	v3 =	vld [tilespmem:$0xF640];
	[tilespmem:$0xF5C0] =	vst v2  }
0x6f: {  	v2 =	vld.idx.msk [tilespmem:v1+s15+$0x0], $0xffff  }
0x70: {  	v1 =	vld [tilespmem:$0x1FE50];
	_ =	sdelay $0x4  }
0x71: {  	v2 =	vadd.f32 v3, v2;
	_ =	sdelay $0x1  }
0x72: {  	v3 =	vld [tilespmem:$0xF650];
	[tilespmem:$0xF5D0] =	vst v2  }
0x73: {  	v2 =	vld.idx.msk [tilespmem:v1+s15+$0x0], $0xffff  }
0x74: {  	v1 =	vld [tilespmem:$0x1FE60];
	_ =	sdelay $0x4  }
0x75: {  	v2 =	vadd.f32 v3, v2;
	_ =	sdelay $0x1  }
0x76: {  	[tilespmem:$0xF5E0] =	vst v2  }
0x77: {  	v2 =	vld.idx.msk [tilespmem:v1+s16+$0x0], $0xffff  }
0x78: {  	v1 =	vld [tilespmem:$0x1FE70];
	_ =	sdelay $0x3  }
0x79: {  	v2 =	vsel vm1, $0x0, v2  }
0x7a: {  	v0 =	vadd.f32 v2, v0;
	_ =	sdelay $0x1  }
0x7b: {  	v3 =	vld [tilespmem:$0xF590];
	[tilespmem:$0xF5F0] =	vst v0  }
0x7c: {  	v2 =	vld.idx.msk [tilespmem:v1+s16+$0x0], $0xffff  }
0x7d: {  	v1 =	vld [tilespmem:$0x1FE80];
	_ =	sdelay $0x4  }
0x7e: {  	v2 =	vadd.f32 v3, v2;
	_ =	sdelay $0x1  }
0x7f: {  	v3 =	vld [tilespmem:$0xF5A0];
	[tilespmem:$0xF600] =	vst v2  }
0x80: {  	v2 =	vld.idx.msk [tilespmem:v1+s16+$0x0], $0xffff  }
0x81: {  	v1 =	vld [tilespmem:$0x1FE90];
	_ =	sdelay $0x4  }
0x82: {  	v2 =	vadd.f32 v3, v2;
	_ =	sdelay $0x1  }
0x83: {  	v3 =	vld [tilespmem:$0xF5B0];
	[tilespmem:$0xF610] =	vst v2  }
0x84: {  	v2 =	vld.idx.msk [tilespmem:v1+s16+$0x0], $0xffff  }
0x85: {  	v1 =	vld [tilespmem:$0x1FEA0];
	_ =	sdelay $0x4  }
0x86: {  	v2 =	vadd.f32 v3, v2;
	_ =	sdelay $0x1  }
0x87: {  	v3 =	vld [tilespmem:$0xF5C0];
	[tilespmem:$0xF620] =	vst v2  }
0x88: {  	v2 =	vld.idx.msk [tilespmem:v1+s16+$0x0], $0xffff  }
0x89: {  	v1 =	vld [tilespmem:$0x1FEB0];
	_ =	sdelay $0x4  }
0x8a: {  	v2 =	vadd.f32 v3, v2;
	_ =	sdelay $0x1  }
0x8b: {  	v3 =	vld [tilespmem:$0xF5D0];
	[tilespmem:$0xF630] =	vst v2  }
0x8c: {  	v2 =	vld.idx.msk [tilespmem:v1+s16+$0x0], $0xffff  }
0x8d: {  	v1 =	vld [tilespmem:$0x1FEC0];
	_ =	sdelay $0x4  }
0x8e: {  	v2 =	vadd.f32 v3, v2;
	_ =	sdelay $0x1  }
0x8f: {  	v3 =	vld [tilespmem:$0xF5E0];
	[tilespmem:$0xF640] =	vst v2  }
0x90: {  	v2 =	vld.idx.msk [tilespmem:v1+s16+$0x0], $0xffff  }
0x91: {  	v1 =	vld [tilespmem:$0x1FED0];
	_ =	sdelay $0x4  }
0x92: {  	v2 =	vadd.f32 v3, v2;
	_ =	sdelay $0x1  }
0x93: {  	[tilespmem:$0xF650] =	vst v2  }
0x94: {  	v2 =	vld.idx.msk [tilespmem:v1+s15+$0x0], $0xffff  }
0x95: {  	v1 =	vld [tilespmem:$0x1FEE0];
	_ =	sdelay $0x3  }
0x96: {  	v2 =	vsel vm2, $0x0, v2  }
0x97: {  	v0 =	vadd.f32 v2, v0;
	_ =	sdelay $0x1  }
0x98: {  	v3 =	vld [tilespmem:$0xF600];
	[tilespmem:$0xF580] =	vst v0  }
0x99: {  	v2 =	vld.idx.msk [tilespmem:v1+s15+$0x0], $0xffff  }
0x9a: {  	v1 =	vld [tilespmem:$0x1FEF0];
	_ =	sdelay $0x4  }
0x9b: {  	v2 =	vadd.f32 v3, v2;
	_ =	sdelay $0x1  }
0x9c: {  	v3 =	vld [tilespmem:$0xF610];
	[tilespmem:$0xF590] =	vst v2  }
0x9d: {  	v2 =	vld.idx.msk [tilespmem:v1+s15+$0x0], $0xffff  }
0x9e: {  	v1 =	vld [tilespmem:$0x1FF00];
	_ =	sdelay $0x4  }
0x9f: {  	v2 =	vadd.f32 v3, v2;
	_ =	sdelay $0x1  }
0xa0: {  	v3 =	vld [tilespmem:$0xF620];
	[tilespmem:$0xF5A0] =	vst v2  }
0xa1: {  	v2 =	vld.idx.msk [tilespmem:v1+s15+$0x0], $0xffff  }
0xa2: {  	v1 =	vld [tilespmem:$0x1FF10];
	_ =	sdelay $0x4  }
0xa3: {  	v2 =	vadd.f32 v3, v2;
	_ =	sdelay $0x1  }
0xa4: {  	v3 =	vld [tilespmem:$0xF630];
	[tilespmem:$0xF5B0] =	vst v2  }
0xa5: {  	v2 =	vld.idx.msk [tilespmem:v1+s15+$0x0], $0xffff  }
0xa6: {  	v1 =	vld [tilespmem:$0x1FF20];
	_ =	sdelay $0x4  }
0xa7: {  	v2 =	vadd.f32 v3, v2;
	_ =	sdelay $0x1  }
0xa8: {  	v3 =	vld [tilespmem:$0xF640];
	[tilespmem:$0xF5C0] =	vst v2  }
0xa9: {  	v2 =	vld.idx.msk [tilespmem:v1+s15+$0x0], $0xffff  }
0xaa: {  	v1 =	vld [tilespmem:$0x1FF30];
	_ =	sdelay $0x4  }
0xab: {  	v2 =	vadd.f32 v3, v2;
	_ =	sdelay $0x1  }
0xac: {  	v3 =	vld [tilespmem:$0xF650];
	[tilespmem:$0xF5D0] =	vst v2  }
0xad: {  	v2 =	vld.idx.msk [tilespmem:v1+s15+$0x0], $0xffff  }
0xae: {  	v1 =	vld [tilespmem:$0x1FF40];
	_ =	sdelay $0x4  }
0xaf: {  	v2 =	vadd.f32 v3, v2;
	_ =	sdelay $0x1  }
0xb0: {  	[tilespmem:$0xF5E0] =	vst v2  }
0xb1: {  	v2 =	vld.idx.msk [tilespmem:v1+s16+$0x0], $0xffff  }
0xb2: {  	v1 =	vld [tilespmem:$0x1FF50];
	_ =	sdelay $0x3  }
0xb3: {  	v2 =	vsel vm3, $0x0, v2  }
0xb4: {  	v0 =	vadd.f32 v2, v0;
	_ =	sdelay $0x1  }
0xb5: {  	v3 =	vld [tilespmem:$0xF590];
	[tilespmem:$0xF5F0] =	vst v0  }
0xb6: {  	v2 =	vld.idx.msk [tilespmem:v1+s16+$0x0], $0xffff  }
0xb7: {  	v1 =	vld [tilespmem:$0x1FF60];
	_ =	sdelay $0x4  }
0xb8: {  	v2 =	vadd.f32 v3, v2;
	_ =	sdelay $0x1  }
0xb9: {  	v3 =	vld [tilespmem:$0xF5A0];
	[tilespmem:$0xF600] =	vst v2  }
0xba: {  	v2 =	vld.idx.msk [tilespmem:v1+s16+$0x0], $0xffff  }
0xbb: {  	v1 =	vld [tilespmem:$0x1FF70];
	_ =	sdelay $0x4  }
0xbc: {  	v2 =	vadd.f32 v3, v2;
	_ =	sdelay $0x1  }
0xbd: {  	v3 =	vld [tilespmem:$0xF5B0];
	[tilespmem:$0xF610] =	vst v2  }
0xbe: {  	v2 =	vld.idx.msk [tilespmem:v1+s16+$0x0], $0xffff  }
0xbf: {  	v1 =	vld [tilespmem:$0x1FF80];
	_ =	sdelay $0x4  }
0xc0: {  	v2 =	vadd.f32 v3, v2;
	_ =	sdelay $0x1  }
0xc1: {  	v3 =	vld [tilespmem:$0xF5C0];
	[tilespmem:$0xF620] =	vst v2  }
0xc2: {  	v2 =	vld.idx.msk [tilespmem:v1+s16+$0x0], $0xffff  }
0xc3: {  	v1 =	vld [tilespmem:$0x1FF90];
	_ =	sdelay $0x4  }
0xc4: {  	v2 =	vadd.f32 v3, v2;
	_ =	sdelay $0x1  }
0xc5: {  	v3 =	vld [tilespmem:$0xF5D0];
	[tilespmem:$0xF630] =	vst v2  }
0xc6: {  	v2 =	vld.idx.msk [tilespmem:v1+s16+$0x0], $0xffff  }
0xc7: {  	v1 =	vld [tilespmem:$0x1FFA0];
	_ =	sdelay $0x4  }
0xc8: {  	v2 =	vadd.f32 v3, v2;
	_ =	sdelay $0x1  }
0xc9: {  	v3 =	vld [tilespmem:$0xF5E0];
	[tilespmem:$0xF640] =	vst v2  }
0xca: {  	v2 =	vld.idx.msk [tilespmem:v1+s16+$0x0], $0xffff;
	_ =	sdelay $0x3  }
0xcb: {  	v0 =	vadd.f32 $0.0e+00, v0  }
0xcc: {  	v2 =	vadd.f32 v3, v2  }
0xcd: {  	[tilespmem:$0xF580] =	vst v0;
	v1 =	vld [tilespmem:$0x1FFB0]  }
0xce: {  	v3 =	vld [tilespmem:$0xF600];
	[tilespmem:$0xF650] =	vst v2  }
0xcf: {  	v2 =	vld.idx.msk [tilespmem:v29+s15+$0x0], $0xffff;
	_ =	sdelay $0x4  }
0xd0: {  	v2 =	vadd.f32 v3, v2  }
0xd1: {  	v7 =	vld [tilespmem:$0x1FFC0]  }
0xd2: {  	v3 =	vld [tilespmem:$0xF610];
	[tilespmem:$0xF590] =	vst v2  }
0xd3: {  	v2 =	vld.idx.msk [tilespmem:v1+s15+$0x0], $0xffff;
	_ =	sdelay $0x4  }
0xd4: {  	v2 =	vadd.f32 v3, v2  }
0xd5: {  	v5 =	vld [tilespmem:$0x1FFD0]  }
0xd6: {  	v3 =	vld [tilespmem:$0xF620];
	[tilespmem:$0xF5A0] =	vst v2  }
0xd7: {  	v2 =	vld.idx.msk [tilespmem:v7+s15+$0x0], $0xffff;
	_ =	sdelay $0x4  }
0xd8: {  	v2 =	vadd.f32 v3, v2  }
0xd9: {  	v6 =	vld [tilespmem:$0x1FFE0]  }
0xda: {  	v3 =	vld [tilespmem:$0xF630];
	[tilespmem:$0xF5B0] =	vst v2  }
0xdb: {  	v2 =	vld.idx.msk [tilespmem:v5+s15+$0x0], $0xffff;
	_ =	sdelay $0x4  }
0xdc: {  	v2 =	vadd.f32 v3, v2;
	_ =	sdelay $0x1  }
0xdd: {  	v3 =	vld [tilespmem:$0xF640];
	[tilespmem:$0xF5C0] =	vst v2  }
0xde: {  	v2 =	vld.idx.msk [tilespmem:v6+s15+$0x0], $0xffff;
	_ =	sdelay $0x4  }
0xdf: {  	v2 =	vadd.f32 v3, v2;
	_ =	sdelay $0x1  }
0xe0: {  	[tilespmem:$0xF5D0] =	vst v2;
	v2 =	vld [tilespmem:$0x1FFF0];
	_ =	sdelay $0x6  }
0xe1: {  	v3 =	vld [tilespmem:$0xF650]  }
0xe2: {  	v2 =	vld.idx.msk [tilespmem:v2+s15+$0x0], $0xffff;
	_ =	sdelay $0x1  }
0xe3: {  	v4 =	vld [tilespmem:$0xF590];
	_ =	sdelay $0x2  }
0xe4: {  	v2 =	vadd.f32 v3, v2;
	_ =	sdelay $0x1  }
0xe5: {  	[tilespmem:$0xF5E0] =	vst v2;
	v2 =	vadd.f32 $0.0e+00, v4  }
0xe6: {  	[tilespmem:$0xF5F0] =	vst v0  }
0xe7: {  	v3 =	vld [tilespmem:$0xF5A0];
	[tilespmem:$0xF600] =	vst v2  }
0xe8: {  	v2 =	vld.idx.msk [tilespmem:v29+s16+$0x0], $0xffff;
	_ =	sdelay $0x4  }
0xe9: {  	v2 =	vadd.f32 v3, v2;
	_ =	sdelay $0x1  }
0xea: {  	v3 =	vld [tilespmem:$0xF5B0];
	[tilespmem:$0xF610] =	vst v2  }
0xeb: {  	v2 =	vld.idx.msk [tilespmem:v1+s16+$0x0], $0xffff;
	_ =	sdelay $0x4  }
0xec: {  	v2 =	vadd.f32 v3, v2;
	_ =	sdelay $0x1  }
0xed: {  	v3 =	vld [tilespmem:$0xF5C0];
	[tilespmem:$0xF620] =	vst v2  }
0xee: {  	v2 =	vld.idx.msk [tilespmem:v7+s16+$0x0], $0xffff;
	_ =	sdelay $0x4  }
0xef: {  	v2 =	vadd.f32 v3, v2;
	_ =	sdelay $0x1  }
0xf0: {  	v3 =	vld [tilespmem:$0xF5D0];
	[tilespmem:$0xF630] =	vst v2  }
0xf1: {  	v2 =	vld.idx.msk [tilespmem:v5+s16+$0x0], $0xffff;
	_ =	sdelay $0x4  }
0xf2: {  	v2 =	vadd.f32 v3, v2;
	_ =	sdelay $0x1  }
0xf3: {  	v3 =	vld [tilespmem:$0xF5E0];
	[tilespmem:$0xF640] =	vst v2  }
0xf4: {  	v2 =	vld.idx.msk [tilespmem:v6+s16+$0x0], $0xffff;
	_ =	sdelay $0x1  }
0xf5: {  	v4 =	vld [tilespmem:$0xF600]  }
0xf6: {  	v5 =	vld [tilespmem:$0xF610]  }
0xf7: {  	v6 =	vld [tilespmem:$0xF620]  }
0xf8: {  	v2 =	vadd.f32 v3, v2;
	_ =	sdelay $0x1  }
0xf9: {  	[tilespmem:$0xF650] =	vst v2;
	v2 =	vadd.f32 $0.0e+00, v4  }
0xfa: {  	[tilespmem:$0xF580] =	vst v0;
	v0 =	vadd.f32 $0.0e+00, v5  }
0xfb: {  	[tilespmem:$0xF590] =	vst v2;
	v2 =	vadd.f32 $0.0e+00, v6  }
0xfc: {  	[tilespmem:$0xF5A0] =	vst v0  }
0xfd: {  	[tilespmem:$0xF5B0] =	vst v2;
	v2 =	vld [tilespmem:$0xF630]  }
0xfe: {  	v0 =	vld.idx.msk [tilespmem:v29+s15+$0x0], $0xffff;
	_ =	sdelay $0x4  }
0xff: {  	v0 =	vadd.f32 v2, v0;
	_ =	sdelay $0x1  }
0x100: {  	v2 =	vld [tilespmem:$0xF640];
	[tilespmem:$0xF5C0] =	vst v0  }
0x101: {  	v0 =	vld.idx.msk [tilespmem:v1+s15+$0x0], $0xffff;
	_ =	sdelay $0x4  }
0x102: {  	v0 =	vadd.f32 v2, v0;
	_ =	sdelay $0x1  }
0x103: {  	v2 =	vld [tilespmem:$0xF650];
	[tilespmem:$0xF5D0] =	vst v0  }
0x104: {  	v0 =	vld.idx.msk [tilespmem:v7+s15+$0x0], $0xffff;
	_ =	sdelay $0x4  }
0x105: {  	s23 =	simm.s32 $0x60;
	v0 =	vadd.f32 v2, v0  }
0x106: {  	s31 =	simm.s32 $0x70;
	v56 =	vor.u32 s23, v29  }
0x107: {  	s24 =	simm.s32 $0x10;
	v30 =	vor.u32 s31, v29;
	[tilespmem:$0xF5E0] =	vst v0  }
0x108: {  	s25 =	simm.s32 $0x0;
	v61 =	vor.u32 s24, v29;
	_ =	swait.ge [sflag:s17], $0x7A10  }
0x109: {  	s26 =	simm.s32 $0x20;
	v55 =	vor.u32 s25, v29;
	[sflag:s17] =	ssyncset.done $0x0  }
0x10a: {  	s28 =	simm.s32 $0x30;
	v36 =	vor.u32 s26, v29;
	[sflag:s17] =	ssyncadd.s32 $0xFFFF85F0  }
0x10b: {  	v32 =	vor.u32 s28, v29;
	v6 =	vld.idx.msk [tilespmem:v56+s5+$0x0], $0xffff  }
0x10c: {  	s29 =	simm.s32 $0x40;
	v57 =	vld.idx.msk [tilespmem:v30+s5+$0x0], $0xffff  }
0x10d: {  	v35 =	vor.u32 s29, v29;
	v4 =	vld.idx.msk [tilespmem:v61+s5+$0x0], $0xffff  }
0x10e: {  	v52 =	vld.idx.msk [tilespmem:v55+s5+$0x0], $0xffff  }
0x10f: {  	v3 =	vld.idx.msk [tilespmem:v36+s5+$0x0], $0xffff  }
0x110: {  	v2 =	vld.idx.msk [tilespmem:v32+s5+$0x0], $0xffff  }
0x111: {  	v0 =	vadd.f32 $5.000000000e+00, v6  }
0x112: {  	v58 =	vld.idx.msk [tilespmem:v35+s5+$0x0], $0xffff  }
0x113: {  	v5 =	vadd.f32 $5.000000000e+00, v57;
	v0 =	vmul.f32 $9.899999610e+00, v0  }
0x114: {  	v8 =	vadd.f32 $5.000000000e+00, v4;
	v9 =	vadd.f32 $5.000000000e+00, v52  }
0x115: {  	v10 =	vadd.f32 $5.000000000e+00, v3;
	v11 =	vadd.f32 $5.000000000e+00, v2;
	v7 =	vmax.f32 v0, $0.0e+00  }
0x116: {  	v5 =	vmul.f32 $9.899999610e+00, v5;
	v8 =	vmul.f32 $9.899999610e+00, v8;
	v7 =	vmin.f32 v7, $9.900000000e+01  }
0x117: {  	s30 =	simm.s32 $0x50;
	v12 =	vadd.f32 $5.000000000e+00, v58;
	v9 =	vmul.f32 $9.899999610e+00, v9;
	v7 =	vtrunc.f32 v7  }
0x118: {  	v31 =	vor.u32 s30, v29;
	v10 =	vmul.f32 $9.899999610e+00, v10;
	v7 =	vcvt.f32.s32 v7  }
0x119: {  	v11 =	vmul.f32 $9.899999610e+00, v11;
	v12 =	vmul.f32 $9.899999610e+00, v12;
	v9 =	vmax.f32 v9, $0.0e+00  }
0x11a: {  	v8 =	vmax.f32 v8, $0.0e+00;
	v10 =	vmax.f32 v10, $0.0e+00;
	vm4 =	vlt.s32 v7, $0x63  }
0x11b: {  	v11 =	vmax.f32 v11, $0.0e+00;
	v12 =	vmax.f32 v12, $0.0e+00;
	v7 =	vnsel vm4, $0x63, v7  }
0x11c: {  	v5 =	vmax.f32 v5, $0.0e+00;
	v9 =	vmin.f32 v9, $9.900000000e+01;
	v40 =	vadd.s32 $0x1, v7  }
0x11d: {  	v8 =	vmin.f32 v8, $9.900000000e+01;
	v10 =	vmin.f32 v10, $9.900000000e+01;
	v9 =	vtrunc.f32 v9  }
0x11e: {  	v0 =	vld.idx.msk [tilespmem:v31+s5+$0x0], $0xffff;
	v11 =	vmin.f32 v11, $9.900000000e+01;
	v8 =	vtrunc.f32 v8;
	v10 =	vtrunc.f32 v10  }
0x11f: {  	v12 =	vmin.f32 v12, $9.900000000e+01;
	v11 =	vtrunc.f32 v11;
	v8 =	vcvt.f32.s32 v8  }
0x120: {  	v5 =	vmin.f32 v5, $9.900000000e+01;
	v12 =	vtrunc.f32 v12;
	v11 =	vcvt.f32.s32 v11;
	v41 =	vld.idx.msk [tilespmem:v7+s11+$0x0], $0xffff  }
0x121: {  	v5 =	vtrunc.f32 v5;
	v10 =	vcvt.f32.s32 v10;
	vm5 =	vlt.s32 v8, $0x63;
	v40 =	vld.idx.msk [tilespmem:v40+s11+$0x0], $0xffff  }
0x122: {  	v9 =	vcvt.f32.s32 v9;
	vm7 =	vlt.s32 v11, $0x63;
	v8 =	vnsel vm5, $0x63, v8  }
0x123: {  	v13 =	vadd.f32 $5.000000000e+00, v0;
	vm6 =	vlt.s32 v10, $0x63;
	v11 =	vnsel vm7, $0x63, v11  }
0x124: {  	v12 =	vcvt.f32.s32 v12;
	vm4 =	vlt.s32 v9, $0x63;
	v10 =	vnsel vm6, $0x63, v10  }
0x125: {  	v13 =	vmul.f32 $9.899999610e+00, v13;
	v9 =	vnsel vm4, $0x63, v9;
	v46 =	vadd.s32 $0x1, v10  }
0x126: {  	v33 =	vadd.s32 $0x1, v9;
	vm4 =	vge.f32 v6, v41;
	vm5 =	vge.f32 v6, v40  }
0x127: {  	v44 =	vld.idx.msk [tilespmem:v8+s11+$0x0], $0xffff;
	v24 =	vsel vm4, $0x1, v34;
	vm4 =	vlt.s32 v12, $0x63;
	v25 =	vsel vm5, $0x1, v34  }
0x128: {  	v5 =	vcvt.f32.s32 v5;
	v47 =	vld.idx.msk [tilespmem:v11+s11+$0x0], $0xffff;
	v12 =	vnsel vm4, $0x63, v12;
	v40 =	vadd.s32 v24, v25  }
0x129: {  	v43 =	vadd.s32 $0x1, v8;
	v13 =	vmax.f32 v13, $0.0e+00;
	v45 =	vld.idx.msk [tilespmem:v10+s11+$0x0], $0xffff;
	v7 =	vadd.s32 v7, v40  }
0x12a: {  	s31 =	simm.s32 $0xE0;
	v49 =	vadd.s32 $0x1, v11;
	v13 =	vmin.f32 v13, $9.900000000e+01;
	v26 =	vld.idx.msk [tilespmem:v9+s11+$0x0], $0xffff;
	v42 =	vadd.s32 $0xFFFFFFFF, v7  }
0x12b: {  	v1 =	vor.u32 s31, v29;
	v13 =	vtrunc.f32 v13;
	v54 =	vld.idx.msk [tilespmem:v46+s11+$0x0], $0xffff;
	vm4 =	vgt.s32 v42, $0x0  }
0x12c: {  	v13 =	vcvt.f32.s32 v13;
	v41 =	vld.idx.msk [tilespmem:v33+s11+$0x0], $0xffff;
	vm5 =	vlt.s32 v5, $0x63;
	v42 =	vnsel vm4, $0x0, v42  }
0x12d: {  	v51 =	vnsel vm5, $0x63, v5;
	v50 =	vadd.s32 $0x1, v12;
	vm5 =	vge.f32 v2, v47;
	v48 =	vld.idx.msk [tilespmem:v12+s11+$0x0], $0xffff  }
0x12e: {  	s28 =	simm.s32 $0x80;
	v5 =	vld.idx.msk [tilespmem:v43+s11+$0x0], $0xffff;
	v53 =	vadd.s32 $0x1, v51;
	v63 =	vsel vm5, $0x1, v34;
	vm4 =	vlt.s32 v13, $0x63  }
0x12f: {  	v62 =	vld.idx.msk [tilespmem:v49+s11+$0x0], $0xffff;
	v40 =	vor.u32 s28, v29;
	v13 =	vnsel vm4, $0x63, v13;
	vm4 =	vge.f32 v52, v26  }
0x130: {  	s31 =	simm.s32 $0xD0;
	v37 =	vadd.s32 $0x1, v13;
	v59 =	vsel vm4, $0x1, v34;
	vm4 =	vge.f32 v4, v44;
	v7 =	vld.idx.msk [tilespmem:v7+s18+$0x0], $0xffff  }
0x131: {  	v44 =	vor.u32 s31, v29;
	v60 =	vsel vm4, $0x1, v34;
	vm4 =	vge.f32 v3, v45;
	v38 =	vld.idx.msk [tilespmem:v42+s11+$0x0], $0xffff  }
0x132: {  	v45 =	vsel vm4, $0x1, v34;
	vm4 =	vge.f32 v52, v41;
	vm5 =	vge.f32 v58, v48;
	v16 =	vld.idx.msk [tilespmem:v42+s16+$0x0], $0xffff  }
0x133: {  	v17 =	vsel vm4, $0x1, v34;
	vm4 =	vge.f32 v4, v5;
	v5 =	vld.idx.msk [tilespmem:v1+s5+$0x0], $0xffff;
	v48 =	vsel vm5, $0x1, v34  }
0x134: {  	v42 =	vadd.s32 v59, v17;
	v18 =	vsel vm4, $0x1, v34;
	vm4 =	vge.f32 v3, v54;
	v20 =	vld.idx.msk [tilespmem:v13+s11+$0x0], $0xffff  }
0x135: {  	s24 =	simm.s32 $0xF0;
	v23 =	vld.idx.msk [tilespmem:v53+s11+$0x0], $0xffff;
	v19 =	vadd.s32 v60, v18;
	v59 =	vadd.s32 v9, v42;
	v9 =	vsel vm4, $0x1, v34  }
0x136: {  	s26 =	simm.s32 $0xA0;
	v43 =	vld.idx.msk [tilespmem:v37+s11+$0x0], $0xffff;
	vm4 =	vge.f32 v2, v62;
	v37 =	vor.u32 s24, v29;
	v8 =	vadd.s32 v8, v19  }
0x137: {  	s25 =	simm.s32 $0x90;
	v50 =	vld.idx.msk [tilespmem:v50+s11+$0x0], $0xffff;
	v42 =	vor.u32 s26, v29;
	v22 =	vadd.s32 $0xFFFFFFFF, v8;
	v6 =	vsub.f32 v6, v38  }
0x138: {  	v21 =	vadd.f32 $5.000000000e+00, v5;
	v38 =	vor.u32 s25, v29;
	vm6 =	vgt.s32 v22, $0x0  }
0x139: {  	v15 =	vld.idx.msk [tilespmem:v51+s11+$0x0], $0xffff;
	vm5 =	vge.f32 v0, v20;
	v6 =	vmul.f32 v6, v7;
	v7 =	vadd.s32 v45, v9  }
0x13a: {  	v9 =	vadd.s32 $0xFFFFFFFF, v59;
	v41 =	vmul.f32 $9.899999610e+00, v21;
	v62 =	vsel vm5, $0x1, v34  }
0x13b: {  	vm5 =	vge.f32 v57, v23;
	v7 =	vadd.s32 v10, v7;
	v10 =	vsel vm4, $0x1, v34  }
0x13c: {  	vm4 =	vge.f32 v58, v50;
	v6 =	vadd.f32 v6, v16;
	v10 =	vadd.s32 v63, v10  }
0x13d: {  	s29 =	simm.s32 $0xB0;
	v25 =	vmax.f32 v41, $0.0e+00;
	v26 =	vadd.s32 $0xFFFFFFFF, v7;
	v63 =	vnsel vm6, $0x0, v22  }
0x13e: {  	vm6 =	vge.f32 v57, v15;
	v41 =	vor.u32 s29, v29;
	v16 =	vsel vm5, $0x1, v34  }
0x13f: {  	s30 =	simm.s32 $0xC0;
	v11 =	vadd.s32 v11, v10;
	v10 =	vsel vm4, $0x1, v34;
	vm4 =	vge.f32 v0, v43  }
0x140: {  	v54 =	vld.idx.msk [tilespmem:v37+s5+$0x0], $0xffff;
	v45 =	vmin.f32 v25, $9.900000000e+01;
	v43 =	vor.u32 s30, v29;
	v39 =	vsel vm6, $0x1, v34  }
0x141: {  	v50 =	vld.idx.msk [tilespmem:v40+s5+$0x0], $0xffff;
	v10 =	vadd.s32 v48, v10;
	v24 =	vsel vm4, $0x1, v34;
	vm4 =	vgt.s32 v9, $0x0  }
0x142: {  	v45 =	vtrunc.f32 v45;
	v17 =	vadd.s32 $0xFFFFFFFF, v11;
	v16 =	vadd.s32 v39, v16  }
0x143: {  	v49 =	vld.idx.msk [tilespmem:v42+s5+$0x0], $0xffff;
	v60 =	vnsel vm4, $0x0, v9;
	v9 =	vcvt.f32.s32 v45;
	vm4 =	vgt.s32 v26, $0x0  }
0x144: {  	v59 =	vld.idx.msk [tilespmem:v59+s18+$0x0], $0xffff;
	v12 =	vadd.s32 v12, v10;
	v10 =	vadd.s32 v62, v24;
	v16 =	vadd.s32 v51, v16  }
0x145: {  	v48 =	vld.idx.msk [tilespmem:v38+s5+$0x0], $0xffff;
	v23 =	vadd.f32 $5.000000000e+00, v54;
	v14 =	vnsel vm4, $0x0, v26;
	v13 =	vadd.s32 v13, v10  }
0x146: {  	v8 =	vld.idx.msk [tilespmem:v8+s18+$0x0], $0xffff;
	v10 =	vadd.s32 $0xFFFFFFFF, v12;
	v25 =	vadd.f32 $5.000000000e+00, v50;
	vm4 =	vlt.s32 v9, $0x63  }
0x147: {  	v7 =	vld.idx.msk [tilespmem:v7+s18+$0x0], $0xffff;
	v45 =	vadd.s32 $0xFFFFFFFF, v13;
	v23 =	vmul.f32 $9.899999610e+00, v23;
	v15 =	vnsel vm4, $0x63, v9  }
0x148: {  	v33 =	vld.idx.msk [tilespmem:v63+s11+$0x0], $0xffff;
	vm4 =	vgt.s32 v17, $0x0;
	v25 =	vmul.f32 $9.899999610e+00, v25;
	v9 =	vadd.s32 $0x1, v15  }
0x149: {  	v51 =	vld.idx.msk [tilespmem:v41+s5+$0x0], $0xffff;
	vm5 =	vgt.s32 v45, $0x0;
	v17 =	vnsel vm4, $0x0, v17;
	vm4 =	vgt.s32 v10, $0x0  }
0x14a: {  	v24 =	vadd.f32 $5.000000000e+00, v48;
	v23 =	vmax.f32 v23, $0.0e+00;
	v18 =	vld.idx.msk [tilespmem:v60+s11+$0x0], $0xffff;
	v25 =	vmax.f32 v25, $0.0e+00  }
0x14b: {  	v21 =	vnsel vm4, $0x0, v10;
	v10 =	vadd.s32 $0xFFFFFFFF, v16;
	v19 =	vld.idx.msk [tilespmem:v14+s11+$0x0], $0xffff;
	v25 =	vmin.f32 v25, $9.900000000e+01  }
0x14c: {  	vm4 =	vgt.s32 v10, $0x0;
	v24 =	vmul.f32 $9.899999610e+00, v24;
	v25 =	vtrunc.f32 v25;
	v20 =	vld.idx.msk [tilespmem:v15+s11+$0x0], $0xffff  }
0x14d: {  	v4 =	vsub.f32 v4, v33;
	v10 =	vnsel vm4, $0x0, v10;
	v25 =	vcvt.f32.s32 v25;
	v22 =	vld.idx.msk [tilespmem:v9+s11+$0x0], $0xffff  }
0x14e: {  	v24 =	vmax.f32 v24, $0.0e+00;
	v9 =	vnsel vm5, $0x0, v45;
	v46 =	vld.idx.msk [tilespmem:v17+s11+$0x0], $0xffff;
	v45 =	vadd.f32 $5.000000000e+00, v49  }
0x14f: {  	v24 =	vmin.f32 v24, $9.900000000e+01;
	v4 =	vmul.f32 v4, v8;
	v18 =	vsub.f32 v52, v18;
	v52 =	vld.idx.msk [tilespmem:v43+s5+$0x0], $0xffff  }
0x150: {  	v47 =	vld.idx.msk [tilespmem:v21+s11+$0x0], $0xffff;
	v24 =	vtrunc.f32 v24;
	v3 =	vsub.f32 v3, v19;
	v62 =	vmul.f32 $9.899999610e+00, v45  }
0x151: {  	v24 =	vcvt.f32.s32 v24;
	v18 =	vmul.f32 v18, v59;
	vm4 =	vge.f32 v5, v20  }
0x152: {  	v53 =	vld.idx.msk [tilespmem:v44+s5+$0x0], $0xffff;
	v62 =	vmax.f32 v62, $0.0e+00;
	v3 =	vmul.f32 v3, v7;
	vm5 =	vge.f32 v5, v22  }
0x153: {  	v11 =	vld.idx.msk [tilespmem:v11+s18+$0x0], $0xffff;
	v2 =	vsub.f32 v2, v46;
	v33 =	vsel vm4, $0x1, v34;
	v46 =	vadd.f32 $5.000000000e+00, v51  }
0x154: {  	vm4 =	vlt.s32 v25, $0x63;
	v62 =	vmin.f32 v62, $9.900000000e+01;
	v39 =	vsel vm5, $0x1, v34  }
0x155: {  	v12 =	vld.idx.msk [tilespmem:v12+s18+$0x0], $0xffff;
	v19 =	vsub.f32 v58, v47;
	v47 =	vadd.f32 $5.000000000e+00, v52;
	v25 =	vnsel vm4, $0x63, v25  }
0x156: {  	v20 =	vld.idx.msk [tilespmem:v9+s11+$0x0], $0xffff;
	v62 =	vtrunc.f32 v62;
	vm4 =	vlt.s32 v24, $0x63;
	v22 =	vadd.s32 v33, v39  }
0x157: {  	v33 =	vadd.f32 $5.000000000e+00, v53;
	v62 =	vcvt.f32.s32 v62;
	v24 =	vnsel vm4, $0x63, v24  }
0x158: {  	v27 =	vld.idx.msk [tilespmem:v63+s16+$0x0], $0xffff;
	v45 =	vadd.s32 $0x1, v25;
	v2 =	vmul.f32 v2, v11;
	v15 =	vadd.s32 v15, v22  }
0x159: {  	v13 =	vld.idx.msk [tilespmem:v13+s18+$0x0], $0xffff;
	v22 =	vmul.f32 $9.899999610e+00, v46;
	v58 =	vmul.f32 $9.899999610e+00, v47;
	v11 =	vadd.s32 $0x1, v24  }
0x15a: {  	v39 =	vld.idx.msk [tilespmem:v10+s11+$0x0], $0xffff;
	v12 =	vmul.f32 v19, v12;
	vm4 =	vlt.s32 v62, $0x63;
	v7 =	vadd.s32 $0xFFFFFFFF, v15  }
0x15b: {  	v16 =	vld.idx.msk [tilespmem:v16+s18+$0x0], $0xffff;
	v0 =	vsub.f32 v0, v20;
	v20 =	vmul.f32 $9.899999610e+00, v33;
	v22 =	vmax.f32 v22, $0.0e+00  }
0x15c: {  	v26 =	vld.idx.msk [tilespmem:v60+s16+$0x0], $0xffff;
	v58 =	vmax.f32 v58, $0.0e+00;
	v28 =	vnsel vm4, $0x63, v62;
	vm5 =	vgt.s32 v7, $0x0  }
0x15d: {  	v14 =	vld.idx.msk [tilespmem:v14+s16+$0x0], $0xffff;
	v22 =	vmin.f32 v22, $9.900000000e+01;
	v58 =	vmin.f32 v58, $9.900000000e+01;
	v33 =	vnsel vm5, $0x0, v7  }
0x15e: {  	v8 =	vld.idx.msk [tilespmem:v25+s11+$0x0], $0xffff;
	v7 =	vmin.f32 v23, $9.900000000e+01;
	v20 =	vmax.f32 v20, $0.0e+00;
	v22 =	vtrunc.f32 v22  }
0x15f: {  	v17 =	vld.idx.msk [tilespmem:v17+s16+$0x0], $0xffff;
	v58 =	vtrunc.f32 v58;
	v57 =	vsub.f32 v57, v39;
	v59 =	vmul.f32 v0, v13  }
0x160: {  	v21 =	vld.idx.msk [tilespmem:v21+s16+$0x0], $0xffff;
	v7 =	vtrunc.f32 v7;
	v20 =	vmin.f32 v20, $9.900000000e+01;
	v22 =	vcvt.f32.s32 v22  }
0x161: {  	v46 =	vadd.s32 $0x1, v28;
	v47 =	vld.idx.msk [tilespmem:v45+s11+$0x0], $0xffff;
	v58 =	vcvt.f32.s32 v58;
	v20 =	vtrunc.f32 v20  }
0x162: {  	v60 =	vmul.f32 v57, v16;
	v16 =	vadd.f32 v18, v26;
	v26 =	vadd.f32 v4, v27;
	v0 =	vld.idx.msk [tilespmem:v28+s11+$0x0], $0xffff  }
0x163: {  	vm5 =	vlt.s32 v22, $0x63;
	v20 =	vcvt.f32.s32 v20;
	vm4 =	vge.f32 v50, v8;
	v8 =	vld.idx.msk [tilespmem:v24+s11+$0x0], $0xffff  }
0x164: {  	v11 =	vld.idx.msk [tilespmem:v11+s11+$0x0], $0xffff;
	v4 =	vadd.f32 v3, v14;
	v22 =	vnsel vm5, $0x63, v22;
	vm5 =	vlt.s32 v58, $0x63  }
0x165: {  	v57 =	vld.idx.msk [tilespmem:v33+s11+$0x0], $0xffff;
	v63 =	vnsel vm5, $0x63, v58;
	vm5 =	vlt.s32 v20, $0x63;
	v13 =	vadd.s32 $0x1, v22  }
0x166: {  	v15 =	vld.idx.msk [tilespmem:v15+s18+$0x0], $0xffff;
	v58 =	vcvt.f32.s32 v7;
	v62 =	vnsel vm5, $0x63, v20;
	vm5 =	vge.f32 v50, v47  }
0x167: {  	v14 =	vld.idx.msk [tilespmem:v46+s11+$0x0], $0xffff;
	v7 =	vadd.f32 v12, v21;
	v3 =	vadd.s32 $0x1, v63;
	v12 =	vsel vm5, $0x1, v34  }
0x168: {  	v45 =	vld.idx.msk [tilespmem:v33+s16+$0x0], $0xffff;
	v39 =	vadd.s32 $0x1, v62;
	vm5 =	vge.f32 v49, v0;
	vm6 =	vge.f32 v48, v8  }
0x169: {  	[tilespmem:v56+s19+$0x0] =	vst.idx.msk $0xffff, v6;
	v27 =	vld.idx.msk [tilespmem:v22+s11+$0x0], $0xffff;
	v8 =	vadd.f32 v2, v17;
	v2 =	vsel vm4, $0x1, v34;
	vm4 =	vlt.s32 v58, $0x63  }
0x16a: {  	v5 =	vsub.f32 v5, v57;
	v6 =	vsel vm5, $0x1, v34;
	v12 =	vadd.s32 v2, v12;
	v13 =	vld.idx.msk [tilespmem:v13+s11+$0x0], $0xffff  }
0x16b: {  	v17 =	vld.idx.msk [tilespmem:v63+s11+$0x0], $0xffff;
	v2 =	vnsel vm4, $0x63, v58;
	vm4 =	vge.f32 v48, v11;
	v11 =	vsel vm6, $0x1, v34  }
0x16c: {  	v0 =	vsel vm4, $0x1, v34;
	vm4 =	vge.f32 v49, v14;
	v14 =	vld.idx.msk [tilespmem:v3+s11+$0x0], $0xffff;
	v5 =	vmul.f32 v5, v15  }
0x16d: {  	v0 =	vadd.s32 v11, v0;
	v11 =	vadd.s32 $0x1, v2;
	v46 =	vsel vm4, $0x1, v34  }
0x16e: {  	v47 =	vadd.s32 v25, v12;
	v3 =	vadd.s32 v24, v0;
	v0 =	vadd.s32 v6, v46;
	v6 =	vld.idx.msk [tilespmem:v39+s11+$0x0], $0xffff  }
0x16f: {  	v15 =	vadd.f32 v5, v45;
	vm5 =	vge.f32 v51, v27;
	vm4 =	vge.f32 v51, v13;
	v13 =	vld.idx.msk [tilespmem:v62+s11+$0x0], $0xffff  }
0x170: {  	[tilespmem:v55+s19+$0x0] =	vst.idx.msk $0xffff, v16;
	v57 =	vld.idx.msk [tilespmem:v9+s16+$0x0], $0xffff;
	v0 =	vadd.s32 v28, v0;
	v9 =	vsel vm5, $0x1, v34;
	v12 =	vsel vm4, $0x1, v34  }
0x171: {  	v58 =	vld.idx.msk [tilespmem:v10+s16+$0x0], $0xffff;
	vm5 =	vge.f32 v52, v17;
	vm4 =	vge.f32 v52, v14;
	v9 =	vadd.s32 v9, v12  }
0x172: {  	[tilespmem:v61+s19+$0x0] =	vst.idx.msk $0xffff, v26;
	v10 =	vsel vm5, $0x1, v34;
	v5 =	vld.idx.msk [tilespmem:v11+s11+$0x0], $0xffff;
	v12 =	vsel vm4, $0x1, v34;
	v11 =	vadd.s32 v22, v9  }
0x173: {  	v55 =	vld.idx.msk [tilespmem:v47+s18+$0x0], $0xffff;
	vm5 =	vge.f32 v53, v6;
	v9 =	vadd.s32 $0xFFFFFFFF, v47;
	v6 =	vadd.s32 v10, v12  }
0x174: {  	s23 =	simm.s32 $0x8;
	s24 =	simm.s32 $0x170;
	[tilespmem:v1+s19+$0x0] =	vst.idx.msk $0xffff, v15;
	v12 =	vld.idx.msk [tilespmem:v2+s11+$0x0], $0xffff;
	v10 =	vadd.s32 $0xFFFFFFFF, v3;
	vm4 =	vge.f32 v53, v13;
	v13 =	vsel vm5, $0x1, v34  }
.LBB2_2:
0x175: {  	s25 =	sadd.s32 $0xFFFFFFA0, s24;
	s26 =	sadd.s32 $0xFFFFFFF0, s24;
	v14 =	vor.u32 s24, v29;
	v15 =	vsel vm4, $0x1, v34;
	v61 =	vadd.s32 v63, v6  }
0x176: {  	s31 =	sadd.s32 $0xFFFFFF90, s24;
	[tilespmem:v35+s19+$0x0] =	vst.idx.msk $0xffff, v7;
	v7 =	vmovc v40;
	v63 =	vadd.f32 v60, v58;
	v1 =	vor.u32 s25, v29;
	v56 =	vor.u32 s26, v29  }
0x177: {  	s25 =	sadd.s32 $0xFFFFFFB0, s24;
	[tilespmem:$0x1FDD0] =	vst v7;
	v40 =	vor.u32 s31, v29;
	v7 =	vadd.s32 v15, v13;
	v15 =	vadd.s32 $0xFFFFFFFF, v0  }
0x178: {  	[tilespmem:v32+s19+$0x0] =	vst.idx.msk $0xffff, v8;
	v16 =	vmovc v42;
	v42 =	vor.u32 s25, v29;
	v17 =	vadd.s32 v62, v7;
	vm6 =	vgt.s32 v15, $0x0  }
0x179: {  	v62 =	vadd.f32 v59, v57;
	vm4 =	vge.f32 v54, v5;
	[tilespmem:v36+s19+$0x0] =	vst.idx.msk $0xffff, v4;
	v5 =	vld.idx.msk [tilespmem:v11+s18+$0x0], $0xffff  }
0x17a: {  	s30 =	sadd.s32 $0xFFFFFFE0, s24;
	v18 =	vadd.s32 $0xFFFFFFFF, v17;
	v15 =	vnsel vm6, $0x0, v15;
	vm5 =	vge.f32 v54, v12;
	v4 =	vld.idx.msk [tilespmem:v0+s18+$0x0], $0xffff  }
0x17b: {  	s28 =	sadd.s32 $0xFFFFFFC0, s24;
	v36 =	vimm.s32 $0x0;
	v12 =	vor.u32 s30, v29;
	vm9 =	vgt.s32 v18, $0x0;
	v6 =	vld.idx.msk [tilespmem:v14+s5+$0x0], $0xffff  }
0x17c: {  	v8 =	vsel vm4, $0x1, v34;
	v34 =	vmovc v41;
	v41 =	vor.u32 s28, v29;
	v13 =	vsel vm5, $0x1, v36;
	v0 =	vld.idx.msk [tilespmem:v56+s5+$0x0], $0xffff  }
0x17d: {  	vm4 =	vgt.s32 v9, $0x0;
	vm5 =	vgt.s32 v10, $0x0;
	v7 =	vadd.s32 v13, v8;
	v13 =	vld.idx.msk [tilespmem:v1+s5+$0x0], $0xffff  }
0x17e: {  	v18 =	vnsel vm9, $0x0, v18;
	v8 =	vadd.s32 $0xFFFFFFFF, v11;
	v11 =	vadd.s32 $0xFFFFFFFF, v61;
	v20 =	vld.idx.msk [tilespmem:v40+s5+$0x0], $0xffff  }
0x17f: {  	v23 =	vnsel vm4, $0x0, v9;
	v10 =	vnsel vm5, $0x0, v10;
	v2 =	vadd.s32 v2, v7;
	v21 =	vld.idx.msk [tilespmem:v42+s5+$0x0], $0xffff  }
0x180: {  	vm7 =	vgt.s32 v8, $0x0;
	vm8 =	vgt.s32 v11, $0x0;
	v19 =	vadd.s32 $0xFFFFFFFF, v2  }
0x181: {  	s29 =	sadd.s32 $0xFFFFFFD0, s24;
	v25 =	vnsel vm7, $0x0, v8;
	v11 =	vnsel vm8, $0x0, v11;
	v7 =	vld.idx.msk [tilespmem:v12+s5+$0x0], $0xffff;
	v24 =	vadd.f32 $5.000000000e+00, v6  }
0x182: {  	vm10 =	vgt.s32 v19, $0x0;
	[tilespmem:$0x1FDB0] =	vst v4;
	v4 =	vmovc v43;
	v43 =	vor.u32 s29, v29;
	v22 =	vld.idx.msk [tilespmem:v41+s5+$0x0], $0xffff;
	v26 =	vadd.f32 $5.000000000e+00, v0  }
0x183: {  	v59 =	vld.idx.msk [tilespmem:v17+s18+$0x0], $0xffff;
	[tilespmem:v31+s19+$0x0] =	vst.idx.msk $0xffff, v62;
	v27 =	vadd.f32 $5.000000000e+00, v13;
	v28 =	vadd.f32 $5.000000000e+00, v20;
	v24 =	vmul.f32 $9.899999610e+00, v24  }
0x184: {  	v19 =	vnsel vm10, $0x0, v19;
	v32 =	vld.idx.msk [tilespmem:v18+s11+$0x0], $0xffff;
	v33 =	vadd.f32 $5.000000000e+00, v21;
	v26 =	vmul.f32 $9.899999610e+00, v26  }
0x185: {  	[tilespmem:$0x1FDC0] =	vst v16;
	v27 =	vmul.f32 $9.899999610e+00, v27;
	v16 =	vmul.f32 $9.899999610e+00, v28;
	v24 =	vmax.f32 v24, $0.0e+00  }
0x186: {  	v46 =	vmovc v14;
	v58 =	vld.idx.msk [tilespmem:v10+s11+$0x0], $0xffff;
	v17 =	vmul.f32 $9.899999610e+00, v33;
	v14 =	vadd.f32 $5.000000000e+00, v7;
	v26 =	vmax.f32 v26, $0.0e+00  }
0x187: {  	v28 =	vadd.f32 $5.000000000e+00, v22;
	v16 =	vmax.f32 v16, $0.0e+00;
	v26 =	vmin.f32 v26, $9.900000000e+01  }
0x188: {  	v3 =	vld.idx.msk [tilespmem:v3+s18+$0x0], $0xffff;
	v27 =	vmax.f32 v27, $0.0e+00;
	v24 =	vmin.f32 v24, $9.900000000e+01;
	v26 =	vtrunc.f32 v26  }
0x189: {  	[tilespmem:v30+s19+$0x0] =	vst.idx.msk $0xffff, v63;
	v57 =	vld.idx.msk [tilespmem:v23+s11+$0x0], $0xffff;
	v32 =	vsub.f32 v53, v32;
	v17 =	vmax.f32 v17, $0.0e+00;
	v26 =	vcvt.f32.s32 v26  }
0x18a: {  	v30 =	vld.idx.msk [tilespmem:v2+s18+$0x0], $0xffff;
	v14 =	vmul.f32 $9.899999610e+00, v14;
	v16 =	vmin.f32 v16, $9.900000000e+01;
	v2 =	vmin.f32 v27, $9.900000000e+01  }
0x18b: {  	v9 =	vld.idx.msk [tilespmem:v43+s5+$0x0], $0xffff;
	v35 =	vsub.f32 v48, v58;
	v24 =	vtrunc.f32 v24;
	vm4 =	vlt.s32 v26, $0x63  }
0x18c: {  	v45 =	vmovc v44;
	v44 =	vmovc v12;
	v12 =	vmul.f32 $9.899999610e+00, v28;
	v17 =	vmin.f32 v17, $9.900000000e+01;
	v26 =	vnsel vm4, $0x63, v26  }
0x18d: {  	v8 =	vld.idx.msk [tilespmem:v61+s18+$0x0], $0xffff;
	v16 =	vtrunc.f32 v16;
	v2 =	vtrunc.f32 v2;
	v27 =	vadd.s32 $0x1, v26  }
0x18e: {  	[tilespmem:$0x1FDE0] =	vst v1;
	v39 =	vld.idx.msk [tilespmem:v15+s11+$0x0], $0xffff;
	v1 =	vsub.f32 v50, v57;
	v48 =	vmovc v13;
	v17 =	vtrunc.f32 v17;
	v13 =	vcvt.f32.s32 v16  }
0x18f: {  	v15 =	vld.idx.msk [tilespmem:v15+s16+$0x0], $0xffff;
	v14 =	vmax.f32 v14, $0.0e+00;
	v2 =	vcvt.f32.s32 v2;
	v3 =	vmul.f32 v35, v3  }
0x190: {  	v47 =	vmovc v37;
	v29 =	vld.idx.msk [tilespmem:v19+s11+$0x0], $0xffff;
	v12 =	vmax.f32 v12, $0.0e+00;
	v14 =	vmin.f32 v14, $9.900000000e+01;
	v37 =	vadd.f32 $5.000000000e+00, v9  }
0x191: {  	v17 =	vcvt.f32.s32 v17;
	v12 =	vmin.f32 v12, $9.900000000e+01;
	v14 =	vtrunc.f32 v14;
	v62 =	vld.idx.msk [tilespmem:v26+s11+$0x0], $0xffff  }
0x192: {  	vm5 =	vlt.s32 v2, $0x63;
	v12 =	vtrunc.f32 v12;
	v33 =	vmul.f32 $9.899999610e+00, v37;
	v63 =	vld.idx.msk [tilespmem:v27+s11+$0x0], $0xffff  }
0x193: {  	v28 =	vld.idx.msk [tilespmem:v25+s11+$0x0], $0xffff;
	vm4 =	vlt.s32 v13, $0x63;
	v14 =	vcvt.f32.s32 v14;
	vm6 =	vlt.s32 v17, $0x63  }
0x194: {  	v58 =	vld.idx.msk [tilespmem:v19+s16+$0x0], $0xffff;
	v19 =	vnsel vm5, $0x63, v2;
	v12 =	vcvt.f32.s32 v12;
	v33 =	vmax.f32 v33, $0.0e+00  }
0x195: {  	v10 =	vld.idx.msk [tilespmem:v10+s16+$0x0], $0xffff;
	v13 =	vnsel vm4, $0x63, v13;
	v16 =	vnsel vm6, $0x63, v17;
	v33 =	vmin.f32 v33, $9.900000000e+01  }
0x196: {  	v31 =	vld.idx.msk [tilespmem:v11+s11+$0x0], $0xffff;
	vm7 =	vlt.s32 v12, $0x63;
	v61 =	vtrunc.f32 v33;
	v27 =	vsub.f32 v49, v39  }
0x197: {  	v11 =	vld.idx.msk [tilespmem:v11+s16+$0x0], $0xffff;
	v50 =	vmovc v20;
	v20 =	vcvt.f32.s32 v61;
	vm5 =	vge.f32 v0, v62;
	vm15 =	vge.f32 v0, v63  }
0x198: {  	v57 =	vld.idx.msk [tilespmem:v18+s16+$0x0], $0xffff;
	v49 =	vmovc v21;
	v21 =	vsub.f32 v51, v28;
	v2 =	vsel vm5, $0x1, v36;
	v39 =	vsel vm15, $0x1, v36  }
0x199: {  	v25 =	vld.idx.msk [tilespmem:v25+s16+$0x0], $0xffff;
	v51 =	vmovc v22;
	v22 =	vnsel vm7, $0x63, v12;
	vm13 =	vlt.s32 v20, $0x63;
	v2 =	vadd.s32 v2, v39  }
0x19a: {  	v35 =	vmovc v4;
	v4 =	vld [tilespmem:$0x1FDB0];
	vm4 =	vlt.s32 v14, $0x63;
	v63 =	vnsel vm13, $0x63, v20;
	v12 =	vadd.s32 v26, v2  }
0x19b: {  	v18 =	vadd.s32 $0x1, v19;
	v62 =	vnsel vm4, $0x63, v14;
	v14 =	vld.idx.msk [tilespmem:v13+s11+$0x0], $0xffff;
	v61 =	vadd.s32 $0xFFFFFFFF, v12  }
0x19c: {  	v60 =	vsub.f32 v52, v31;
	v37 =	vcvt.f32.s32 v24;
	v24 =	vld.idx.msk [tilespmem:v19+s11+$0x0], $0xffff;
	v26 =	vadd.s32 $0x1, v16  }
0x19d: {  	v29 =	vsub.f32 v54, v29;
	v33 =	vld.idx.msk [tilespmem:v16+s11+$0x0], $0xffff;
	v28 =	vadd.s32 $0x1, v22;
	vm4 =	vgt.s32 v61, $0x0  }
0x19e: {  	v53 =	vmovc v7;
	v59 =	vmul.f32 v32, v59;
	v20 =	vnsel vm4, $0x0, v61;
	v61 =	vmov v38;
	v38 =	vld.idx.msk [tilespmem:v22+s11+$0x0], $0xffff  }
0x19f: {  	v32 =	vmovc v34;
	v34 =	vimm.s32 $0x0;
	v52 =	vmovc v9;
	v7 =	vmul.f32 v60, v8;
	v60 =	vmul.f32 v29, v30;
	v9 =	vld.idx.msk [tilespmem:v63+s11+$0x0], $0xffff  }
0x1a0: {  	v54 =	vmovc v6;
	v17 =	vadd.s32 $0x1, v13;
	v6 =	vld.idx.msk [tilespmem:v18+s11+$0x0], $0xffff;
	v4 =	vmul.f32 v27, v4;
	vm4 =	vge.f32 v50, v14  }
0x1a1: {  	v30 =	vmovc v47;
	v5 =	vmul.f32 v21, v5;
	v14 =	vsel vm4, $0x1, v34;
	vm4 =	vge.f32 v48, v24;
	v47 =	vld.idx.msk [tilespmem:v26+s11+$0x0], $0xffff  }
0x1a2: {  	v21 =	vsel vm4, $0x1, v34;
	vm4 =	vge.f32 v49, v33;
	v33 =	vadd.f32 v3, v10;
	v10 =	vld.idx.msk [tilespmem:v28+s11+$0x0], $0xffff  }
0x1a3: {  	v1 =	vmul.f32 v1, v55;
	v55 =	vsel vm4, $0x1, v34;
	vm4 =	vge.f32 v51, v38  }
0x1a4: {  	v4 =	vadd.f32 v4, v15;
	v27 =	vsel vm4, $0x1, v34;
	vm4 =	vge.f32 v52, v9  }
0x1a5: {  	v17 =	vld.idx.msk [tilespmem:v17+s11+$0x0], $0xffff;
	v36 =	vadd.s32 $0x1, v63;
	v15 =	vsel vm4, $0x1, v34;
	vm4 =	vge.f32 v48, v6  }
0x1a6: {  	v8 =	vadd.f32 v5, v25;
	v18 =	vld.idx.msk [tilespmem:v20+s11+$0x0], $0xffff;
	v5 =	vsel vm4, $0x1, v34;
	vm4 =	vge.f32 v49, v47  }
0x1a7: {  	v7 =	vadd.f32 v7, v11;
	v11 =	vsel vm4, $0x1, v34;
	vm4 =	vge.f32 v51, v10;
	v10 =	vld [tilespmem:$0x1FDD0]  }
0x1a8: {  	v23 =	vld.idx.msk [tilespmem:v23+s16+$0x0], $0xffff  }
0x1a9: {  	vm14 =	vlt.s32 v37, $0x63;
	v12 =	vld.idx.msk [tilespmem:v12+s18+$0x0], $0xffff  }
0x1aa: {  	v2 =	vnsel vm14, $0x63, v37;
	v37 =	vadd.s32 $0x1, v62;
	v6 =	vld.idx.msk [tilespmem:v36+s11+$0x0], $0xffff  }
0x1ab: {  	vm5 =	vge.f32 v50, v17  }
0x1ac: {  	v3 =	vsel vm5, $0x1, v34;
	v0 =	vsub.f32 v0, v18  }
0x1ad: {  	v1 =	vadd.f32 v1, v23;
	v39 =	vadd.s32 $0x1, v2;
	v3 =	vadd.s32 v14, v3  }
0x1ae: {  	v31 =	vmovc v45;
	v45 =	vld.idx.msk [tilespmem:v20+s16+$0x0], $0xffff;
	v47 =	vmul.f32 v0, v12;
	v0 =	vadd.s32 v55, v11;
	v11 =	vsel vm4, $0x1, v34  }
0x1af: {  	v14 =	vld.idx.msk [tilespmem:v37+s11+$0x0], $0xffff;
	vm4 =	vge.f32 v52, v6;
	[tilespmem:v10+s19+$0x0] =	vst.idx.msk $0xffff, v1;
	v1 =	vadd.s32 v27, v11  }
0x1b0: {  	s23 =	sadd.s32 $0x8, s23;
	v37 =	vmov v46;
	v46 =	vld.idx.msk [tilespmem:v62+s11+$0x0], $0xffff;
	v11 =	vadd.s32 v22, v1;
	v1 =	vsel vm4, $0x1, v34  }
0x1b1: {  	p1 =	slt.u32 s23, $0x798;
	v13 =	vadd.s32 v13, v3;
	v6 =	vadd.s32 v15, v1;
	v1 =	vld [tilespmem:$0x1FDE0]  }
.Ltmp2:
0x1b2: {  	_ = 	snop;
	(pc) =	sbr.rel @p1 .LBB2_2-.Ltmp2, $4  }
0x1b3: {  	[tilespmem:v61+s19+$0x0] =	vst.idx.msk $0xffff, v33;
	v36 =	vld [tilespmem:$0x1FDC0];
	v55 =	vadd.f32 v47, v45  }
0x1b4: {  	v9 =	vadd.s32 $0xFFFFFFFF, v13;
	vm5 =	vge.f32 v53, v14;
	v3 =	vadd.s32 v21, v5;
	v5 =	vld.idx.msk [tilespmem:v39+s11+$0x0], $0xffff  }
0x1b5: {  	v29 =	vlaneseq.u32;
	v3 =	vadd.s32 v19, v3;
	v12 =	vld.idx.msk [tilespmem:v2+s11+$0x0], $0xffff;
	v0 =	vadd.s32 v16, v0;
	[tilespmem:v56+s19+$0x0] =	vst.idx.msk $0xffff, v55  }
0x1b6: {  	s24 =	sadd.s32 $0x80, s24;
	v10 =	vadd.s32 $0xFFFFFFFF, v3;
	v55 =	vld.idx.msk [tilespmem:v13+s18+$0x0], $0xffff;
	vm4 =	vge.f32 v53, v46;
	v13 =	vsel vm5, $0x1, v34;
	v38 =	vmovc v1  }
0x1b7: {  	_ = 	snop  }
0x1b8: {  	v1 =	vsel vm4, $0x1, v34  }
0x1b9: {  	v6 =	vadd.s32 v63, v6;
	v1 =	vadd.s32 v1, v13;
	vm4 =	vge.f32 v54, v5  }
0x1ba: {  	v1 =	vadd.s32 v62, v1;
	v5 =	vsel vm4, $0x1, v34;
	vm4 =	vgt.s32 v9, $0x0  }
0x1bb: {  	v3 =	vld.idx.msk [tilespmem:v3+s18+$0x0], $0xffff;
	vm5 =	vge.f32 v54, v12;
	v9 =	vnsel vm4, $0x0, v9  }
0x1bc: {  	v61 =	vadd.s32 $0xFFFFFFFF, v0;
	v63 =	vld.idx.msk [tilespmem:v0+s18+$0x0], $0xffff;
	v12 =	vsel vm5, $0x1, v34;
	vm5 =	vgt.s32 v10, $0x0  }
0x1bd: {  	v24 =	vld.idx.msk [tilespmem:v11+s18+$0x0], $0xffff;
	vm4 =	vgt.s32 v61, $0x0;
	v10 =	vnsel vm5, $0x0, v10  }
0x1be: {  	v14 =	vadd.s32 $0xFFFFFFFF, v6;
	v25 =	vnsel vm4, $0x0, v61;
	v6 =	vld.idx.msk [tilespmem:v6+s18+$0x0], $0xffff  }
0x1bf: {  	v62 =	vadd.s32 $0xFFFFFFFF, v11;
	v26 =	vadd.s32 $0xFFFFFFFF, v1;
	v1 =	vld.idx.msk [tilespmem:v1+s18+$0x0], $0xffff  }
0x1c0: {  	vm5 =	vgt.s32 v62, $0x0;
	v16 =	vld.idx.msk [tilespmem:v9+s11+$0x0], $0xffff  }
0x1c1: {  	v5 =	vadd.s32 v12, v5;
	vm4 =	vgt.s32 v14, $0x0;
	v12 =	vnsel vm5, $0x0, v62;
	v33 =	vld.idx.msk [tilespmem:v9+s16+$0x0], $0xffff  }
0x1c2: {  	v2 =	vadd.s32 v2, v5;
	vm5 =	vgt.s32 v26, $0x0;
	v14 =	vnsel vm4, $0x0, v14;
	v17 =	vld.idx.msk [tilespmem:v10+s11+$0x0], $0xffff  }
0x1c3: {  	v15 =	vadd.s32 $0xFFFFFFFF, v2;
	v13 =	vnsel vm5, $0x0, v26;
	v18 =	vld.idx.msk [tilespmem:v25+s11+$0x0], $0xffff  }
0x1c4: {  	[tilespmem:v36+s19+$0x0] =	vst.idx.msk $0xffff, v4;
	vm4 =	vgt.s32 v15, $0x0;
	v36 =	vld.idx.msk [tilespmem:v10+s16+$0x0], $0xffff  }
0x1c5: {  	v15 =	vnsel vm4, $0x0, v15;
	v45 =	vld.idx.msk [tilespmem:v25+s16+$0x0], $0xffff  }
0x1c6: {  	v19 =	vld.idx.msk [tilespmem:v12+s11+$0x0], $0xffff  }
0x1c7: {  	v20 =	vld.idx.msk [tilespmem:v14+s11+$0x0], $0xffff  }
0x1c8: {  	[tilespmem:v32+s19+$0x0] =	vst.idx.msk $0xffff, v8;
	v32 =	vadd.f32 v59, v57;
	v21 =	vld.idx.msk [tilespmem:v13+s11+$0x0], $0xffff  }
0x1c9: {  	[tilespmem:v35+s19+$0x0] =	vst.idx.msk $0xffff, v7;
	v35 =	vadd.f32 v60, v58;
	v2 =	vld.idx.msk [tilespmem:v2+s18+$0x0], $0xffff;
	v39 =	vsub.f32 v50, v16  }
0x1ca: {  	[tilespmem:v31+s19+$0x0] =	vst.idx.msk $0xffff, v32;
	v22 =	vld.idx.msk [tilespmem:v15+s11+$0x0], $0xffff;
	v46 =	vsub.f32 v48, v17  }
0x1cb: {  	[tilespmem:v30+s19+$0x0] =	vst.idx.msk $0xffff, v35;
	v47 =	vld.idx.msk [tilespmem:v12+s16+$0x0], $0xffff;
	v48 =	vsub.f32 v49, v18;
	v10 =	vmul.f32 v39, v55  }
0x1cc: {  	v14 =	vld.idx.msk [tilespmem:v14+s16+$0x0], $0xffff;
	v49 =	vsub.f32 v51, v19;
	v50 =	vsub.f32 v52, v20;
	v3 =	vmul.f32 v46, v3  }
0x1cd: {  	v51 =	vld.idx.msk [tilespmem:v13+s16+$0x0], $0xffff;
	v52 =	vsub.f32 v53, v21;
	v0 =	vmul.f32 v48, v63;
	v8 =	vadd.f32 v10, v33  }
0x1ce: {  	v53 =	vld.idx.msk [tilespmem:v15+s16+$0x0], $0xffff;
	v11 =	vmul.f32 v49, v24;
	v6 =	vmul.f32 v50, v6;
	v3 =	vadd.f32 v3, v36  }
0x1cf: {  	v55 =	vsub.f32 v54, v22;
	v0 =	vadd.f32 v0, v45;
	[tilespmem:v40+s19+$0x0] =	vst.idx.msk $0xffff, v8  }
0x1d0: {  	v1 =	vmul.f32 v52, v1;
	v56 =	vadd.f32 v11, v47;
	[tilespmem:v38+s19+$0x0] =	vst.idx.msk $0xffff, v3  }
0x1d1: {  	v58 =	vor.u32 $0x7A00, v29;
	v57 =	vadd.f32 v6, v14;
	v2 =	vmul.f32 v55, v2;
	[tilespmem:v42+s19+$0x0] =	vst.idx.msk $0xffff, v0  }
0x1d2: {  	v1 =	vadd.f32 v1, v51;
	[tilespmem:v41+s19+$0x0] =	vst.idx.msk $0xffff, v56  }
0x1d3: {  	[tilespmem:v43+s19+$0x0] =	vst.idx.msk $0xffff, v57;
	v2 =	vadd.f32 v2, v53  }
0x1d4: {  	[tilespmem:v44+s19+$0x0] =	vst.idx.msk $0xffff, v1  }
0x1d5: {  	[tilespmem:v37+s19+$0x0] =	vst.idx.msk $0xffff, v2  }
0x1d6: {  	v1 =	vld.idx.msk [tilespmem:v58+s5+$0x0], $0xffff;
	_ =	sdelay $0x4  }
0x1d7: {  	v59 =	vadd.f32 $5.000000000e+00, v1;
	_ =	sdelay $0x1  }
0x1d8: {  	v2 =	vmul.f32 $9.899999610e+00, v59;
	_ =	sdelay $0x1  }
0x1d9: {  	v2 =	vmax.f32 v2, $0.0e+00  }
0x1da: {  	v2 =	vmin.f32 v2, $9.900000000e+01  }
0x1db: {  	v2 =	vtrunc.f32 v2  }
0x1dc: {  	v2 =	vcvt.f32.s32 v2;
	_ =	sdelay $0x1  }
0x1dd: {  	vm4 =	vlt.s32 v2, $0x63  }
0x1de: {  	v2 =	vnsel vm4, $0x63, v2  }
0x1df: {  	v60 =	vadd.s32 $0x1, v2;
	_ =	sdelay $0x3  }
0x1e0: {  	v4 =	vld.idx.msk [tilespmem:v2+s11+$0x0], $0xffff  }
0x1e1: {  	v3 =	vld.idx.msk [tilespmem:v60+s11+$0x0], $0xffff;
	_ =	sdelay $0x4  }
0x1e2: {  	vm4 =	vge.f32 v1, v4;
	vm5 =	vge.f32 v1, v3  }
0x1e3: {  	v61 =	vsel vm4, $0x1, v34;
	v62 =	vsel vm5, $0x1, v34  }
0x1e4: {  	v3 =	vadd.s32 v61, v62  }
0x1e5: {  	v2 =	vadd.s32 v2, v3  }
0x1e6: {  	v3 =	vadd.s32 $0xFFFFFFFF, v2  }
0x1e7: {  	vm4 =	vgt.s32 v3, $0x0  }
0x1e8: {  	v3 =	vnsel vm4, $0x0, v3;
	_ =	sdelay $0x4  }
0x1e9: {  	v63 =	vld.idx.msk [tilespmem:v3+s11+$0x0], $0xffff;
	_ =	sdelay $0x1  }
0x1ea: {  	v2 =	vld.idx.msk [tilespmem:v2+s18+$0x0], $0xffff;
	_ =	sdelay $0x1  }
0x1eb: {  	v3 =	vld.idx.msk [tilespmem:v3+s16+$0x0], $0xffff  }
0x1ec: {  	v1 =	vsub.f32 v1, v63;
	_ =	sdelay $0x1  }
.Ltmp3:
0x1ed: {  	v1 =	vmul.f32 v1, v2;
	(pc) =	sbr.rel @p0 .LBB2_5-.Ltmp3, $3  }
0x1ee: {  	_ = 	snop  }
0x1ef: {  	v1 =	vadd.f32 v1, v3;
	_ =	sdelay $0x1  }
0x1f0: {  	[tilespmem:v58+s19+$0x0] =	vst.idx.msk $0xffff, v1  }
0x1f1: {  	v0 =	vor.u32 $0x7A10, v29  }
0x1f2: {  	[tilespmem:s20], [sflag:$0x2] =	stream.linear.gather [hbm4b:s7+s5], $0x40, $0x38;
	[tilespmem:$0xF6E0] =	vst v63  }
0x1f3: {  	_ =	swait.ge [sflag:s12], $0x40  }
0x1f4: {  	[sflag:s12] =	ssyncset.done $0x0  }
0x1f5: {  	[sflag:s12] =	ssyncadd.s32 $0xFFFFFFC0  }
0x1f6: {  	v1 =	vld.idx.msk [tilespmem:v0+s5+$0x0], $0xffff;
	_ =	sdelay $0x4  }
0x1f7: {  	v2 =	vadd.f32 $5.000000000e+00, v1;
	_ =	sdelay $0x1  }
0x1f8: {  	v2 =	vmul.f32 $9.899999610e+00, v2;
	_ =	sdelay $0x1  }
0x1f9: {  	v2 =	vmax.f32 v2, $0.0e+00  }
0x1fa: {  	v2 =	vmin.f32 v2, $9.900000000e+01  }
0x1fb: {  	v2 =	vtrunc.f32 v2  }
0x1fc: {  	v2 =	vcvt.f32.s32 v2;
	_ =	sdelay $0x1  }
0x1fd: {  	vm4 =	vlt.s32 v2, $0x63  }
0x1fe: {  	v2 =	vnsel vm4, $0x63, v2  }
0x1ff: {  	v3 =	vadd.s32 $0x1, v2;
	_ =	sdelay $0x3  }
0x200: {  	v4 =	vld.idx.msk [tilespmem:v2+s11+$0x0], $0xffff  }
0x201: {  	v3 =	vld.idx.msk [tilespmem:v3+s11+$0x0], $0xffff;
	_ =	sdelay $0x4  }
0x202: {  	vm4 =	vge.f32 v1, v4;
	vm5 =	vge.f32 v1, v3  }
0x203: {  	v40 =	vsel vm4, $0x1, v34;
	v41 =	vsel vm5, $0x1, v34  }
0x204: {  	v3 =	vadd.s32 v40, v41  }
0x205: {  	v2 =	vadd.s32 v2, v3  }
0x206: {  	v3 =	vadd.s32 $0xFFFFFFFF, v2  }
0x207: {  	vm4 =	vgt.s32 v3, $0x0  }
0x208: {  	v3 =	vnsel vm4, $0x0, v3;
	_ =	sdelay $0x4  }
0x209: {  	v42 =	vld.idx.msk [tilespmem:v3+s11+$0x0], $0xffff;
	_ =	sdelay $0x1  }
0x20a: {  	v2 =	vld.idx.msk [tilespmem:v2+s18+$0x0], $0xffff;
	_ =	sdelay $0x1  }
0x20b: {  	v3 =	vld.idx.msk [tilespmem:v3+s16+$0x0], $0xffff  }
0x20c: {  	v1 =	vsub.f32 v1, v42;
	_ =	sdelay $0x1  }
0x20d: {  	v43 =	vor.u32 $0x7A20, v29;
	v1 =	vmul.f32 v1, v2;
	_ =	sdelay $0x1  }
0x20e: {  	v1 =	vadd.f32 v1, v3;
	_ =	sdelay $0x1  }
0x20f: {  	[tilespmem:v0+s19+$0x0] =	vst.idx.msk $0xffff, v1  }
0x210: {  	v0 =	vld.idx.msk [tilespmem:v43+s5+$0x0], $0xffff;
	_ =	sdelay $0x4  }
0x211: {  	v44 =	vadd.f32 $5.000000000e+00, v0;
	_ =	sdelay $0x1  }
0x212: {  	v1 =	vmul.f32 $9.899999610e+00, v44;
	_ =	sdelay $0x1  }
0x213: {  	v1 =	vmax.f32 v1, $0.0e+00  }
0x214: {  	v1 =	vmin.f32 v1, $9.900000000e+01  }
0x215: {  	v1 =	vtrunc.f32 v1  }
0x216: {  	v1 =	vcvt.f32.s32 v1;
	_ =	sdelay $0x1  }
0x217: {  	vm4 =	vlt.s32 v1, $0x63  }
0x218: {  	v1 =	vnsel vm4, $0x63, v1  }
0x219: {  	v45 =	vadd.s32 $0x1, v1;
	_ =	sdelay $0x3  }
0x21a: {  	v46 =	vld.idx.msk [tilespmem:v1+s11+$0x0], $0xffff  }
0x21b: {  	v3 =	vld.idx.msk [tilespmem:v45+s11+$0x0], $0xffff;
	_ =	sdelay $0x4  }
0x21c: {  	vm4 =	vge.f32 v0, v46;
	vm5 =	vge.f32 v0, v3  }
0x21d: {  	v47 =	vsel vm4, $0x1, v34;
	v48 =	vsel vm5, $0x1, v34  }
0x21e: {  	v3 =	vadd.s32 v47, v48  }
0x21f: {  	v1 =	vadd.s32 v1, v3  }
0x220: {  	v3 =	vadd.s32 $0xFFFFFFFF, v1  }
0x221: {  	vm4 =	vgt.s32 v3, $0x0  }
0x222: {  	v3 =	vnsel vm4, $0x0, v3;
	_ =	sdelay $0x4  }
0x223: {  	v49 =	vld.idx.msk [tilespmem:v3+s11+$0x0], $0xffff;
	_ =	sdelay $0x1  }
0x224: {  	v1 =	vld.idx.msk [tilespmem:v1+s18+$0x0], $0xffff;
	_ =	sdelay $0x1  }
0x225: {  	v3 =	vld.idx.msk [tilespmem:v3+s16+$0x0], $0xffff  }
0x226: {  	v0 =	vsub.f32 v0, v49;
	_ =	sdelay $0x1  }
0x227: {  	v50 =	vor.u32 $0x7A30, v29;
	v0 =	vmul.f32 v0, v1;
	_ =	sdelay $0x1  }
0x228: {  	v0 =	vadd.f32 v0, v3;
	_ =	sdelay $0x1  }
0x229: {  	[tilespmem:v43+s19+$0x0] =	vst.idx.msk $0xffff, v0  }
0x22a: {  	v0 =	vld.idx.msk [tilespmem:v50+s5+$0x0], $0xffff;
	_ =	sdelay $0x4  }
0x22b: {  	v51 =	vadd.f32 $5.000000000e+00, v0;
	_ =	sdelay $0x1  }
0x22c: {  	v2 =	vmul.f32 $9.899999610e+00, v51;
	_ =	sdelay $0x1  }
0x22d: {  	v2 =	vmax.f32 v2, $0.0e+00  }
0x22e: {  	v2 =	vmin.f32 v2, $9.900000000e+01  }
0x22f: {  	v2 =	vtrunc.f32 v2  }
0x230: {  	v2 =	vcvt.f32.s32 v2;
	_ =	sdelay $0x1  }
0x231: {  	vm4 =	vlt.s32 v2, $0x63  }
0x232: {  	v2 =	vnsel vm4, $0x63, v2  }
0x233: {  	v52 =	vadd.s32 $0x1, v2;
	_ =	sdelay $0x3  }
0x234: {  	v53 =	vld.idx.msk [tilespmem:v2+s11+$0x0], $0xffff  }
0x235: {  	v3 =	vld.idx.msk [tilespmem:v52+s11+$0x0], $0xffff;
	_ =	sdelay $0x4  }
0x236: {  	vm4 =	vge.f32 v0, v53;
	vm5 =	vge.f32 v0, v3  }
0x237: {  	v54 =	vsel vm4, $0x1, v34;
	v55 =	vsel vm5, $0x1, v34  }
0x238: {  	v3 =	vadd.s32 v54, v55  }
0x239: {  	v2 =	vadd.s32 v2, v3  }
0x23a: {  	v3 =	vadd.s32 $0xFFFFFFFF, v2  }
0x23b: {  	vm4 =	vgt.s32 v3, $0x0  }
0x23c: {  	v3 =	vnsel vm4, $0x0, v3;
	_ =	sdelay $0x4  }
0x23d: {  	v56 =	vld.idx.msk [tilespmem:v3+s11+$0x0], $0xffff;
	_ =	sdelay $0x1  }
0x23e: {  	v2 =	vld.idx.msk [tilespmem:v2+s18+$0x0], $0xffff;
	_ =	sdelay $0x1  }
0x23f: {  	v3 =	vld.idx.msk [tilespmem:v3+s16+$0x0], $0xffff  }
0x240: {  	v0 =	vsub.f32 v0, v56;
	_ =	sdelay $0x1  }
0x241: {  	v57 =	vor.u32 $0x7A40, v29;
	v0 =	vmul.f32 v0, v2;
	_ =	sdelay $0x1  }
0x242: {  	v0 =	vadd.f32 v0, v3;
	_ =	sdelay $0x1  }
0x243: {  	[tilespmem:v50+s19+$0x0] =	vst.idx.msk $0xffff, v0  }
0x244: {  	v0 =	vld.idx.msk [tilespmem:v57+s5+$0x0], $0xffff;
	_ =	sdelay $0x4  }
0x245: {  	v58 =	vadd.f32 $5.000000000e+00, v0;
	_ =	sdelay $0x1  }
0x246: {  	v1 =	vmul.f32 $9.899999610e+00, v58;
	_ =	sdelay $0x1  }
0x247: {  	v1 =	vmax.f32 v1, $0.0e+00  }
0x248: {  	v1 =	vmin.f32 v1, $9.900000000e+01  }
0x249: {  	v1 =	vtrunc.f32 v1  }
0x24a: {  	v1 =	vcvt.f32.s32 v1;
	_ =	sdelay $0x1  }
0x24b: {  	vm4 =	vlt.s32 v1, $0x63  }
0x24c: {  	v1 =	vnsel vm4, $0x63, v1  }
0x24d: {  	v59 =	vadd.s32 $0x1, v1;
	_ =	sdelay $0x3  }
0x24e: {  	v60 =	vld.idx.msk [tilespmem:v1+s11+$0x0], $0xffff  }
0x24f: {  	v3 =	vld.idx.msk [tilespmem:v59+s11+$0x0], $0xffff;
	_ =	sdelay $0x4  }
0x250: {  	vm4 =	vge.f32 v0, v60;
	vm5 =	vge.f32 v0, v3  }
0x251: {  	v61 =	vsel vm4, $0x1, v34;
	v62 =	vsel vm5, $0x1, v34  }
0x252: {  	v3 =	vadd.s32 v61, v62  }
0x253: {  	v1 =	vadd.s32 v1, v3  }
0x254: {  	v3 =	vadd.s32 $0xFFFFFFFF, v1  }
0x255: {  	vm4 =	vgt.s32 v3, $0x0  }
0x256: {  	v3 =	vnsel vm4, $0x0, v3;
	_ =	sdelay $0x4  }
0x257: {  	v63 =	vld.idx.msk [tilespmem:v3+s11+$0x0], $0xffff;
	_ =	sdelay $0x1  }
0x258: {  	v1 =	vld.idx.msk [tilespmem:v1+s18+$0x0], $0xffff;
	_ =	sdelay $0x1  }
0x259: {  	v3 =	vld.idx.msk [tilespmem:v3+s16+$0x0], $0xffff  }
0x25a: {  	v0 =	vsub.f32 v0, v63;
	_ =	sdelay $0x1  }
0x25b: {  	v0 =	vmul.f32 v0, v1;
	_ =	sdelay $0x1  }
0x25c: {  	v0 =	vadd.f32 v0, v3;
	_ =	sdelay $0x1  }
.Ltmp4:
0x25d: {  	[tilespmem:v57+s19+$0x0] =	vst.idx.msk $0xffff, v0;
	(pc) =	sbr.rel .LBB2_5-.Ltmp4, $4  }
0x25e: {  	[hbm4b:s8+s5] =	stream.linear.scatter [tilespmem:s21], [sflag:$0x2], $0x40, $0x38;
	[tilespmem:$0xF6E0] =	vst v63  }
0x25f: {  	_ =	swait.ge [sflag:s12], $0x40  }
0x260: {  	[sflag:s12] =	ssyncset.done $0x0  }
0x261: {  	[sflag:s12] =	ssyncadd.s32 $0xFFFFFFC0  }
.LBB2_6:
0x262: {  	_ =	sfence.sel $0x180000  }
0x263: {  	[bflag:$0x0] =	sbarrier.arrive $0xFFFF  }
0x264: {  	p0 =	sne.s32 s3, $0x0;
	_ =	strace $0x90000047  }
0x265: {  	s0 =	sadd.s32 @!p0 $0x100000, s4;
	[bflag:$0x2] =	sbarrier.arrive $0xFFFF  }
0x266: {  	[sflag:s0] =	ssyncadd.tile.s32 @!p0 $0x1;
	_ =	shalt  }
.Lfunc_end2:
_tile_overlayer_lowered:
.L_overlay_start_2:
0x267: {  	(tag) =	ssettag $0x2  }
0x268: {  	s0 =	rddreg [dreg:$0x0];
	s2 =	stileid.u32  }
0x269: {  	s1 =	rddreg [dreg:$0x1];
	p0 =	sne.s32 s2, $0x0  }
0x26a: {  	s3 =	rddreg [dreg:$0x2];
	[bflag:$0x3] =	sbarrier.arrive $0xFFFF;
	s2 =	simm.s32 @!p0 $0x1C02  }
0x26b: {  	[timem:s3], [sflag:s2] =	dma.local @!p0 [hbm:s0], s1  }
0x26c: {  	s0 =	simm.s32 @!p0 $0x2  }
0x26d: {  	_ =	swait.ge @!p0 [sflag:s0], s1  }
0x26e: {  	s1 =	ssub.s32 @!p0 $0x0, s1;
	[sflag:s0] =	ssyncset.done @!p0 $0x0  }
0x26f: {  	[sflag:s0] =	ssyncadd.s32 @!p0 s1  }
0x270: {  	[bflag:$0x3] =	sbarrier.arrive $0xFFFF  }
0x271: {  	_ =	shalt  }

</sc_bundles>
